<compile_context>
chip_gen: v7x
topology: tpu7x:2x2x1
jax: 0.10.2.dev20260603
libtpu: 0.0.44.dev20260713+nightly
codegen_flags: <defaults>
</compile_context>

<pallas_src>
import functools

import numpy as np
import jax
import jax.numpy as jnp
from jax import lax
from jax.experimental import pallas as pl
from jax.experimental.pallas import tpu as pltpu
from jax.experimental.pallas import tpu_sc as plsc

_N = 10000
_E = 320000
_D = 128
_AW = 16
_NC = 2
_NS = 16
_NW = _NC * _NS
_EW = _E // _NW
_K = 80
_NCHUNK = _EW // _K
_NP = 10240
_RPT = _NP // _NS


def _expand_att(att, heads, ch):
  a = att.reshape(heads, ch).astype(jnp.float32)
  m = (jnp.eye(heads, dtype=jnp.float32)[:, None, :] * a[:, :, None])
  m = m.reshape(heads * ch, heads)
  return jnp.pad(m, ((0, 0), (0, _AW - heads)))


def _expand_mat(head_map):
  e = np.zeros((_AW, _D), np.float32)
  for j, h in enumerate(head_map):
    e[h, 16 * j:16 * (j + 1)] = 1.0
  return jnp.asarray(e)



@functools.partial(
    pl.pallas_call,
    out_shape=[
        jax.ShapeDtypeStruct((_N, _D), jnp.float32),
        jax.ShapeDtypeStruct((_N, _AW), jnp.float32),
        jax.ShapeDtypeStruct((_N, _AW), jnp.float32),
    ])
def _dense_in(x_ref, w_ref, as_ref, ad_ref, h_ref, sv_ref, dv_ref):
  h = jnp.dot(x_ref[...], w_ref[...], preferred_element_type=jnp.float32)
  h_ref[...] = h
  sv_ref[...] = jnp.dot(h, as_ref[...], preferred_element_type=jnp.float32)
  dv_ref[...] = jnp.dot(h, ad_ref[...], preferred_element_type=jnp.float32)


@functools.partial(
    pl.pallas_call,
    out_shape=[
        jax.ShapeDtypeStruct((_N, _D), jnp.float32),
        jax.ShapeDtypeStruct((_N, _AW), jnp.float32),
        jax.ShapeDtypeStruct((_N, _AW), jnp.float32),
    ])
def _dense_mid(p_ref, d_ref, e_ref, b_ref, w2_ref, as2_ref, ad2_ref,
               h2_ref, sv_ref, dv_ref):
  acc = p_ref[0, :_N] + p_ref[1, :_N]
  den = jnp.dot(d_ref[0, :_N] + d_ref[1, :_N], e_ref[...],
                preferred_element_type=jnp.float32)
  z = acc / (den + 1e-16) + b_ref[...]
  z = jnp.where(z > 0.0, z, jnp.exp(z) - 1.0)
  h2 = jnp.dot(z, w2_ref[...], preferred_element_type=jnp.float32)
  h2_ref[...] = h2
  sv_ref[...] = jnp.dot(h2, as2_ref[...], preferred_element_type=jnp.float32)
  dv_ref[...] = jnp.dot(h2, ad2_ref[...], preferred_element_type=jnp.float32)


@functools.partial(
    pl.pallas_call,
    out_shape=jax.ShapeDtypeStruct((_N, _D), jnp.float32))
def _dense_out(p_ref, d_ref, e_ref, b_ref, o_ref):
  acc = p_ref[0, :_N] + p_ref[1, :_N]
  den = jnp.dot(d_ref[0, :_N] + d_ref[1, :_N], e_ref[...],
                preferred_element_type=jnp.float32)
  z = acc / (den + 1e-16) + b_ref[...]
  o_ref[...] = jnp.where(z > 0.0, z, jnp.exp(z) - 1.0)



def _make_edge_pass(head_map):
  hm = tuple(head_map)
  mesh = plsc.VectorSubcoreMesh(
      core_axis_name="c", subcore_axis_name="s",
      num_cores=_NC, num_subcores=_NS)

  @functools.partial(
      pl.kernel,
      out_type=[
          jax.ShapeDtypeStruct((_NC, _NP, _D), jnp.float32),
          jax.ShapeDtypeStruct((_NC, _NP, _AW), jnp.float32),
      ],
      mesh=mesh,
      compiler_params=pltpu.CompilerParams(use_tc_tiling_on_sc=False),
      scratch_types=[
          pltpu.VMEM((_K,), jnp.int32),
          pltpu.VMEM((_K,), jnp.int32),
          pltpu.VMEM((_K, _D), jnp.float32),
          pltpu.VMEM((_K, _AW), jnp.float32),
          pltpu.VMEM((_K, _AW), jnp.float32),
          pltpu.VMEM((_K,), jnp.int32),
          pltpu.VMEM((_K,), jnp.int32),
          pltpu.VMEM((_K, _D), jnp.float32),
          pltpu.VMEM((_K, _AW), jnp.float32),
          pltpu.VMEM((_K, _AW), jnp.float32),
          pltpu.VMEM_SHARED((_NP, _D), jnp.float32),
          pltpu.VMEM_SHARED((_NP, _AW), jnp.float32),
          pltpu.SemaphoreType.DMA,
          pltpu.SemaphoreType.DMA,
          pltpu.SemaphoreType.DMA,
          pltpu.SemaphoreType.DMA,
      ])
  def edge_pass(h_hbm, as_hbm, ad_hbm, src_hbm, dst_hbm, zr_hbm, zd_hbm,
                accp_hbm, denp_hbm,
                srcv0, dstv0, rows0, ag0, wg0,
                srcv1, dstv1, rows1, ag1, wg1,
                acc_sh, den_sh, semg0, semg1, sems0, sems1):
    cid = lax.axis_index("c")
    sid = lax.axis_index("s")
    wid = sid * _NC + cid

    rsl = pl.ds(sid * _RPT, _RPT)
    pltpu.sync_copy(zr_hbm, acc_sh.at[rsl])
    pltpu.sync_copy(zd_hbm, den_sh.at[rsl])
    plsc.subcore_barrier()

    ebase = wid * _EW
    buf0 = (srcv0, dstv0, rows0, ag0, wg0, semg0, sems0)
    buf1 = (srcv1, dstv1, rows1, ag1, wg1, semg1, sems1)

    def issue_gathers(ci, b):
      srcv, dstv, rows, ag, wg, semg, _ = b
      base = ebase + ci * _K
      pltpu.sync_copy(src_hbm.at[pl.ds(base, _K)], srcv)
      pltpu.sync_copy(dst_hbm.at[pl.ds(base, _K)], dstv)
      pltpu.async_copy(h_hbm.at[srcv], rows, semg)
      pltpu.async_copy(as_hbm.at[srcv], ag, semg)
      pltpu.async_copy(ad_hbm.at[dstv], wg, semg)

    def wait_gathers(b):
      srcv, dstv, rows, ag, wg, semg, _ = b
      pltpu.make_async_copy(h_hbm.at[srcv], rows, semg).wait()
      pltpu.make_async_copy(as_hbm.at[srcv], ag, semg).wait()
      pltpu.make_async_copy(ad_hbm.at[dstv], wg, semg).wait()

    def compute(b):
      srcv, dstv, rows, ag, wg, _, _ = b
      def body(k, c):
        v = ag[k, :] + wg[k, :]
        v = jnp.where(v > 0.0, v, v * jnp.float32(0.2))
        v = jnp.exp(v)
        wg[k, :] = v
        for j in range(_D // 16):
          sl = pl.ds(16 * j, 16)
          rows[k, sl] = rows[k, sl] * v[hm[j]]
        return c
      lax.fori_loop(0, _K, body, 0)

    def issue_scatters(b):
      srcv, dstv, rows, ag, wg, _, sems = b
      pltpu.async_copy(rows, acc_sh.at[dstv], sems, add=True)
      pltpu.async_copy(wg, den_sh.at[dstv], sems, add=True)

    def wait_scatters(b):
      srcv, dstv, rows, ag, wg, _, sems = b
      pltpu.make_async_copy(rows, acc_sh.at[dstv], sems).wait()
      pltpu.make_async_copy(wg, den_sh.at[dstv], sems).wait()

    issue_gathers(0, buf0)

    def pair(t, carry):
      @pl.when(t > 0)
      def _():
        wait_scatters(buf1)
      issue_gathers(2 * t + 1, buf1)
      wait_gathers(buf0)
      compute(buf0)
      issue_scatters(buf0)
      wait_gathers(buf1)
      compute(buf1)
      issue_scatters(buf1)
      wait_scatters(buf0)
      issue_gathers(2 * t + 2, buf0)
      return carry

    lax.fori_loop(0, _NCHUNK // 2, pair, 0)

    wait_scatters(buf1)
    wait_gathers(buf0)
    compute(buf0)
    issue_scatters(buf0)
    wait_scatters(buf0)
    plsc.subcore_barrier()

    pltpu.sync_copy(acc_sh.at[rsl], accp_hbm.at[cid, rsl])
    pltpu.sync_copy(den_sh.at[rsl], denp_hbm.at[cid, rsl])

  return edge_pass


_edge_l1 = _make_edge_pass(tuple(range(8)))
_edge_l2 = _make_edge_pass((0,) * 8)
_E1 = tuple(range(8))
_E2 = (0,) * 8


def kernel(x, edge_index, W1, att_src1, att_dst1, b1,
           W2, att_src2, att_dst2, b2):
  src = edge_index[0]
  dst = edge_index[1]
  as1 = _expand_att(att_src1, 8, 16)
  ad1 = _expand_att(att_dst1, 8, 16)
  as2 = _expand_att(att_src2, 1, 128)
  ad2 = _expand_att(att_dst2, 1, 128)
  e1 = _expand_mat(_E1)
  e2 = _expand_mat(_E2)
  zr = jnp.zeros((_RPT, _D), jnp.float32)
  zd = jnp.zeros((_RPT, _AW), jnp.float32)

  h1, s1, d1 = _dense_in(x, W1, as1, ad1)
  p1, q1 = _edge_l1(h1, s1, d1, src, dst, zr, zd)
  h2, s2, d2 = _dense_mid(p1, q1, e1, b1.reshape(1, _D), W2, as2, ad2)
  p2, q2 = _edge_l2(h2, s2, d2, src, dst, zr, zd)
  return _dense_out(p2, q2, e2, b2.reshape(1, _D))

# --- scband reference (transcript-rebuilt; emitter-appended) ---
"""Pipeline reference for scband-gat-57509612093518 (READ-ONLY COPY).

The authoritative reference and input builder live on the scoring server;
editing this copy changes nothing except your own understanding.
"""

import jax, jax.numpy as jnp
import numpy as np

N = 10000
E = 320000
D = 128
H1, C1 = 8, 16   # layer 1: heads=8, hidden=hidden_dim//8=16, concat -> 128
H2, C2 = 1, 128  # layer 2: heads=1, out=hidden_dim=128


def setup_inputs(seed: int = 0):
    key = jax.random.key(seed)
    ks = jax.random.split(key, 12)
    x = jax.random.normal(ks[0], (N, D), dtype=jnp.float32)
    edge_index = jax.random.randint(ks[1], (2, E), 0, N, dtype=jnp.int32)
    W1 = jax.random.normal(ks[2], (D, H1 * C1), dtype=jnp.float32) * 0.1
    att_src1 = jax.random.normal(ks[3], (1, H1, C1), dtype=jnp.float32) * 0.1
    att_dst1 = jax.random.normal(ks[4], (1, H1, C1), dtype=jnp.float32) * 0.1
    b1 = jnp.zeros((H1 * C1,), dtype=jnp.float32)
    W2 = jax.random.normal(ks[5], (H1 * C1, H2 * C2), dtype=jnp.float32) * 0.1
    att_src2 = jax.random.normal(ks[6], (1, H2, C2), dtype=jnp.float32) * 0.1
    att_dst2 = jax.random.normal(ks[7], (1, H2, C2), dtype=jnp.float32) * 0.1
    b2 = jnp.zeros((H2 * C2,), dtype=jnp.float32)
    return {
        'x': x, 'edge_index': edge_index,
        'W1': W1, 'att_src1': att_src1, 'att_dst1': att_dst1, 'b1': b1,
        'W2': W2, 'att_src2': att_src2, 'att_dst2': att_dst2, 'b2': b2,
    }


def gat_conv(x, edge_index, W, att_s, att_d, b, heads, out_ch):
    # Faithful PyG GATConv (concat=True, negative_slope=0.2, dropout inactive in eval)
    n = x.shape[0]
    src = edge_index[0]
    dst = edge_index[1]
    h = (x @ W).reshape(n, heads, out_ch)                    # [N, H, C]
    a_src = (h * att_s).sum(axis=-1)                          # [N, H]
    a_dst = (h * att_d).sum(axis=-1)                          # [N, H]
    alpha = a_src[src] + a_dst[dst]                           # [E, H] (gather)
    alpha = jax.nn.leaky_relu(alpha, negative_slope=0.2)
    # softmax over incoming edges per destination node
    amax = jax.ops.segment_max(alpha, dst, num_segments=n)    # [N, H]
    amax = jax.lax.stop_gradient(amax)
    ex = jnp.exp(alpha - amax[dst])
    denom = jax.ops.segment_sum(ex, dst, num_segments=n)      # [N, H]
    attn = ex / (denom[dst] + 1e-16)                          # [E, H]
    msg = h[src] * attn[:, :, None]                           # [E, H, C] (gather)
    out = jax.ops.segment_sum(msg, dst, num_segments=n)       # [N, H, C] (scatter-add)
    out = out.reshape(n, heads * out_ch) + b
    return out


def reference(x, edge_index, W1, att_src1, att_dst1, b1, W2, att_src2, att_dst2, b2):
    # eval mode: F.dropout is identity
    z = gat_conv(x, edge_index, W1, att_src1, att_dst1, b1, H1, C1)
    z = jax.nn.elu(z)
    z = gat_conv(z, edge_index, W2, att_src2, att_dst2, b2, H2, C2)
    z = jax.nn.elu(z)
    return z

if __name__ == "__main__":
    import jax
    _d = setup_inputs()
    print(jax.jit(kernel)(*tuple(_d.values())))

</pallas_src>

<mosaic_0001>
#map = affine_map<(d0, d1) -> (0, 0)>
#map1 = affine_map<(d0, d1) -> (0)>
#map2 = affine_map<(d0, d1) -> (0, 0, 0)>
module attributes {stable_mosaic.version = 14 : i64} {
  func.func @edge_pass(%arg0: i32, %arg1: i32, %arg2: memref<10000x128xf32, #tpu.memory_space<hbm>>, %arg3: memref<10000x16xf32, #tpu.memory_space<hbm>>, %arg4: memref<10000x16xf32, #tpu.memory_space<hbm>>, %arg5: memref<320000xi32, #tpu.memory_space<hbm>>, %arg6: memref<320000xi32, #tpu.memory_space<hbm>>, %arg7: memref<640x128xf32, #tpu.memory_space<hbm>>, %arg8: memref<640x16xf32, #tpu.memory_space<hbm>>, %arg9: memref<2x10240x128xf32, #tpu.memory_space<hbm>>, %arg10: memref<2x10240x16xf32, #tpu.memory_space<hbm>>, %arg11: memref<80xi32, #tpu.memory_space<vmem>>, %arg12: memref<80xi32, #tpu.memory_space<vmem>>, %arg13: memref<80x128xf32, #tpu.memory_space<vmem>>, %arg14: memref<80x16xf32, #tpu.memory_space<vmem>>, %arg15: memref<80x16xf32, #tpu.memory_space<vmem>>, %arg16: memref<80xi32, #tpu.memory_space<vmem>>, %arg17: memref<80xi32, #tpu.memory_space<vmem>>, %arg18: memref<80x128xf32, #tpu.memory_space<vmem>>, %arg19: memref<80x16xf32, #tpu.memory_space<vmem>>, %arg20: memref<80x16xf32, #tpu.memory_space<vmem>>, %arg21: memref<10240x128xf32, #tpu.memory_space<vmem_shared>>, %arg22: memref<10240x16xf32, #tpu.memory_space<vmem_shared>>, %arg23: memref<!tpu.dma_semaphore, #tpu.memory_space<semaphore_mem>>, %arg24: memref<!tpu.dma_semaphore, #tpu.memory_space<semaphore_mem>>, %arg25: memref<!tpu.dma_semaphore, #tpu.memory_space<semaphore_mem>>, %arg26: memref<!tpu.dma_semaphore, #tpu.memory_space<semaphore_mem>>) attributes {dimension_semantics = [#tpu.dimension_semantics<core_parallel>, #tpu.dimension_semantics<subcore_parallel>], iteration_bounds = array<i64: 2, 16>, scalar_prefetch = 0 : i64, scratch_operands = 16 : i64, tpu.core_type = #tpu.core_type<sc_vector_subcore>, window_params = [{transform_indices = #map}, {transform_indices = #map}, {transform_indices = #map}, {transform_indices = #map1}, {transform_indices = #map1}, {transform_indices = #map}, {transform_indices = #map}, {transform_indices = #map2}, {transform_indices = #map2}]} {
    %mul3A = arith.constant 2 : i32
    %mul3A_0 = arith.muli %arg1, %mul3A : i32
    %add3A = arith.addi %mul3A_0, %arg0 : i32
    %mul3A_1 = arith.constant 640 : i32
    %mul3A_2 = arith.muli %arg1, %mul3A_1 : i32
    "tpu.region"() ({
      %run_scoped3A = tpu.sem_alloc : memref<!tpu.dma_semaphore, #tpu.memory_space<semaphore_mem>>
      %dma_start3A_53 = arith.constant 0 : i32
      %dma_start3A_54 = tpu.memref_slice %arg21[%mul3A_2, %dma_start3A_53] : memref<10240x128xf32, #tpu.memory_space<vmem_shared>> -> memref<640x128xf32, #tpu.memory_space<vmem_shared>>
      tpu.enqueue_dma source(%arg7 : memref<640x128xf32, #tpu.memory_space<hbm>>) target(%dma_start3A_54 : memref<640x128xf32, #tpu.memory_space<vmem_shared>>) target_semaphore(%run_scoped3A : memref<!tpu.dma_semaphore, #tpu.memory_space<semaphore_mem>>)
      %dma_wait3A_55 = arith.constant 0 : i32
      %dma_wait3A_56 = tpu.memref_slice %arg21[%mul3A_2, %dma_wait3A_55] : memref<10240x128xf32, #tpu.memory_space<vmem_shared>> -> memref<640x128xf32, #tpu.memory_space<vmem_shared>>
      tpu.wait_dma2 semaphore(%run_scoped3A : memref<!tpu.dma_semaphore, #tpu.memory_space<semaphore_mem>>) src(%arg7 : memref<640x128xf32, #tpu.memory_space<hbm>>) dst(%dma_wait3A_56 : memref<640x128xf32, #tpu.memory_space<vmem_shared>>)
      tpu.yield
    }) : () -> ()
    "tpu.region"() ({
      %run_scoped3A = tpu.sem_alloc : memref<!tpu.dma_semaphore, #tpu.memory_space<semaphore_mem>>
      %dma_start3A_53 = arith.constant 0 : i32
      %dma_start3A_54 = tpu.memref_slice %arg22[%mul3A_2, %dma_start3A_53] : memref<10240x16xf32, #tpu.memory_space<vmem_shared>> -> memref<640x16xf32, #tpu.memory_space<vmem_shared>>
      tpu.enqueue_dma source(%arg8 : memref<640x16xf32, #tpu.memory_space<hbm>>) target(%dma_start3A_54 : memref<640x16xf32, #tpu.memory_space<vmem_shared>>) target_semaphore(%run_scoped3A : memref<!tpu.dma_semaphore, #tpu.memory_space<semaphore_mem>>)
      %dma_wait3A_55 = arith.constant 0 : i32
      %dma_wait3A_56 = tpu.memref_slice %arg22[%mul3A_2, %dma_wait3A_55] : memref<10240x16xf32, #tpu.memory_space<vmem_shared>> -> memref<640x16xf32, #tpu.memory_space<vmem_shared>>
      tpu.wait_dma2 semaphore(%run_scoped3A : memref<!tpu.dma_semaphore, #tpu.memory_space<semaphore_mem>>) src(%arg8 : memref<640x16xf32, #tpu.memory_space<hbm>>) dst(%dma_wait3A_56 : memref<640x16xf32, #tpu.memory_space<vmem_shared>>)
      tpu.yield
    }) : () -> ()
    %barrier3A = arith.constant 0 : index
    tpu.barrier barrier_id(%barrier3A)
    %mul3A_3 = arith.constant 10000 : i32
    %mul3A_4 = arith.muli %add3A, %mul3A_3 : i32
    %add3A_5 = arith.constant 0 : i32
    %add3A_6 = arith.addi %mul3A_4, %add3A_5 : i32
    "tpu.region"() ({
      %run_scoped3A = tpu.sem_alloc : memref<!tpu.dma_semaphore, #tpu.memory_space<semaphore_mem>>
      %dma_start3A_53 = tpu.memref_slice %arg5[%add3A_6] : memref<320000xi32, #tpu.memory_space<hbm>> -> memref<80xi32, #tpu.memory_space<hbm>>
      %dma_start3A_54 = tpu.memref_slice %arg5[%add3A_6] : memref<320000xi32, #tpu.memory_space<hbm>> -> memref<80xi32, #tpu.memory_space<hbm>>
      tpu.enqueue_dma source(%dma_start3A_54 : memref<80xi32, #tpu.memory_space<hbm>>) target(%arg11 : memref<80xi32, #tpu.memory_space<vmem>>) target_semaphore(%run_scoped3A : memref<!tpu.dma_semaphore, #tpu.memory_space<semaphore_mem>>)
      %dma_wait3A_55 = tpu.memref_slice %arg5[%add3A_6] : memref<320000xi32, #tpu.memory_space<hbm>> -> memref<80xi32, #tpu.memory_space<hbm>>
      %dma_wait3A_56 = tpu.memref_slice %arg5[%add3A_6] : memref<320000xi32, #tpu.memory_space<hbm>> -> memref<80xi32, #tpu.memory_space<hbm>>
      tpu.wait_dma2 semaphore(%run_scoped3A : memref<!tpu.dma_semaphore, #tpu.memory_space<semaphore_mem>>) src(%dma_wait3A_56 : memref<80xi32, #tpu.memory_space<hbm>>) dst(%arg11 : memref<80xi32, #tpu.memory_space<vmem>>)
      tpu.yield
    }) : () -> ()
    "tpu.region"() ({
      %run_scoped3A = tpu.sem_alloc : memref<!tpu.dma_semaphore, #tpu.memory_space<semaphore_mem>>
      %dma_start3A_53 = tpu.memref_slice %arg6[%add3A_6] : memref<320000xi32, #tpu.memory_space<hbm>> -> memref<80xi32, #tpu.memory_space<hbm>>
      %dma_start3A_54 = tpu.memref_slice %arg6[%add3A_6] : memref<320000xi32, #tpu.memory_space<hbm>> -> memref<80xi32, #tpu.memory_space<hbm>>
      tpu.enqueue_dma source(%dma_start3A_54 : memref<80xi32, #tpu.memory_space<hbm>>) target(%arg12 : memref<80xi32, #tpu.memory_space<vmem>>) target_semaphore(%run_scoped3A : memref<!tpu.dma_semaphore, #tpu.memory_space<semaphore_mem>>)
      %dma_wait3A_55 = tpu.memref_slice %arg6[%add3A_6] : memref<320000xi32, #tpu.memory_space<hbm>> -> memref<80xi32, #tpu.memory_space<hbm>>
      %dma_wait3A_56 = tpu.memref_slice %arg6[%add3A_6] : memref<320000xi32, #tpu.memory_space<hbm>> -> memref<80xi32, #tpu.memory_space<hbm>>
      tpu.wait_dma2 semaphore(%run_scoped3A : memref<!tpu.dma_semaphore, #tpu.memory_space<semaphore_mem>>) src(%dma_wait3A_56 : memref<80xi32, #tpu.memory_space<hbm>>) dst(%arg12 : memref<80xi32, #tpu.memory_space<vmem>>)
      tpu.yield
    }) : () -> ()
    %dma_start3A = arith.constant 0 : i32
    %dma_start3A_7 = arith.constant 0 : i32
    %dma_start3A_8 = tpu.memref_slice %arg2[%dma_start3A, %dma_start3A_7] : memref<10000x128xf32, #tpu.memory_space<hbm>> -> memref<10000x128xf32, #tpu.memory_space<hbm>>
    tpu.enqueue_indirect_dma source(%dma_start3A_8 : memref<10000x128xf32, #tpu.memory_space<hbm>>) target(%arg13 : memref<80x128xf32, #tpu.memory_space<vmem>>) offsets(%arg11 : memref<80xi32, #tpu.memory_space<vmem>>) semaphore(%arg23 : memref<!tpu.dma_semaphore, #tpu.memory_space<semaphore_mem>>)
    %dma_start3A_9 = arith.constant 0 : i32
    %dma_start3A_10 = arith.constant 0 : i32
    %dma_start3A_11 = tpu.memref_slice %arg3[%dma_start3A_9, %dma_start3A_10] : memref<10000x16xf32, #tpu.memory_space<hbm>> -> memref<10000x16xf32, #tpu.memory_space<hbm>>
    tpu.enqueue_indirect_dma source(%dma_start3A_11 : memref<10000x16xf32, #tpu.memory_space<hbm>>) target(%arg14 : memref<80x16xf32, #tpu.memory_space<vmem>>) offsets(%arg11 : memref<80xi32, #tpu.memory_space<vmem>>) semaphore(%arg23 : memref<!tpu.dma_semaphore, #tpu.memory_space<semaphore_mem>>)
    %dma_start3A_12 = arith.constant 0 : i32
    %dma_start3A_13 = arith.constant 0 : i32
    %dma_start3A_14 = tpu.memref_slice %arg4[%dma_start3A_12, %dma_start3A_13] : memref<10000x16xf32, #tpu.memory_space<hbm>> -> memref<10000x16xf32, #tpu.memory_space<hbm>>
    tpu.enqueue_indirect_dma source(%dma_start3A_14 : memref<10000x16xf32, #tpu.memory_space<hbm>>) target(%arg15 : memref<80x16xf32, #tpu.memory_space<vmem>>) offsets(%arg12 : memref<80xi32, #tpu.memory_space<vmem>>) semaphore(%arg23 : memref<!tpu.dma_semaphore, #tpu.memory_space<semaphore_mem>>)
    %scan3A = arith.constant 0 : i32
    %scan3A_15 = arith.constant 0 : i32
    %scan3A_16 = arith.constant 62 : i32
    %scan3A_17 = arith.addi %scan3A_15, %scan3A_16 : i32
    %scan3A_18 = arith.constant 1 : i32
    scf.for %scan3A_53 = %scan3A_15 to %scan3A_17 step %scan3A_18  : i32 {
      %gt3A = arith.constant 0 : i32
      %gt3A_54 = arith.cmpi sgt, %scan3A_53, %gt3A : i32
      %convert_element_type3A = arith.extui %gt3A_54 : i1 to i32
      %cond3A = arith.constant 0 : i32
      %cond3A_55 = arith.cmpi ne, %convert_element_type3A, %cond3A : i32
      scf.if %cond3A_55 {
        %dma_wait3A_136 = arith.constant 0 : i32
        %dma_wait3A_137 = arith.constant 0 : i32
        %dma_wait3A_138 = tpu.memref_slice %arg21[%dma_wait3A_136, %dma_wait3A_137] : memref<10240x128xf32, #tpu.memory_space<vmem_shared>> -> memref<10240x128xf32, #tpu.memory_space<vmem_shared>>
        tpu.wait_indirect_dma semaphore(%arg26 : memref<!tpu.dma_semaphore, #tpu.memory_space<semaphore_mem>>) src(%arg18 : memref<80x128xf32, #tpu.memory_space<vmem>>) dst(%dma_wait3A_138 : memref<10240x128xf32, #tpu.memory_space<vmem_shared>>)
        %dma_wait3A_139 = arith.constant 0 : i32
        %dma_wait3A_140 = arith.constant 0 : i32
        %dma_wait3A_141 = tpu.memref_slice %arg22[%dma_wait3A_139, %dma_wait3A_140] : memref<10240x16xf32, #tpu.memory_space<vmem_shared>> -> memref<10240x16xf32, #tpu.memory_space<vmem_shared>>
        tpu.wait_indirect_dma semaphore(%arg26 : memref<!tpu.dma_semaphore, #tpu.memory_space<semaphore_mem>>) src(%arg20 : memref<80x16xf32, #tpu.memory_space<vmem>>) dst(%dma_wait3A_141 : memref<10240x16xf32, #tpu.memory_space<vmem_shared>>)
      } else {
      }
      %mul3A_56 = arith.constant 2 : i32
      %mul3A_57 = arith.muli %mul3A_56, %scan3A_53 : i32
      %add3A_58 = arith.constant 1 : i32
      %add3A_59 = arith.addi %mul3A_57, %add3A_58 : i32
      %mul3A_60 = arith.constant 80 : i32
      %mul3A_61 = arith.muli %add3A_59, %mul3A_60 : i32
      %add3A_62 = arith.addi %mul3A_4, %mul3A_61 : i32
      "tpu.region"() ({
        %run_scoped3A = tpu.sem_alloc : memref<!tpu.dma_semaphore, #tpu.memory_space<semaphore_mem>>
        %dma_start3A_136 = tpu.memref_slice %arg5[%add3A_62] : memref<320000xi32, #tpu.memory_space<hbm>> -> memref<80xi32, #tpu.memory_space<hbm>>
        %dma_start3A_137 = tpu.memref_slice %arg5[%add3A_62] : memref<320000xi32, #tpu.memory_space<hbm>> -> memref<80xi32, #tpu.memory_space<hbm>>
        tpu.enqueue_dma source(%dma_start3A_137 : memref<80xi32, #tpu.memory_space<hbm>>) target(%arg16 : memref<80xi32, #tpu.memory_space<vmem>>) target_semaphore(%run_scoped3A : memref<!tpu.dma_semaphore, #tpu.memory_space<semaphore_mem>>)
        %dma_wait3A_138 = tpu.memref_slice %arg5[%add3A_62] : memref<320000xi32, #tpu.memory_space<hbm>> -> memref<80xi32, #tpu.memory_space<hbm>>
        %dma_wait3A_139 = tpu.memref_slice %arg5[%add3A_62] : memref<320000xi32, #tpu.memory_space<hbm>> -> memref<80xi32, #tpu.memory_space<hbm>>
        tpu.wait_dma2 semaphore(%run_scoped3A : memref<!tpu.dma_semaphore, #tpu.memory_space<semaphore_mem>>) src(%dma_wait3A_139 : memref<80xi32, #tpu.memory_space<hbm>>) dst(%arg16 : memref<80xi32, #tpu.memory_space<vmem>>)
        tpu.yield
      }) : () -> ()
      "tpu.region"() ({
        %run_scoped3A = tpu.sem_alloc : memref<!tpu.dma_semaphore, #tpu.memory_space<semaphore_mem>>
        %dma_start3A_136 = tpu.memref_slice %arg6[%add3A_62] : memref<320000xi32, #tpu.memory_space<hbm>> -> memref<80xi32, #tpu.memory_space<hbm>>
        %dma_start3A_137 = tpu.memref_slice %arg6[%add3A_62] : memref<320000xi32, #tpu.memory_space<hbm>> -> memref<80xi32, #tpu.memory_space<hbm>>
        tpu.enqueue_dma source(%dma_start3A_137 : memref<80xi32, #tpu.memory_space<hbm>>) target(%arg17 : memref<80xi32, #tpu.memory_space<vmem>>) target_semaphore(%run_scoped3A : memref<!tpu.dma_semaphore, #tpu.memory_space<semaphore_mem>>)
        %dma_wait3A_138 = tpu.memref_slice %arg6[%add3A_62] : memref<320000xi32, #tpu.memory_space<hbm>> -> memref<80xi32, #tpu.memory_space<hbm>>
        %dma_wait3A_139 = tpu.memref_slice %arg6[%add3A_62] : memref<320000xi32, #tpu.memory_space<hbm>> -> memref<80xi32, #tpu.memory_space<hbm>>
        tpu.wait_dma2 semaphore(%run_scoped3A : memref<!tpu.dma_semaphore, #tpu.memory_space<semaphore_mem>>) src(%dma_wait3A_139 : memref<80xi32, #tpu.memory_space<hbm>>) dst(%arg17 : memref<80xi32, #tpu.memory_space<vmem>>)
        tpu.yield
      }) : () -> ()
      %dma_start3A_63 = arith.constant 0 : i32
      %dma_start3A_64 = arith.constant 0 : i32
      %dma_start3A_65 = tpu.memref_slice %arg2[%dma_start3A_63, %dma_start3A_64] : memref<10000x128xf32, #tpu.memory_space<hbm>> -> memref<10000x128xf32, #tpu.memory_space<hbm>>
      tpu.enqueue_indirect_dma source(%dma_start3A_65 : memref<10000x128xf32, #tpu.memory_space<hbm>>) target(%arg18 : memref<80x128xf32, #tpu.memory_space<vmem>>) offsets(%arg16 : memref<80xi32, #tpu.memory_space<vmem>>) semaphore(%arg24 : memref<!tpu.dma_semaphore, #tpu.memory_space<semaphore_mem>>)
      %dma_start3A_66 = arith.constant 0 : i32
      %dma_start3A_67 = arith.constant 0 : i32
      %dma_start3A_68 = tpu.memref_slice %arg3[%dma_start3A_66, %dma_start3A_67] : memref<10000x16xf32, #tpu.memory_space<hbm>> -> memref<10000x16xf32, #tpu.memory_space<hbm>>
      tpu.enqueue_indirect_dma source(%dma_start3A_68 : memref<10000x16xf32, #tpu.memory_space<hbm>>) target(%arg19 : memref<80x16xf32, #tpu.memory_space<vmem>>) offsets(%arg16 : memref<80xi32, #tpu.memory_space<vmem>>) semaphore(%arg24 : memref<!tpu.dma_semaphore, #tpu.memory_space<semaphore_mem>>)
      %dma_start3A_69 = arith.constant 0 : i32
      %dma_start3A_70 = arith.constant 0 : i32
      %dma_start3A_71 = tpu.memref_slice %arg4[%dma_start3A_69, %dma_start3A_70] : memref<10000x16xf32, #tpu.memory_space<hbm>> -> memref<10000x16xf32, #tpu.memory_space<hbm>>
      tpu.enqueue_indirect_dma source(%dma_start3A_71 : memref<10000x16xf32, #tpu.memory_space<hbm>>) target(%arg20 : memref<80x16xf32, #tpu.memory_space<vmem>>) offsets(%arg17 : memref<80xi32, #tpu.memory_space<vmem>>) semaphore(%arg24 : memref<!tpu.dma_semaphore, #tpu.memory_space<semaphore_mem>>)
      %dma_wait3A_72 = arith.constant 0 : i32
      %dma_wait3A_73 = arith.constant 0 : i32
      %dma_wait3A_74 = tpu.memref_slice %arg2[%dma_wait3A_72, %dma_wait3A_73] : memref<10000x128xf32, #tpu.memory_space<hbm>> -> memref<10000x128xf32, #tpu.memory_space<hbm>>
      tpu.wait_indirect_dma semaphore(%arg23 : memref<!tpu.dma_semaphore, #tpu.memory_space<semaphore_mem>>) src(%dma_wait3A_74 : memref<10000x128xf32, #tpu.memory_space<hbm>>) dst(%arg13 : memref<80x128xf32, #tpu.memory_space<vmem>>)
      %dma_wait3A_75 = arith.constant 0 : i32
      %dma_wait3A_76 = arith.constant 0 : i32
      %dma_wait3A_77 = tpu.memref_slice %arg3[%dma_wait3A_75, %dma_wait3A_76] : memref<10000x16xf32, #tpu.memory_space<hbm>> -> memref<10000x16xf32, #tpu.memory_space<hbm>>
      tpu.wait_indirect_dma semaphore(%arg23 : memref<!tpu.dma_semaphore, #tpu.memory_space<semaphore_mem>>) src(%dma_wait3A_77 : memref<10000x16xf32, #tpu.memory_space<hbm>>) dst(%arg14 : memref<80x16xf32, #tpu.memory_space<vmem>>)
      %dma_wait3A_78 = arith.constant 0 : i32
      %dma_wait3A_79 = arith.constant 0 : i32
      %dma_wait3A_80 = tpu.memref_slice %arg4[%dma_wait3A_78, %dma_wait3A_79] : memref<10000x16xf32, #tpu.memory_space<hbm>> -> memref<10000x16xf32, #tpu.memory_space<hbm>>
      tpu.wait_indirect_dma semaphore(%arg23 : memref<!tpu.dma_semaphore, #tpu.memory_space<semaphore_mem>>) src(%dma_wait3A_80 : memref<10000x16xf32, #tpu.memory_space<hbm>>) dst(%arg15 : memref<80x16xf32, #tpu.memory_space<vmem>>)
      %scan3A_81 = arith.constant 0 : i32
      %scan3A_82 = arith.constant 0 : i32
      %scan3A_83 = arith.constant 80 : i32
      %scan3A_84 = arith.addi %scan3A_82, %scan3A_83 : i32
      %scan3A_85 = arith.constant 1 : i32
      scf.for %scan3A_136 = %scan3A_82 to %scan3A_84 step %scan3A_85  : i32 {
        %get3A = arith.index_cast %scan3A_136 : i32 to index
        %get3A_137 = arith.constant 0 : index
        %get3A_138 = tpu.vector_load %arg14[%get3A, %get3A_137] {strides = array<i32>} : memref<80x16xf32, #tpu.memory_space<vmem>>, vector<1x16xf32>,
        %get3A_139 = vector.shape_cast %get3A_138 : vector<1x16xf32> to vector<16xf32>
        %get3A_140 = arith.index_cast %scan3A_136 : i32 to index
        %get3A_141 = arith.constant 0 : index
        %get3A_142 = tpu.vector_load %arg15[%get3A_140, %get3A_141] {strides = array<i32>} : memref<80x16xf32, #tpu.memory_space<vmem>>, vector<1x16xf32>,
        %get3A_143 = vector.shape_cast %get3A_142 : vector<1x16xf32> to vector<16xf32>
        %add3A_144 = arith.addf %get3A_139, %get3A_143 : vector<16xf32>
        %gt3A_145 = arith.constant 0.000000e+00 : f32
        %gt3A_146 = vector.broadcast %gt3A_145 : f32 to vector<16xf32>
        %gt3A_147 = arith.cmpf ogt, %add3A_144, %gt3A_146 : vector<16xf32>
        %mul3A_148 = arith.constant 2.000000e-01 : f32
        %mul3A_149 = vector.broadcast %mul3A_148 : f32 to vector<16xf32>
        %mul3A_150 = arith.mulf %add3A_144, %mul3A_149 : vector<16xf32>
        %select_n3A = arith.select %gt3A_147, %add3A_144, %mul3A_150 : vector<16xi1>, vector<16xf32>
        %exp3A = math.exp %select_n3A : vector<16xf32>
        %swap3A = arith.index_cast %scan3A_136 : i32 to index
        %swap3A_151 = arith.constant 0 : index
        %swap3A_152 = tpu.vector_load %arg15[%swap3A, %swap3A_151] {strides = array<i32>} : memref<80x16xf32, #tpu.memory_space<vmem>>, vector<1x16xf32>,
        %swap3A_153 = vector.shape_cast %swap3A_152 : vector<1x16xf32> to vector<16xf32>
        %swap3A_154 = vector.shape_cast %exp3A : vector<16xf32> to vector<1x16xf32>
        tpu.vector_store %arg15[%swap3A, %swap3A_151], %swap3A_154 {strides = array<i32>} : memref<80x16xf32, #tpu.memory_space<vmem>>, vector<1x16xf32>,
        %get3A_155 = arith.index_cast %scan3A_136 : i32 to index
        %get3A_156 = arith.constant 0 : index
        %get3A_157 = tpu.vector_load %arg13[%get3A_155, %get3A_156] {strides = array<i32>} : memref<80x128xf32, #tpu.memory_space<vmem>>, vector<1x16xf32>,
        %get3A_158 = vector.shape_cast %get3A_157 : vector<1x16xf32> to vector<16xf32>
        %slice3A = vector.extract_strided_slice %exp3A {offsets = [0], sizes = [1], strides = [1]} : vector<16xf32> to vector<1xf32>
        %squeeze3A = vector.extract %slice3A[0] : f32 from vector<1xf32>
        %mul3A_159 = vector.broadcast %squeeze3A : f32 to vector<16xf32>
        %mul3A_160 = arith.mulf %get3A_158, %mul3A_159 : vector<16xf32>
        %swap3A_161 = arith.index_cast %scan3A_136 : i32 to index
        %swap3A_162 = arith.constant 0 : index
        %swap3A_163 = tpu.vector_load %arg13[%swap3A_161, %swap3A_162] {strides = array<i32>} : memref<80x128xf32, #tpu.memory_space<vmem>>, vector<1x16xf32>,
        %swap3A_164 = vector.shape_cast %swap3A_163 : vector<1x16xf32> to vector<16xf32>
        %swap3A_165 = vector.shape_cast %mul3A_160 : vector<16xf32> to vector<1x16xf32>
        tpu.vector_store %arg13[%swap3A_161, %swap3A_162], %swap3A_165 {strides = array<i32>} : memref<80x128xf32, #tpu.memory_space<vmem>>, vector<1x16xf32>,
        %get3A_166 = arith.index_cast %scan3A_136 : i32 to index
        %get3A_167 = arith.constant 16 : index
        %get3A_168 = tpu.vector_load %arg13[%get3A_166, %get3A_167] {strides = array<i32>} : memref<80x128xf32, #tpu.memory_space<vmem>>, vector<1x16xf32>,
        %get3A_169 = vector.shape_cast %get3A_168 : vector<1x16xf32> to vector<16xf32>
        %slice3A_170 = vector.extract_strided_slice %exp3A {offsets = [1], sizes = [1], strides = [1]} : vector<16xf32> to vector<1xf32>
        %squeeze3A_171 = vector.extract %slice3A_170[0] : f32 from vector<1xf32>
        %mul3A_172 = vector.broadcast %squeeze3A_171 : f32 to vector<16xf32>
        %mul3A_173 = arith.mulf %get3A_169, %mul3A_172 : vector<16xf32>
        %swap3A_174 = arith.index_cast %scan3A_136 : i32 to index
        %swap3A_175 = arith.constant 16 : index
        %swap3A_176 = tpu.vector_load %arg13[%swap3A_174, %swap3A_175] {strides = array<i32>} : memref<80x128xf32, #tpu.memory_space<vmem>>, vector<1x16xf32>,
        %swap3A_177 = vector.shape_cast %swap3A_176 : vector<1x16xf32> to vector<16xf32>
        %swap3A_178 = vector.shape_cast %mul3A_173 : vector<16xf32> to vector<1x16xf32>
        tpu.vector_store %arg13[%swap3A_174, %swap3A_175], %swap3A_178 {strides = array<i32>} : memref<80x128xf32, #tpu.memory_space<vmem>>, vector<1x16xf32>,
        %get3A_179 = arith.index_cast %scan3A_136 : i32 to index
        %get3A_180 = arith.constant 32 : index
        %get3A_181 = tpu.vector_load %arg13[%get3A_179, %get3A_180] {strides = array<i32>} : memref<80x128xf32, #tpu.memory_space<vmem>>, vector<1x16xf32>,
        %get3A_182 = vector.shape_cast %get3A_181 : vector<1x16xf32> to vector<16xf32>
        %slice3A_183 = vector.extract_strided_slice %exp3A {offsets = [2], sizes = [1], strides = [1]} : vector<16xf32> to vector<1xf32>
        %squeeze3A_184 = vector.extract %slice3A_183[0] : f32 from vector<1xf32>
        %mul3A_185 = vector.broadcast %squeeze3A_184 : f32 to vector<16xf32>
        %mul3A_186 = arith.mulf %get3A_182, %mul3A_185 : vector<16xf32>
        %swap3A_187 = arith.index_cast %scan3A_136 : i32 to index
        %swap3A_188 = arith.constant 32 : index
        %swap3A_189 = tpu.vector_load %arg13[%swap3A_187, %swap3A_188] {strides = array<i32>} : memref<80x128xf32, #tpu.memory_space<vmem>>, vector<1x16xf32>,
        %swap3A_190 = vector.shape_cast %swap3A_189 : vector<1x16xf32> to vector<16xf32>
        %swap3A_191 = vector.shape_cast %mul3A_186 : vector<16xf32> to vector<1x16xf32>
        tpu.vector_store %arg13[%swap3A_187, %swap3A_188], %swap3A_191 {strides = array<i32>} : memref<80x128xf32, #tpu.memory_space<vmem>>, vector<1x16xf32>,
        %get3A_192 = arith.index_cast %scan3A_136 : i32 to index
        %get3A_193 = arith.constant 48 : index
        %get3A_194 = tpu.vector_load %arg13[%get3A_192, %get3A_193] {strides = array<i32>} : memref<80x128xf32, #tpu.memory_space<vmem>>, vector<1x16xf32>,
        %get3A_195 = vector.shape_cast %get3A_194 : vector<1x16xf32> to vector<16xf32>
        %slice3A_196 = vector.extract_strided_slice %exp3A {offsets = [3], sizes = [1], strides = [1]} : vector<16xf32> to vector<1xf32>
        %squeeze3A_197 = vector.extract %slice3A_196[0] : f32 from vector<1xf32>
        %mul3A_198 = vector.broadcast %squeeze3A_197 : f32 to vector<16xf32>
        %mul3A_199 = arith.mulf %get3A_195, %mul3A_198 : vector<16xf32>
        %swap3A_200 = arith.index_cast %scan3A_136 : i32 to index
        %swap3A_201 = arith.constant 48 : index
        %swap3A_202 = tpu.vector_load %arg13[%swap3A_200, %swap3A_201] {strides = array<i32>} : memref<80x128xf32, #tpu.memory_space<vmem>>, vector<1x16xf32>,
        %swap3A_203 = vector.shape_cast %swap3A_202 : vector<1x16xf32> to vector<16xf32>
        %swap3A_204 = vector.shape_cast %mul3A_199 : vector<16xf32> to vector<1x16xf32>
        tpu.vector_store %arg13[%swap3A_200, %swap3A_201], %swap3A_204 {strides = array<i32>} : memref<80x128xf32, #tpu.memory_space<vmem>>, vector<1x16xf32>,
        %get3A_205 = arith.index_cast %scan3A_136 : i32 to index
        %get3A_206 = arith.constant 64 : index
        %get3A_207 = tpu.vector_load %arg13[%get3A_205, %get3A_206] {strides = array<i32>} : memref<80x128xf32, #tpu.memory_space<vmem>>, vector<1x16xf32>,
        %get3A_208 = vector.shape_cast %get3A_207 : vector<1x16xf32> to vector<16xf32>
        %slice3A_209 = vector.extract_strided_slice %exp3A {offsets = [4], sizes = [1], strides = [1]} : vector<16xf32> to vector<1xf32>
        %squeeze3A_210 = vector.extract %slice3A_209[0] : f32 from vector<1xf32>
        %mul3A_211 = vector.broadcast %squeeze3A_210 : f32 to vector<16xf32>
        %mul3A_212 = arith.mulf %get3A_208, %mul3A_211 : vector<16xf32>
        %swap3A_213 = arith.index_cast %scan3A_136 : i32 to index
        %swap3A_214 = arith.constant 64 : index
        %swap3A_215 = tpu.vector_load %arg13[%swap3A_213, %swap3A_214] {strides = array<i32>} : memref<80x128xf32, #tpu.memory_space<vmem>>, vector<1x16xf32>,
        %swap3A_216 = vector.shape_cast %swap3A_215 : vector<1x16xf32> to vector<16xf32>
        %swap3A_217 = vector.shape_cast %mul3A_212 : vector<16xf32> to vector<1x16xf32>
        tpu.vector_store %arg13[%swap3A_213, %swap3A_214], %swap3A_217 {strides = array<i32>} : memref<80x128xf32, #tpu.memory_space<vmem>>, vector<1x16xf32>,
        %get3A_218 = arith.index_cast %scan3A_136 : i32 to index
        %get3A_219 = arith.constant 80 : index
        %get3A_220 = tpu.vector_load %arg13[%get3A_218, %get3A_219] {strides = array<i32>} : memref<80x128xf32, #tpu.memory_space<vmem>>, vector<1x16xf32>,
        %get3A_221 = vector.shape_cast %get3A_220 : vector<1x16xf32> to vector<16xf32>
        %slice3A_222 = vector.extract_strided_slice %exp3A {offsets = [5], sizes = [1], strides = [1]} : vector<16xf32> to vector<1xf32>
        %squeeze3A_223 = vector.extract %slice3A_222[0] : f32 from vector<1xf32>
        %mul3A_224 = vector.broadcast %squeeze3A_223 : f32 to vector<16xf32>
        %mul3A_225 = arith.mulf %get3A_221, %mul3A_224 : vector<16xf32>
        %swap3A_226 = arith.index_cast %scan3A_136 : i32 to index
        %swap3A_227 = arith.constant 80 : index
        %swap3A_228 = tpu.vector_load %arg13[%swap3A_226, %swap3A_227] {strides = array<i32>} : memref<80x128xf32, #tpu.memory_space<vmem>>, vector<1x16xf32>,
        %swap3A_229 = vector.shape_cast %swap3A_228 : vector<1x16xf32> to vector<16xf32>
        %swap3A_230 = vector.shape_cast %mul3A_225 : vector<16xf32> to vector<1x16xf32>
        tpu.vector_store %arg13[%swap3A_226, %swap3A_227], %swap3A_230 {strides = array<i32>} : memref<80x128xf32, #tpu.memory_space<vmem>>, vector<1x16xf32>,
        %get3A_231 = arith.index_cast %scan3A_136 : i32 to index
        %get3A_232 = arith.constant 96 : index
        %get3A_233 = tpu.vector_load %arg13[%get3A_231, %get3A_232] {strides = array<i32>} : memref<80x128xf32, #tpu.memory_space<vmem>>, vector<1x16xf32>,
        %get3A_234 = vector.shape_cast %get3A_233 : vector<1x16xf32> to vector<16xf32>
        %slice3A_235 = vector.extract_strided_slice %exp3A {offsets = [6], sizes = [1], strides = [1]} : vector<16xf32> to vector<1xf32>
        %squeeze3A_236 = vector.extract %slice3A_235[0] : f32 from vector<1xf32>
        %mul3A_237 = vector.broadcast %squeeze3A_236 : f32 to vector<16xf32>
        %mul3A_238 = arith.mulf %get3A_234, %mul3A_237 : vector<16xf32>
        %swap3A_239 = arith.index_cast %scan3A_136 : i32 to index
        %swap3A_240 = arith.constant 96 : index
        %swap3A_241 = tpu.vector_load %arg13[%swap3A_239, %swap3A_240] {strides = array<i32>} : memref<80x128xf32, #tpu.memory_space<vmem>>, vector<1x16xf32>,
        %swap3A_242 = vector.shape_cast %swap3A_241 : vector<1x16xf32> to vector<16xf32>
        %swap3A_243 = vector.shape_cast %mul3A_238 : vector<16xf32> to vector<1x16xf32>
        tpu.vector_store %arg13[%swap3A_239, %swap3A_240], %swap3A_243 {strides = array<i32>} : memref<80x128xf32, #tpu.memory_space<vmem>>, vector<1x16xf32>,
        %get3A_244 = arith.index_cast %scan3A_136 : i32 to index
        %get3A_245 = arith.constant 112 : index
        %get3A_246 = tpu.vector_load %arg13[%get3A_244, %get3A_245] {strides = array<i32>} : memref<80x128xf32, #tpu.memory_space<vmem>>, vector<1x16xf32>,
        %get3A_247 = vector.shape_cast %get3A_246 : vector<1x16xf32> to vector<16xf32>
        %slice3A_248 = vector.extract_strided_slice %exp3A {offsets = [7], sizes = [1], strides = [1]} : vector<16xf32> to vector<1xf32>
        %squeeze3A_249 = vector.extract %slice3A_248[0] : f32 from vector<1xf32>
        %mul3A_250 = vector.broadcast %squeeze3A_249 : f32 to vector<16xf32>
        %mul3A_251 = arith.mulf %get3A_247, %mul3A_250 : vector<16xf32>
        %swap3A_252 = arith.index_cast %scan3A_136 : i32 to index
        %swap3A_253 = arith.constant 112 : index
        %swap3A_254 = tpu.vector_load %arg13[%swap3A_252, %swap3A_253] {strides = array<i32>} : memref<80x128xf32, #tpu.memory_space<vmem>>, vector<1x16xf32>,
        %swap3A_255 = vector.shape_cast %swap3A_254 : vector<1x16xf32> to vector<16xf32>
        %swap3A_256 = vector.shape_cast %mul3A_251 : vector<16xf32> to vector<1x16xf32>
        tpu.vector_store %arg13[%swap3A_252, %swap3A_253], %swap3A_256 {strides = array<i32>} : memref<80x128xf32, #tpu.memory_space<vmem>>, vector<1x16xf32>,
      }
      %scan3A_86 = arith.constant 80 : i32
      %dma_start3A_87 = arith.constant 0 : i32
      %dma_start3A_88 = arith.constant 0 : i32
      %dma_start3A_89 = tpu.memref_slice %arg21[%dma_start3A_87, %dma_start3A_88] : memref<10240x128xf32, #tpu.memory_space<vmem_shared>> -> memref<10240x128xf32, #tpu.memory_space<vmem_shared>>
      tpu.enqueue_indirect_dma source(%arg13 : memref<80x128xf32, #tpu.memory_space<vmem>>) target(%dma_start3A_89 : memref<10240x128xf32, #tpu.memory_space<vmem_shared>>) offsets(%arg12 : memref<80xi32, #tpu.memory_space<vmem>>) semaphore(%arg25 : memref<!tpu.dma_semaphore, #tpu.memory_space<semaphore_mem>>) {add = true}
      %dma_start3A_90 = arith.constant 0 : i32
      %dma_start3A_91 = arith.constant 0 : i32
      %dma_start3A_92 = tpu.memref_slice %arg22[%dma_start3A_90, %dma_start3A_91] : memref<10240x16xf32, #tpu.memory_space<vmem_shared>> -> memref<10240x16xf32, #tpu.memory_space<vmem_shared>>
      tpu.enqueue_indirect_dma source(%arg15 : memref<80x16xf32, #tpu.memory_space<vmem>>) target(%dma_start3A_92 : memref<10240x16xf32, #tpu.memory_space<vmem_shared>>) offsets(%arg12 : memref<80xi32, #tpu.memory_space<vmem>>) semaphore(%arg25 : memref<!tpu.dma_semaphore, #tpu.memory_space<semaphore_mem>>) {add = true}
      %dma_wait3A_93 = arith.constant 0 : i32
      %dma_wait3A_94 = arith.constant 0 : i32
      %dma_wait3A_95 = tpu.memref_slice %arg2[%dma_wait3A_93, %dma_wait3A_94] : memref<10000x128xf32, #tpu.memory_space<hbm>> -> memref<10000x128xf32, #tpu.memory_space<hbm>>
      tpu.wait_indirect_dma semaphore(%arg24 : memref<!tpu.dma_semaphore, #tpu.memory_space<semaphore_mem>>) src(%dma_wait3A_95 : memref<10000x128xf32, #tpu.memory_space<hbm>>) dst(%arg18 : memref<80x128xf32, #tpu.memory_space<vmem>>)
      %dma_wait3A_96 = arith.constant 0 : i32
      %dma_wait3A_97 = arith.constant 0 : i32
      %dma_wait3A_98 = tpu.memref_slice %arg3[%dma_wait3A_96, %dma_wait3A_97] : memref<10000x16xf32, #tpu.memory_space<hbm>> -> memref<10000x16xf32, #tpu.memory_space<hbm>>
      tpu.wait_indirect_dma semaphore(%arg24 : memref<!tpu.dma_semaphore, #tpu.memory_space<semaphore_mem>>) src(%dma_wait3A_98 : memref<10000x16xf32, #tpu.memory_space<hbm>>) dst(%arg19 : memref<80x16xf32, #tpu.memory_space<vmem>>)
      %dma_wait3A_99 = arith.constant 0 : i32
      %dma_wait3A_100 = arith.constant 0 : i32
      %dma_wait3A_101 = tpu.memref_slice %arg4[%dma_wait3A_99, %dma_wait3A_100] : memref<10000x16xf32, #tpu.memory_space<hbm>> -> memref<10000x16xf32, #tpu.memory_space<hbm>>
      tpu.wait_indirect_dma semaphore(%arg24 : memref<!tpu.dma_semaphore, #tpu.memory_space<semaphore_mem>>) src(%dma_wait3A_101 : memref<10000x16xf32, #tpu.memory_space<hbm>>) dst(%arg20 : memref<80x16xf32, #tpu.memory_space<vmem>>)
      %scan3A_102 = arith.constant 0 : i32
      %scan3A_103 = arith.constant 0 : i32
      %scan3A_104 = arith.constant 80 : i32
      %scan3A_105 = arith.addi %scan3A_103, %scan3A_104 : i32
      %scan3A_106 = arith.constant 1 : i32
      scf.for %scan3A_136 = %scan3A_103 to %scan3A_105 step %scan3A_106  : i32 {
        %get3A = arith.index_cast %scan3A_136 : i32 to index
        %get3A_137 = arith.constant 0 : index
        %get3A_138 = tpu.vector_load %arg19[%get3A, %get3A_137] {strides = array<i32>} : memref<80x16xf32, #tpu.memory_space<vmem>>, vector<1x16xf32>,
        %get3A_139 = vector.shape_cast %get3A_138 : vector<1x16xf32> to vector<16xf32>
        %get3A_140 = arith.index_cast %scan3A_136 : i32 to index
        %get3A_141 = arith.constant 0 : index
        %get3A_142 = tpu.vector_load %arg20[%get3A_140, %get3A_141] {strides = array<i32>} : memref<80x16xf32, #tpu.memory_space<vmem>>, vector<1x16xf32>,
        %get3A_143 = vector.shape_cast %get3A_142 : vector<1x16xf32> to vector<16xf32>
        %add3A_144 = arith.addf %get3A_139, %get3A_143 : vector<16xf32>
        %gt3A_145 = arith.constant 0.000000e+00 : f32
        %gt3A_146 = vector.broadcast %gt3A_145 : f32 to vector<16xf32>
        %gt3A_147 = arith.cmpf ogt, %add3A_144, %gt3A_146 : vector<16xf32>
        %mul3A_148 = arith.constant 2.000000e-01 : f32
        %mul3A_149 = vector.broadcast %mul3A_148 : f32 to vector<16xf32>
        %mul3A_150 = arith.mulf %add3A_144, %mul3A_149 : vector<16xf32>
        %select_n3A = arith.select %gt3A_147, %add3A_144, %mul3A_150 : vector<16xi1>, vector<16xf32>
        %exp3A = math.exp %select_n3A : vector<16xf32>
        %swap3A = arith.index_cast %scan3A_136 : i32 to index
        %swap3A_151 = arith.constant 0 : index
        %swap3A_152 = tpu.vector_load %arg20[%swap3A, %swap3A_151] {strides = array<i32>} : memref<80x16xf32, #tpu.memory_space<vmem>>, vector<1x16xf32>,
        %swap3A_153 = vector.shape_cast %swap3A_152 : vector<1x16xf32> to vector<16xf32>
        %swap3A_154 = vector.shape_cast %exp3A : vector<16xf32> to vector<1x16xf32>
        tpu.vector_store %arg20[%swap3A, %swap3A_151], %swap3A_154 {strides = array<i32>} : memref<80x16xf32, #tpu.memory_space<vmem>>, vector<1x16xf32>,
        %get3A_155 = arith.index_cast %scan3A_136 : i32 to index
        %get3A_156 = arith.constant 0 : index
        %get3A_157 = tpu.vector_load %arg18[%get3A_155, %get3A_156] {strides = array<i32>} : memref<80x128xf32, #tpu.memory_space<vmem>>, vector<1x16xf32>,
        %get3A_158 = vector.shape_cast %get3A_157 : vector<1x16xf32> to vector<16xf32>
        %slice3A = vector.extract_strided_slice %exp3A {offsets = [0], sizes = [1], strides = [1]} : vector<16xf32> to vector<1xf32>
        %squeeze3A = vector.extract %slice3A[0] : f32 from vector<1xf32>
        %mul3A_159 = vector.broadcast %squeeze3A : f32 to vector<16xf32>
        %mul3A_160 = arith.mulf %get3A_158, %mul3A_159 : vector<16xf32>
        %swap3A_161 = arith.index_cast %scan3A_136 : i32 to index
        %swap3A_162 = arith.constant 0 : index
        %swap3A_163 = tpu.vector_load %arg18[%swap3A_161, %swap3A_162] {strides = array<i32>} : memref<80x128xf32, #tpu.memory_space<vmem>>, vector<1x16xf32>,
        %swap3A_164 = vector.shape_cast %swap3A_163 : vector<1x16xf32> to vector<16xf32>
        %swap3A_165 = vector.shape_cast %mul3A_160 : vector<16xf32> to vector<1x16xf32>
        tpu.vector_store %arg18[%swap3A_161, %swap3A_162], %swap3A_165 {strides = array<i32>} : memref<80x128xf32, #tpu.memory_space<vmem>>, vector<1x16xf32>,
        %get3A_166 = arith.index_cast %scan3A_136 : i32 to index
        %get3A_167 = arith.constant 16 : index
        %get3A_168 = tpu.vector_load %arg18[%get3A_166, %get3A_167] {strides = array<i32>} : memref<80x128xf32, #tpu.memory_space<vmem>>, vector<1x16xf32>,
        %get3A_169 = vector.shape_cast %get3A_168 : vector<1x16xf32> to vector<16xf32>
        %slice3A_170 = vector.extract_strided_slice %exp3A {offsets = [1], sizes = [1], strides = [1]} : vector<16xf32> to vector<1xf32>
        %squeeze3A_171 = vector.extract %slice3A_170[0] : f32 from vector<1xf32>
        %mul3A_172 = vector.broadcast %squeeze3A_171 : f32 to vector<16xf32>
        %mul3A_173 = arith.mulf %get3A_169, %mul3A_172 : vector<16xf32>
        %swap3A_174 = arith.index_cast %scan3A_136 : i32 to index
        %swap3A_175 = arith.constant 16 : index
        %swap3A_176 = tpu.vector_load %arg18[%swap3A_174, %swap3A_175] {strides = array<i32>} : memref<80x128xf32, #tpu.memory_space<vmem>>, vector<1x16xf32>,
        %swap3A_177 = vector.shape_cast %swap3A_176 : vector<1x16xf32> to vector<16xf32>
        %swap3A_178 = vector.shape_cast %mul3A_173 : vector<16xf32> to vector<1x16xf32>
        tpu.vector_store %arg18[%swap3A_174, %swap3A_175], %swap3A_178 {strides = array<i32>} : memref<80x128xf32, #tpu.memory_space<vmem>>, vector<1x16xf32>,
        %get3A_179 = arith.index_cast %scan3A_136 : i32 to index
        %get3A_180 = arith.constant 32 : index
        %get3A_181 = tpu.vector_load %arg18[%get3A_179, %get3A_180] {strides = array<i32>} : memref<80x128xf32, #tpu.memory_space<vmem>>, vector<1x16xf32>,
        %get3A_182 = vector.shape_cast %get3A_181 : vector<1x16xf32> to vector<16xf32>
        %slice3A_183 = vector.extract_strided_slice %exp3A {offsets = [2], sizes = [1], strides = [1]} : vector<16xf32> to vector<1xf32>
        %squeeze3A_184 = vector.extract %slice3A_183[0] : f32 from vector<1xf32>
        %mul3A_185 = vector.broadcast %squeeze3A_184 : f32 to vector<16xf32>
        %mul3A_186 = arith.mulf %get3A_182, %mul3A_185 : vector<16xf32>
        %swap3A_187 = arith.index_cast %scan3A_136 : i32 to index
        %swap3A_188 = arith.constant 32 : index
        %swap3A_189 = tpu.vector_load %arg18[%swap3A_187, %swap3A_188] {strides = array<i32>} : memref<80x128xf32, #tpu.memory_space<vmem>>, vector<1x16xf32>,
        %swap3A_190 = vector.shape_cast %swap3A_189 : vector<1x16xf32> to vector<16xf32>
        %swap3A_191 = vector.shape_cast %mul3A_186 : vector<16xf32> to vector<1x16xf32>
        tpu.vector_store %arg18[%swap3A_187, %swap3A_188], %swap3A_191 {strides = array<i32>} : memref<80x128xf32, #tpu.memory_space<vmem>>, vector<1x16xf32>,
        %get3A_192 = arith.index_cast %scan3A_136 : i32 to index
        %get3A_193 = arith.constant 48 : index
        %get3A_194 = tpu.vector_load %arg18[%get3A_192, %get3A_193] {strides = array<i32>} : memref<80x128xf32, #tpu.memory_space<vmem>>, vector<1x16xf32>,
        %get3A_195 = vector.shape_cast %get3A_194 : vector<1x16xf32> to vector<16xf32>
        %slice3A_196 = vector.extract_strided_slice %exp3A {offsets = [3], sizes = [1], strides = [1]} : vector<16xf32> to vector<1xf32>
        %squeeze3A_197 = vector.extract %slice3A_196[0] : f32 from vector<1xf32>
        %mul3A_198 = vector.broadcast %squeeze3A_197 : f32 to vector<16xf32>
        %mul3A_199 = arith.mulf %get3A_195, %mul3A_198 : vector<16xf32>
        %swap3A_200 = arith.index_cast %scan3A_136 : i32 to index
        %swap3A_201 = arith.constant 48 : index
        %swap3A_202 = tpu.vector_load %arg18[%swap3A_200, %swap3A_201] {strides = array<i32>} : memref<80x128xf32, #tpu.memory_space<vmem>>, vector<1x16xf32>,
        %swap3A_203 = vector.shape_cast %swap3A_202 : vector<1x16xf32> to vector<16xf32>
        %swap3A_204 = vector.shape_cast %mul3A_199 : vector<16xf32> to vector<1x16xf32>
        tpu.vector_store %arg18[%swap3A_200, %swap3A_201], %swap3A_204 {strides = array<i32>} : memref<80x128xf32, #tpu.memory_space<vmem>>, vector<1x16xf32>,
        %get3A_205 = arith.index_cast %scan3A_136 : i32 to index
        %get3A_206 = arith.constant 64 : index
        %get3A_207 = tpu.vector_load %arg18[%get3A_205, %get3A_206] {strides = array<i32>} : memref<80x128xf32, #tpu.memory_space<vmem>>, vector<1x16xf32>,
        %get3A_208 = vector.shape_cast %get3A_207 : vector<1x16xf32> to vector<16xf32>
        %slice3A_209 = vector.extract_strided_slice %exp3A {offsets = [4], sizes = [1], strides = [1]} : vector<16xf32> to vector<1xf32>
        %squeeze3A_210 = vector.extract %slice3A_209[0] : f32 from vector<1xf32>
        %mul3A_211 = vector.broadcast %squeeze3A_210 : f32 to vector<16xf32>
        %mul3A_212 = arith.mulf %get3A_208, %mul3A_211 : vector<16xf32>
        %swap3A_213 = arith.index_cast %scan3A_136 : i32 to index
        %swap3A_214 = arith.constant 64 : index
        %swap3A_215 = tpu.vector_load %arg18[%swap3A_213, %swap3A_214] {strides = array<i32>} : memref<80x128xf32, #tpu.memory_space<vmem>>, vector<1x16xf32>,
        %swap3A_216 = vector.shape_cast %swap3A_215 : vector<1x16xf32> to vector<16xf32>
        %swap3A_217 = vector.shape_cast %mul3A_212 : vector<16xf32> to vector<1x16xf32>
        tpu.vector_store %arg18[%swap3A_213, %swap3A_214], %swap3A_217 {strides = array<i32>} : memref<80x128xf32, #tpu.memory_space<vmem>>, vector<1x16xf32>,
        %get3A_218 = arith.index_cast %scan3A_136 : i32 to index
        %get3A_219 = arith.constant 80 : index
        %get3A_220 = tpu.vector_load %arg18[%get3A_218, %get3A_219] {strides = array<i32>} : memref<80x128xf32, #tpu.memory_space<vmem>>, vector<1x16xf32>,
        %get3A_221 = vector.shape_cast %get3A_220 : vector<1x16xf32> to vector<16xf32>
        %slice3A_222 = vector.extract_strided_slice %exp3A {offsets = [5], sizes = [1], strides = [1]} : vector<16xf32> to vector<1xf32>
        %squeeze3A_223 = vector.extract %slice3A_222[0] : f32 from vector<1xf32>
        %mul3A_224 = vector.broadcast %squeeze3A_223 : f32 to vector<16xf32>
        %mul3A_225 = arith.mulf %get3A_221, %mul3A_224 : vector<16xf32>
        %swap3A_226 = arith.index_cast %scan3A_136 : i32 to index
        %swap3A_227 = arith.constant 80 : index
        %swap3A_228 = tpu.vector_load %arg18[%swap3A_226, %swap3A_227] {strides = array<i32>} : memref<80x128xf32, #tpu.memory_space<vmem>>, vector<1x16xf32>,
        %swap3A_229 = vector.shape_cast %swap3A_228 : vector<1x16xf32> to vector<16xf32>
        %swap3A_230 = vector.shape_cast %mul3A_225 : vector<16xf32> to vector<1x16xf32>
        tpu.vector_store %arg18[%swap3A_226, %swap3A_227], %swap3A_230 {strides = array<i32>} : memref<80x128xf32, #tpu.memory_space<vmem>>, vector<1x16xf32>,
        %get3A_231 = arith.index_cast %scan3A_136 : i32 to index
        %get3A_232 = arith.constant 96 : index
        %get3A_233 = tpu.vector_load %arg18[%get3A_231, %get3A_232] {strides = array<i32>} : memref<80x128xf32, #tpu.memory_space<vmem>>, vector<1x16xf32>,
        %get3A_234 = vector.shape_cast %get3A_233 : vector<1x16xf32> to vector<16xf32>
        %slice3A_235 = vector.extract_strided_slice %exp3A {offsets = [6], sizes = [1], strides = [1]} : vector<16xf32> to vector<1xf32>
        %squeeze3A_236 = vector.extract %slice3A_235[0] : f32 from vector<1xf32>
        %mul3A_237 = vector.broadcast %squeeze3A_236 : f32 to vector<16xf32>
        %mul3A_238 = arith.mulf %get3A_234, %mul3A_237 : vector<16xf32>
        %swap3A_239 = arith.index_cast %scan3A_136 : i32 to index
        %swap3A_240 = arith.constant 96 : index
        %swap3A_241 = tpu.vector_load %arg18[%swap3A_239, %swap3A_240] {strides = array<i32>} : memref<80x128xf32, #tpu.memory_space<vmem>>, vector<1x16xf32>,
        %swap3A_242 = vector.shape_cast %swap3A_241 : vector<1x16xf32> to vector<16xf32>
        %swap3A_243 = vector.shape_cast %mul3A_238 : vector<16xf32> to vector<1x16xf32>
        tpu.vector_store %arg18[%swap3A_239, %swap3A_240], %swap3A_243 {strides = array<i32>} : memref<80x128xf32, #tpu.memory_space<vmem>>, vector<1x16xf32>,
        %get3A_244 = arith.index_cast %scan3A_136 : i32 to index
        %get3A_245 = arith.constant 112 : index
        %get3A_246 = tpu.vector_load %arg18[%get3A_244, %get3A_245] {strides = array<i32>} : memref<80x128xf32, #tpu.memory_space<vmem>>, vector<1x16xf32>,
        %get3A_247 = vector.shape_cast %get3A_246 : vector<1x16xf32> to vector<16xf32>
        %slice3A_248 = vector.extract_strided_slice %exp3A {offsets = [7], sizes = [1], strides = [1]} : vector<16xf32> to vector<1xf32>
        %squeeze3A_249 = vector.extract %slice3A_248[0] : f32 from vector<1xf32>
        %mul3A_250 = vector.broadcast %squeeze3A_249 : f32 to vector<16xf32>
        %mul3A_251 = arith.mulf %get3A_247, %mul3A_250 : vector<16xf32>
        %swap3A_252 = arith.index_cast %scan3A_136 : i32 to index
        %swap3A_253 = arith.constant 112 : index
        %swap3A_254 = tpu.vector_load %arg18[%swap3A_252, %swap3A_253] {strides = array<i32>} : memref<80x128xf32, #tpu.memory_space<vmem>>, vector<1x16xf32>,
        %swap3A_255 = vector.shape_cast %swap3A_254 : vector<1x16xf32> to vector<16xf32>
        %swap3A_256 = vector.shape_cast %mul3A_251 : vector<16xf32> to vector<1x16xf32>
        tpu.vector_store %arg18[%swap3A_252, %swap3A_253], %swap3A_256 {strides = array<i32>} : memref<80x128xf32, #tpu.memory_space<vmem>>, vector<1x16xf32>,
      }
      %scan3A_107 = arith.constant 80 : i32
      %dma_start3A_108 = arith.constant 0 : i32
      %dma_start3A_109 = arith.constant 0 : i32
      %dma_start3A_110 = tpu.memref_slice %arg21[%dma_start3A_108, %dma_start3A_109] : memref<10240x128xf32, #tpu.memory_space<vmem_shared>> -> memref<10240x128xf32, #tpu.memory_space<vmem_shared>>
      tpu.enqueue_indirect_dma source(%arg18 : memref<80x128xf32, #tpu.memory_space<vmem>>) target(%dma_start3A_110 : memref<10240x128xf32, #tpu.memory_space<vmem_shared>>) offsets(%arg17 : memref<80xi32, #tpu.memory_space<vmem>>) semaphore(%arg26 : memref<!tpu.dma_semaphore, #tpu.memory_space<semaphore_mem>>) {add = true}
      %dma_start3A_111 = arith.constant 0 : i32
      %dma_start3A_112 = arith.constant 0 : i32
      %dma_start3A_113 = tpu.memref_slice %arg22[%dma_start3A_111, %dma_start3A_112] : memref<10240x16xf32, #tpu.memory_space<vmem_shared>> -> memref<10240x16xf32, #tpu.memory_space<vmem_shared>>
      tpu.enqueue_indirect_dma source(%arg20 : memref<80x16xf32, #tpu.memory_space<vmem>>) target(%dma_start3A_113 : memref<10240x16xf32, #tpu.memory_space<vmem_shared>>) offsets(%arg17 : memref<80xi32, #tpu.memory_space<vmem>>) semaphore(%arg26 : memref<!tpu.dma_semaphore, #tpu.memory_space<semaphore_mem>>) {add = true}
      %dma_wait3A_114 = arith.constant 0 : i32
      %dma_wait3A_115 = arith.constant 0 : i32
      %dma_wait3A_116 = tpu.memref_slice %arg21[%dma_wait3A_114, %dma_wait3A_115] : memref<10240x128xf32, #tpu.memory_space<vmem_shared>> -> memref<10240x128xf32, #tpu.memory_space<vmem_shared>>
      tpu.wait_indirect_dma semaphore(%arg25 : memref<!tpu.dma_semaphore, #tpu.memory_space<semaphore_mem>>) src(%arg13 : memref<80x128xf32, #tpu.memory_space<vmem>>) dst(%dma_wait3A_116 : memref<10240x128xf32, #tpu.memory_space<vmem_shared>>)
      %dma_wait3A_117 = arith.constant 0 : i32
      %dma_wait3A_118 = arith.constant 0 : i32
      %dma_wait3A_119 = tpu.memref_slice %arg22[%dma_wait3A_117, %dma_wait3A_118] : memref<10240x16xf32, #tpu.memory_space<vmem_shared>> -> memref<10240x16xf32, #tpu.memory_space<vmem_shared>>
      tpu.wait_indirect_dma semaphore(%arg25 : memref<!tpu.dma_semaphore, #tpu.memory_space<semaphore_mem>>) src(%arg15 : memref<80x16xf32, #tpu.memory_space<vmem>>) dst(%dma_wait3A_119 : memref<10240x16xf32, #tpu.memory_space<vmem_shared>>)
      %mul3A_120 = arith.constant 2 : i32
      %mul3A_121 = arith.muli %mul3A_120, %scan3A_53 : i32
      %add3A_122 = arith.constant 2 : i32
      %add3A_123 = arith.addi %mul3A_121, %add3A_122 : i32
      %mul3A_124 = arith.constant 80 : i32
      %mul3A_125 = arith.muli %add3A_123, %mul3A_124 : i32
      %add3A_126 = arith.addi %mul3A_4, %mul3A_125 : i32
      "tpu.region"() ({
        %run_scoped3A = tpu.sem_alloc : memref<!tpu.dma_semaphore, #tpu.memory_space<semaphore_mem>>
        %dma_start3A_136 = tpu.memref_slice %arg5[%add3A_126] : memref<320000xi32, #tpu.memory_space<hbm>> -> memref<80xi32, #tpu.memory_space<hbm>>
        %dma_start3A_137 = tpu.memref_slice %arg5[%add3A_126] : memref<320000xi32, #tpu.memory_space<hbm>> -> memref<80xi32, #tpu.memory_space<hbm>>
        tpu.enqueue_dma source(%dma_start3A_137 : memref<80xi32, #tpu.memory_space<hbm>>) target(%arg11 : memref<80xi32, #tpu.memory_space<vmem>>) target_semaphore(%run_scoped3A : memref<!tpu.dma_semaphore, #tpu.memory_space<semaphore_mem>>)
        %dma_wait3A_138 = tpu.memref_slice %arg5[%add3A_126] : memref<320000xi32, #tpu.memory_space<hbm>> -> memref<80xi32, #tpu.memory_space<hbm>>
        %dma_wait3A_139 = tpu.memref_slice %arg5[%add3A_126] : memref<320000xi32, #tpu.memory_space<hbm>> -> memref<80xi32, #tpu.memory_space<hbm>>
        tpu.wait_dma2 semaphore(%run_scoped3A : memref<!tpu.dma_semaphore, #tpu.memory_space<semaphore_mem>>) src(%dma_wait3A_139 : memref<80xi32, #tpu.memory_space<hbm>>) dst(%arg11 : memref<80xi32, #tpu.memory_space<vmem>>)
        tpu.yield
      }) : () -> ()
      "tpu.region"() ({
        %run_scoped3A = tpu.sem_alloc : memref<!tpu.dma_semaphore, #tpu.memory_space<semaphore_mem>>
        %dma_start3A_136 = tpu.memref_slice %arg6[%add3A_126] : memref<320000xi32, #tpu.memory_space<hbm>> -> memref<80xi32, #tpu.memory_space<hbm>>
        %dma_start3A_137 = tpu.memref_slice %arg6[%add3A_126] : memref<320000xi32, #tpu.memory_space<hbm>> -> memref<80xi32, #tpu.memory_space<hbm>>
        tpu.enqueue_dma source(%dma_start3A_137 : memref<80xi32, #tpu.memory_space<hbm>>) target(%arg12 : memref<80xi32, #tpu.memory_space<vmem>>) target_semaphore(%run_scoped3A : memref<!tpu.dma_semaphore, #tpu.memory_space<semaphore_mem>>)
        %dma_wait3A_138 = tpu.memref_slice %arg6[%add3A_126] : memref<320000xi32, #tpu.memory_space<hbm>> -> memref<80xi32, #tpu.memory_space<hbm>>
        %dma_wait3A_139 = tpu.memref_slice %arg6[%add3A_126] : memref<320000xi32, #tpu.memory_space<hbm>> -> memref<80xi32, #tpu.memory_space<hbm>>
        tpu.wait_dma2 semaphore(%run_scoped3A : memref<!tpu.dma_semaphore, #tpu.memory_space<semaphore_mem>>) src(%dma_wait3A_139 : memref<80xi32, #tpu.memory_space<hbm>>) dst(%arg12 : memref<80xi32, #tpu.memory_space<vmem>>)
        tpu.yield
      }) : () -> ()
      %dma_start3A_127 = arith.constant 0 : i32
      %dma_start3A_128 = arith.constant 0 : i32
      %dma_start3A_129 = tpu.memref_slice %arg2[%dma_start3A_127, %dma_start3A_128] : memref<10000x128xf32, #tpu.memory_space<hbm>> -> memref<10000x128xf32, #tpu.memory_space<hbm>>
      tpu.enqueue_indirect_dma source(%dma_start3A_129 : memref<10000x128xf32, #tpu.memory_space<hbm>>) target(%arg13 : memref<80x128xf32, #tpu.memory_space<vmem>>) offsets(%arg11 : memref<80xi32, #tpu.memory_space<vmem>>) semaphore(%arg23 : memref<!tpu.dma_semaphore, #tpu.memory_space<semaphore_mem>>)
      %dma_start3A_130 = arith.constant 0 : i32
      %dma_start3A_131 = arith.constant 0 : i32
      %dma_start3A_132 = tpu.memref_slice %arg3[%dma_start3A_130, %dma_start3A_131] : memref<10000x16xf32, #tpu.memory_space<hbm>> -> memref<10000x16xf32, #tpu.memory_space<hbm>>
      tpu.enqueue_indirect_dma source(%dma_start3A_132 : memref<10000x16xf32, #tpu.memory_space<hbm>>) target(%arg14 : memref<80x16xf32, #tpu.memory_space<vmem>>) offsets(%arg11 : memref<80xi32, #tpu.memory_space<vmem>>) semaphore(%arg23 : memref<!tpu.dma_semaphore, #tpu.memory_space<semaphore_mem>>)
      %dma_start3A_133 = arith.constant 0 : i32
      %dma_start3A_134 = arith.constant 0 : i32
      %dma_start3A_135 = tpu.memref_slice %arg4[%dma_start3A_133, %dma_start3A_134] : memref<10000x16xf32, #tpu.memory_space<hbm>> -> memref<10000x16xf32, #tpu.memory_space<hbm>>
      tpu.enqueue_indirect_dma source(%dma_start3A_135 : memref<10000x16xf32, #tpu.memory_space<hbm>>) target(%arg15 : memref<80x16xf32, #tpu.memory_space<vmem>>) offsets(%arg12 : memref<80xi32, #tpu.memory_space<vmem>>) semaphore(%arg23 : memref<!tpu.dma_semaphore, #tpu.memory_space<semaphore_mem>>)
    }
    %scan3A_19 = arith.constant 62 : i32
    %dma_wait3A = arith.constant 0 : i32
    %dma_wait3A_20 = arith.constant 0 : i32
    %dma_wait3A_21 = tpu.memref_slice %arg21[%dma_wait3A, %dma_wait3A_20] : memref<10240x128xf32, #tpu.memory_space<vmem_shared>> -> memref<10240x128xf32, #tpu.memory_space<vmem_shared>>
    tpu.wait_indirect_dma semaphore(%arg26 : memref<!tpu.dma_semaphore, #tpu.memory_space<semaphore_mem>>) src(%arg18 : memref<80x128xf32, #tpu.memory_space<vmem>>) dst(%dma_wait3A_21 : memref<10240x128xf32, #tpu.memory_space<vmem_shared>>)
    %dma_wait3A_22 = arith.constant 0 : i32
    %dma_wait3A_23 = arith.constant 0 : i32
    %dma_wait3A_24 = tpu.memref_slice %arg22[%dma_wait3A_22, %dma_wait3A_23] : memref<10240x16xf32, #tpu.memory_space<vmem_shared>> -> memref<10240x16xf32, #tpu.memory_space<vmem_shared>>
    tpu.wait_indirect_dma semaphore(%arg26 : memref<!tpu.dma_semaphore, #tpu.memory_space<semaphore_mem>>) src(%arg20 : memref<80x16xf32, #tpu.memory_space<vmem>>) dst(%dma_wait3A_24 : memref<10240x16xf32, #tpu.memory_space<vmem_shared>>)
    %dma_wait3A_25 = arith.constant 0 : i32
    %dma_wait3A_26 = arith.constant 0 : i32
    %dma_wait3A_27 = tpu.memref_slice %arg2[%dma_wait3A_25, %dma_wait3A_26] : memref<10000x128xf32, #tpu.memory_space<hbm>> -> memref<10000x128xf32, #tpu.memory_space<hbm>>
    tpu.wait_indirect_dma semaphore(%arg23 : memref<!tpu.dma_semaphore, #tpu.memory_space<semaphore_mem>>) src(%dma_wait3A_27 : memref<10000x128xf32, #tpu.memory_space<hbm>>) dst(%arg13 : memref<80x128xf32, #tpu.memory_space<vmem>>)
    %dma_wait3A_28 = arith.constant 0 : i32
    %dma_wait3A_29 = arith.constant 0 : i32
    %dma_wait3A_30 = tpu.memref_slice %arg3[%dma_wait3A_28, %dma_wait3A_29] : memref<10000x16xf32, #tpu.memory_space<hbm>> -> memref<10000x16xf32, #tpu.memory_space<hbm>>
    tpu.wait_indirect_dma semaphore(%arg23 : memref<!tpu.dma_semaphore, #tpu.memory_space<semaphore_mem>>) src(%dma_wait3A_30 : memref<10000x16xf32, #tpu.memory_space<hbm>>) dst(%arg14 : memref<80x16xf32, #tpu.memory_space<vmem>>)
    %dma_wait3A_31 = arith.constant 0 : i32
    %dma_wait3A_32 = arith.constant 0 : i32
    %dma_wait3A_33 = tpu.memref_slice %arg4[%dma_wait3A_31, %dma_wait3A_32] : memref<10000x16xf32, #tpu.memory_space<hbm>> -> memref<10000x16xf32, #tpu.memory_space<hbm>>
    tpu.wait_indirect_dma semaphore(%arg23 : memref<!tpu.dma_semaphore, #tpu.memory_space<semaphore_mem>>) src(%dma_wait3A_33 : memref<10000x16xf32, #tpu.memory_space<hbm>>) dst(%arg15 : memref<80x16xf32, #tpu.memory_space<vmem>>)
    %scan3A_34 = arith.constant 0 : i32
    %scan3A_35 = arith.constant 0 : i32
    %scan3A_36 = arith.constant 80 : i32
    %scan3A_37 = arith.addi %scan3A_35, %scan3A_36 : i32
    %scan3A_38 = arith.constant 1 : i32
    scf.for %scan3A_53 = %scan3A_35 to %scan3A_37 step %scan3A_38  : i32 {
      %get3A = arith.index_cast %scan3A_53 : i32 to index
      %get3A_54 = arith.constant 0 : index
      %get3A_55 = tpu.vector_load %arg14[%get3A, %get3A_54] {strides = array<i32>} : memref<80x16xf32, #tpu.memory_space<vmem>>, vector<1x16xf32>,
      %get3A_56 = vector.shape_cast %get3A_55 : vector<1x16xf32> to vector<16xf32>
      %get3A_57 = arith.index_cast %scan3A_53 : i32 to index
      %get3A_58 = arith.constant 0 : index
      %get3A_59 = tpu.vector_load %arg15[%get3A_57, %get3A_58] {strides = array<i32>} : memref<80x16xf32, #tpu.memory_space<vmem>>, vector<1x16xf32>,
      %get3A_60 = vector.shape_cast %get3A_59 : vector<1x16xf32> to vector<16xf32>
      %add3A_61 = arith.addf %get3A_56, %get3A_60 : vector<16xf32>
      %gt3A = arith.constant 0.000000e+00 : f32
      %gt3A_62 = vector.broadcast %gt3A : f32 to vector<16xf32>
      %gt3A_63 = arith.cmpf ogt, %add3A_61, %gt3A_62 : vector<16xf32>
      %mul3A_64 = arith.constant 2.000000e-01 : f32
      %mul3A_65 = vector.broadcast %mul3A_64 : f32 to vector<16xf32>
      %mul3A_66 = arith.mulf %add3A_61, %mul3A_65 : vector<16xf32>
      %select_n3A = arith.select %gt3A_63, %add3A_61, %mul3A_66 : vector<16xi1>, vector<16xf32>
      %exp3A = math.exp %select_n3A : vector<16xf32>
      %swap3A = arith.index_cast %scan3A_53 : i32 to index
      %swap3A_67 = arith.constant 0 : index
      %swap3A_68 = tpu.vector_load %arg15[%swap3A, %swap3A_67] {strides = array<i32>} : memref<80x16xf32, #tpu.memory_space<vmem>>, vector<1x16xf32>,
      %swap3A_69 = vector.shape_cast %swap3A_68 : vector<1x16xf32> to vector<16xf32>
      %swap3A_70 = vector.shape_cast %exp3A : vector<16xf32> to vector<1x16xf32>
      tpu.vector_store %arg15[%swap3A, %swap3A_67], %swap3A_70 {strides = array<i32>} : memref<80x16xf32, #tpu.memory_space<vmem>>, vector<1x16xf32>,
      %get3A_71 = arith.index_cast %scan3A_53 : i32 to index
      %get3A_72 = arith.constant 0 : index
      %get3A_73 = tpu.vector_load %arg13[%get3A_71, %get3A_72] {strides = array<i32>} : memref<80x128xf32, #tpu.memory_space<vmem>>, vector<1x16xf32>,
      %get3A_74 = vector.shape_cast %get3A_73 : vector<1x16xf32> to vector<16xf32>
      %slice3A = vector.extract_strided_slice %exp3A {offsets = [0], sizes = [1], strides = [1]} : vector<16xf32> to vector<1xf32>
      %squeeze3A = vector.extract %slice3A[0] : f32 from vector<1xf32>
      %mul3A_75 = vector.broadcast %squeeze3A : f32 to vector<16xf32>
      %mul3A_76 = arith.mulf %get3A_74, %mul3A_75 : vector<16xf32>
      %swap3A_77 = arith.index_cast %scan3A_53 : i32 to index
      %swap3A_78 = arith.constant 0 : index
      %swap3A_79 = tpu.vector_load %arg13[%swap3A_77, %swap3A_78] {strides = array<i32>} : memref<80x128xf32, #tpu.memory_space<vmem>>, vector<1x16xf32>,
      %swap3A_80 = vector.shape_cast %swap3A_79 : vector<1x16xf32> to vector<16xf32>
      %swap3A_81 = vector.shape_cast %mul3A_76 : vector<16xf32> to vector<1x16xf32>
      tpu.vector_store %arg13[%swap3A_77, %swap3A_78], %swap3A_81 {strides = array<i32>} : memref<80x128xf32, #tpu.memory_space<vmem>>, vector<1x16xf32>,
      %get3A_82 = arith.index_cast %scan3A_53 : i32 to index
      %get3A_83 = arith.constant 16 : index
      %get3A_84 = tpu.vector_load %arg13[%get3A_82, %get3A_83] {strides = array<i32>} : memref<80x128xf32, #tpu.memory_space<vmem>>, vector<1x16xf32>,
      %get3A_85 = vector.shape_cast %get3A_84 : vector<1x16xf32> to vector<16xf32>
      %slice3A_86 = vector.extract_strided_slice %exp3A {offsets = [1], sizes = [1], strides = [1]} : vector<16xf32> to vector<1xf32>
      %squeeze3A_87 = vector.extract %slice3A_86[0] : f32 from vector<1xf32>
      %mul3A_88 = vector.broadcast %squeeze3A_87 : f32 to vector<16xf32>
      %mul3A_89 = arith.mulf %get3A_85, %mul3A_88 : vector<16xf32>
      %swap3A_90 = arith.index_cast %scan3A_53 : i32 to index
      %swap3A_91 = arith.constant 16 : index
      %swap3A_92 = tpu.vector_load %arg13[%swap3A_90, %swap3A_91] {strides = array<i32>} : memref<80x128xf32, #tpu.memory_space<vmem>>, vector<1x16xf32>,
      %swap3A_93 = vector.shape_cast %swap3A_92 : vector<1x16xf32> to vector<16xf32>
      %swap3A_94 = vector.shape_cast %mul3A_89 : vector<16xf32> to vector<1x16xf32>
      tpu.vector_store %arg13[%swap3A_90, %swap3A_91], %swap3A_94 {strides = array<i32>} : memref<80x128xf32, #tpu.memory_space<vmem>>, vector<1x16xf32>,
      %get3A_95 = arith.index_cast %scan3A_53 : i32 to index
      %get3A_96 = arith.constant 32 : index
      %get3A_97 = tpu.vector_load %arg13[%get3A_95, %get3A_96] {strides = array<i32>} : memref<80x128xf32, #tpu.memory_space<vmem>>, vector<1x16xf32>,
      %get3A_98 = vector.shape_cast %get3A_97 : vector<1x16xf32> to vector<16xf32>
      %slice3A_99 = vector.extract_strided_slice %exp3A {offsets = [2], sizes = [1], strides = [1]} : vector<16xf32> to vector<1xf32>
      %squeeze3A_100 = vector.extract %slice3A_99[0] : f32 from vector<1xf32>
      %mul3A_101 = vector.broadcast %squeeze3A_100 : f32 to vector<16xf32>
      %mul3A_102 = arith.mulf %get3A_98, %mul3A_101 : vector<16xf32>
      %swap3A_103 = arith.index_cast %scan3A_53 : i32 to index
      %swap3A_104 = arith.constant 32 : index
      %swap3A_105 = tpu.vector_load %arg13[%swap3A_103, %swap3A_104] {strides = array<i32>} : memref<80x128xf32, #tpu.memory_space<vmem>>, vector<1x16xf32>,
      %swap3A_106 = vector.shape_cast %swap3A_105 : vector<1x16xf32> to vector<16xf32>
      %swap3A_107 = vector.shape_cast %mul3A_102 : vector<16xf32> to vector<1x16xf32>
      tpu.vector_store %arg13[%swap3A_103, %swap3A_104], %swap3A_107 {strides = array<i32>} : memref<80x128xf32, #tpu.memory_space<vmem>>, vector<1x16xf32>,
      %get3A_108 = arith.index_cast %scan3A_53 : i32 to index
      %get3A_109 = arith.constant 48 : index
      %get3A_110 = tpu.vector_load %arg13[%get3A_108, %get3A_109] {strides = array<i32>} : memref<80x128xf32, #tpu.memory_space<vmem>>, vector<1x16xf32>,
      %get3A_111 = vector.shape_cast %get3A_110 : vector<1x16xf32> to vector<16xf32>
      %slice3A_112 = vector.extract_strided_slice %exp3A {offsets = [3], sizes = [1], strides = [1]} : vector<16xf32> to vector<1xf32>
      %squeeze3A_113 = vector.extract %slice3A_112[0] : f32 from vector<1xf32>
      %mul3A_114 = vector.broadcast %squeeze3A_113 : f32 to vector<16xf32>
      %mul3A_115 = arith.mulf %get3A_111, %mul3A_114 : vector<16xf32>
      %swap3A_116 = arith.index_cast %scan3A_53 : i32 to index
      %swap3A_117 = arith.constant 48 : index
      %swap3A_118 = tpu.vector_load %arg13[%swap3A_116, %swap3A_117] {strides = array<i32>} : memref<80x128xf32, #tpu.memory_space<vmem>>, vector<1x16xf32>,
      %swap3A_119 = vector.shape_cast %swap3A_118 : vector<1x16xf32> to vector<16xf32>
      %swap3A_120 = vector.shape_cast %mul3A_115 : vector<16xf32> to vector<1x16xf32>
      tpu.vector_store %arg13[%swap3A_116, %swap3A_117], %swap3A_120 {strides = array<i32>} : memref<80x128xf32, #tpu.memory_space<vmem>>, vector<1x16xf32>,
      %get3A_121 = arith.index_cast %scan3A_53 : i32 to index
      %get3A_122 = arith.constant 64 : index
      %get3A_123 = tpu.vector_load %arg13[%get3A_121, %get3A_122] {strides = array<i32>} : memref<80x128xf32, #tpu.memory_space<vmem>>, vector<1x16xf32>,
      %get3A_124 = vector.shape_cast %get3A_123 : vector<1x16xf32> to vector<16xf32>
      %slice3A_125 = vector.extract_strided_slice %exp3A {offsets = [4], sizes = [1], strides = [1]} : vector<16xf32> to vector<1xf32>
      %squeeze3A_126 = vector.extract %slice3A_125[0] : f32 from vector<1xf32>
      %mul3A_127 = vector.broadcast %squeeze3A_126 : f32 to vector<16xf32>
      %mul3A_128 = arith.mulf %get3A_124, %mul3A_127 : vector<16xf32>
      %swap3A_129 = arith.index_cast %scan3A_53 : i32 to index
      %swap3A_130 = arith.constant 64 : index
      %swap3A_131 = tpu.vector_load %arg13[%swap3A_129, %swap3A_130] {strides = array<i32>} : memref<80x128xf32, #tpu.memory_space<vmem>>, vector<1x16xf32>,
      %swap3A_132 = vector.shape_cast %swap3A_131 : vector<1x16xf32> to vector<16xf32>
      %swap3A_133 = vector.shape_cast %mul3A_128 : vector<16xf32> to vector<1x16xf32>
      tpu.vector_store %arg13[%swap3A_129, %swap3A_130], %swap3A_133 {strides = array<i32>} : memref<80x128xf32, #tpu.memory_space<vmem>>, vector<1x16xf32>,
      %get3A_134 = arith.index_cast %scan3A_53 : i32 to index
      %get3A_135 = arith.constant 80 : index
      %get3A_136 = tpu.vector_load %arg13[%get3A_134, %get3A_135] {strides = array<i32>} : memref<80x128xf32, #tpu.memory_space<vmem>>, vector<1x16xf32>,
      %get3A_137 = vector.shape_cast %get3A_136 : vector<1x16xf32> to vector<16xf32>
      %slice3A_138 = vector.extract_strided_slice %exp3A {offsets = [5], sizes = [1], strides = [1]} : vector<16xf32> to vector<1xf32>
      %squeeze3A_139 = vector.extract %slice3A_138[0] : f32 from vector<1xf32>
      %mul3A_140 = vector.broadcast %squeeze3A_139 : f32 to vector<16xf32>
      %mul3A_141 = arith.mulf %get3A_137, %mul3A_140 : vector<16xf32>
      %swap3A_142 = arith.index_cast %scan3A_53 : i32 to index
      %swap3A_143 = arith.constant 80 : index
      %swap3A_144 = tpu.vector_load %arg13[%swap3A_142, %swap3A_143] {strides = array<i32>} : memref<80x128xf32, #tpu.memory_space<vmem>>, vector<1x16xf32>,
      %swap3A_145 = vector.shape_cast %swap3A_144 : vector<1x16xf32> to vector<16xf32>
      %swap3A_146 = vector.shape_cast %mul3A_141 : vector<16xf32> to vector<1x16xf32>
      tpu.vector_store %arg13[%swap3A_142, %swap3A_143], %swap3A_146 {strides = array<i32>} : memref<80x128xf32, #tpu.memory_space<vmem>>, vector<1x16xf32>,
      %get3A_147 = arith.index_cast %scan3A_53 : i32 to index
      %get3A_148 = arith.constant 96 : index
      %get3A_149 = tpu.vector_load %arg13[%get3A_147, %get3A_148] {strides = array<i32>} : memref<80x128xf32, #tpu.memory_space<vmem>>, vector<1x16xf32>,
      %get3A_150 = vector.shape_cast %get3A_149 : vector<1x16xf32> to vector<16xf32>
      %slice3A_151 = vector.extract_strided_slice %exp3A {offsets = [6], sizes = [1], strides = [1]} : vector<16xf32> to vector<1xf32>
      %squeeze3A_152 = vector.extract %slice3A_151[0] : f32 from vector<1xf32>
      %mul3A_153 = vector.broadcast %squeeze3A_152 : f32 to vector<16xf32>
      %mul3A_154 = arith.mulf %get3A_150, %mul3A_153 : vector<16xf32>
      %swap3A_155 = arith.index_cast %scan3A_53 : i32 to index
      %swap3A_156 = arith.constant 96 : index
      %swap3A_157 = tpu.vector_load %arg13[%swap3A_155, %swap3A_156] {strides = array<i32>} : memref<80x128xf32, #tpu.memory_space<vmem>>, vector<1x16xf32>,
      %swap3A_158 = vector.shape_cast %swap3A_157 : vector<1x16xf32> to vector<16xf32>
      %swap3A_159 = vector.shape_cast %mul3A_154 : vector<16xf32> to vector<1x16xf32>
      tpu.vector_store %arg13[%swap3A_155, %swap3A_156], %swap3A_159 {strides = array<i32>} : memref<80x128xf32, #tpu.memory_space<vmem>>, vector<1x16xf32>,
      %get3A_160 = arith.index_cast %scan3A_53 : i32 to index
      %get3A_161 = arith.constant 112 : index
      %get3A_162 = tpu.vector_load %arg13[%get3A_160, %get3A_161] {strides = array<i32>} : memref<80x128xf32, #tpu.memory_space<vmem>>, vector<1x16xf32>,
      %get3A_163 = vector.shape_cast %get3A_162 : vector<1x16xf32> to vector<16xf32>
      %slice3A_164 = vector.extract_strided_slice %exp3A {offsets = [7], sizes = [1], strides = [1]} : vector<16xf32> to vector<1xf32>
      %squeeze3A_165 = vector.extract %slice3A_164[0] : f32 from vector<1xf32>
      %mul3A_166 = vector.broadcast %squeeze3A_165 : f32 to vector<16xf32>
      %mul3A_167 = arith.mulf %get3A_163, %mul3A_166 : vector<16xf32>
      %swap3A_168 = arith.index_cast %scan3A_53 : i32 to index
      %swap3A_169 = arith.constant 112 : index
      %swap3A_170 = tpu.vector_load %arg13[%swap3A_168, %swap3A_169] {strides = array<i32>} : memref<80x128xf32, #tpu.memory_space<vmem>>, vector<1x16xf32>,
      %swap3A_171 = vector.shape_cast %swap3A_170 : vector<1x16xf32> to vector<16xf32>
      %swap3A_172 = vector.shape_cast %mul3A_167 : vector<16xf32> to vector<1x16xf32>
      tpu.vector_store %arg13[%swap3A_168, %swap3A_169], %swap3A_172 {strides = array<i32>} : memref<80x128xf32, #tpu.memory_space<vmem>>, vector<1x16xf32>,
    }
    %scan3A_39 = arith.constant 80 : i32
    %dma_start3A_40 = arith.constant 0 : i32
    %dma_start3A_41 = arith.constant 0 : i32
    %dma_start3A_42 = tpu.memref_slice %arg21[%dma_start3A_40, %dma_start3A_41] : memref<10240x128xf32, #tpu.memory_space<vmem_shared>> -> memref<10240x128xf32, #tpu.memory_space<vmem_shared>>
    tpu.enqueue_indirect_dma source(%arg13 : memref<80x128xf32, #tpu.memory_space<vmem>>) target(%dma_start3A_42 : memref<10240x128xf32, #tpu.memory_space<vmem_shared>>) offsets(%arg12 : memref<80xi32, #tpu.memory_space<vmem>>) semaphore(%arg25 : memref<!tpu.dma_semaphore, #tpu.memory_space<semaphore_mem>>) {add = true}
    %dma_start3A_43 = arith.constant 0 : i32
    %dma_start3A_44 = arith.constant 0 : i32
    %dma_start3A_45 = tpu.memref_slice %arg22[%dma_start3A_43, %dma_start3A_44] : memref<10240x16xf32, #tpu.memory_space<vmem_shared>> -> memref<10240x16xf32, #tpu.memory_space<vmem_shared>>
    tpu.enqueue_indirect_dma source(%arg15 : memref<80x16xf32, #tpu.memory_space<vmem>>) target(%dma_start3A_45 : memref<10240x16xf32, #tpu.memory_space<vmem_shared>>) offsets(%arg12 : memref<80xi32, #tpu.memory_space<vmem>>) semaphore(%arg25 : memref<!tpu.dma_semaphore, #tpu.memory_space<semaphore_mem>>) {add = true}
    %dma_wait3A_46 = arith.constant 0 : i32
    %dma_wait3A_47 = arith.constant 0 : i32
    %dma_wait3A_48 = tpu.memref_slice %arg21[%dma_wait3A_46, %dma_wait3A_47] : memref<10240x128xf32, #tpu.memory_space<vmem_shared>> -> memref<10240x128xf32, #tpu.memory_space<vmem_shared>>
    tpu.wait_indirect_dma semaphore(%arg25 : memref<!tpu.dma_semaphore, #tpu.memory_space<semaphore_mem>>) src(%arg13 : memref<80x128xf32, #tpu.memory_space<vmem>>) dst(%dma_wait3A_48 : memref<10240x128xf32, #tpu.memory_space<vmem_shared>>)
    %dma_wait3A_49 = arith.constant 0 : i32
    %dma_wait3A_50 = arith.constant 0 : i32
    %dma_wait3A_51 = tpu.memref_slice %arg22[%dma_wait3A_49, %dma_wait3A_50] : memref<10240x16xf32, #tpu.memory_space<vmem_shared>> -> memref<10240x16xf32, #tpu.memory_space<vmem_shared>>
    tpu.wait_indirect_dma semaphore(%arg25 : memref<!tpu.dma_semaphore, #tpu.memory_space<semaphore_mem>>) src(%arg15 : memref<80x16xf32, #tpu.memory_space<vmem>>) dst(%dma_wait3A_51 : memref<10240x16xf32, #tpu.memory_space<vmem_shared>>)
    %barrier3A_52 = arith.constant 0 : index
    tpu.barrier barrier_id(%barrier3A_52)
    "tpu.region"() ({
      %run_scoped3A = tpu.sem_alloc : memref<!tpu.dma_semaphore, #tpu.memory_space<semaphore_mem>>
      %dma_start3A_53 = arith.constant 0 : i32
      %dma_start3A_54 = tpu.memref_slice %arg9[%arg0, %mul3A_2, %dma_start3A_53] : memref<2x10240x128xf32, #tpu.memory_space<hbm>> -> memref<1x640x128xf32, #tpu.memory_space<hbm>>
      %dma_start3A_55 = tpu.memref_squeeze %dma_start3A_54 : memref<1x640x128xf32, #tpu.memory_space<hbm>> -> memref<640x128xf32, #tpu.memory_space<hbm>>
      %dma_start3A_56 = arith.constant 0 : i32
      %dma_start3A_57 = tpu.memref_slice %arg21[%mul3A_2, %dma_start3A_56] : memref<10240x128xf32, #tpu.memory_space<vmem_shared>> -> memref<640x128xf32, #tpu.memory_space<vmem_shared>>
      tpu.enqueue_dma source(%dma_start3A_57 : memref<640x128xf32, #tpu.memory_space<vmem_shared>>) target(%dma_start3A_55 : memref<640x128xf32, #tpu.memory_space<hbm>>) target_semaphore(%run_scoped3A : memref<!tpu.dma_semaphore, #tpu.memory_space<semaphore_mem>>)
      %dma_wait3A_58 = arith.constant 0 : i32
      %dma_wait3A_59 = tpu.memref_slice %arg9[%arg0, %mul3A_2, %dma_wait3A_58] : memref<2x10240x128xf32, #tpu.memory_space<hbm>> -> memref<1x640x128xf32, #tpu.memory_space<hbm>>
      %dma_wait3A_60 = tpu.memref_squeeze %dma_wait3A_59 : memref<1x640x128xf32, #tpu.memory_space<hbm>> -> memref<640x128xf32, #tpu.memory_space<hbm>>
      %dma_wait3A_61 = arith.constant 0 : i32
      %dma_wait3A_62 = tpu.memref_slice %arg21[%mul3A_2, %dma_wait3A_61] : memref<10240x128xf32, #tpu.memory_space<vmem_shared>> -> memref<640x128xf32, #tpu.memory_space<vmem_shared>>
      tpu.wait_dma2 semaphore(%run_scoped3A : memref<!tpu.dma_semaphore, #tpu.memory_space<semaphore_mem>>) src(%dma_wait3A_62 : memref<640x128xf32, #tpu.memory_space<vmem_shared>>) dst(%dma_wait3A_60 : memref<640x128xf32, #tpu.memory_space<hbm>>)
      tpu.yield
    }) : () -> ()
    "tpu.region"() ({
      %run_scoped3A = tpu.sem_alloc : memref<!tpu.dma_semaphore, #tpu.memory_space<semaphore_mem>>
      %dma_start3A_53 = arith.constant 0 : i32
      %dma_start3A_54 = tpu.memref_slice %arg10[%arg0, %mul3A_2, %dma_start3A_53] : memref<2x10240x16xf32, #tpu.memory_space<hbm>> -> memref<1x640x16xf32, #tpu.memory_space<hbm>>
      %dma_start3A_55 = tpu.memref_squeeze %dma_start3A_54 : memref<1x640x16xf32, #tpu.memory_space<hbm>> -> memref<640x16xf32, #tpu.memory_space<hbm>>
      %dma_start3A_56 = arith.constant 0 : i32
      %dma_start3A_57 = tpu.memref_slice %arg22[%mul3A_2, %dma_start3A_56] : memref<10240x16xf32, #tpu.memory_space<vmem_shared>> -> memref<640x16xf32, #tpu.memory_space<vmem_shared>>
      tpu.enqueue_dma source(%dma_start3A_57 : memref<640x16xf32, #tpu.memory_space<vmem_shared>>) target(%dma_start3A_55 : memref<640x16xf32, #tpu.memory_space<hbm>>) target_semaphore(%run_scoped3A : memref<!tpu.dma_semaphore, #tpu.memory_space<semaphore_mem>>)
      %dma_wait3A_58 = arith.constant 0 : i32
      %dma_wait3A_59 = tpu.memref_slice %arg10[%arg0, %mul3A_2, %dma_wait3A_58] : memref<2x10240x16xf32, #tpu.memory_space<hbm>> -> memref<1x640x16xf32, #tpu.memory_space<hbm>>
      %dma_wait3A_60 = tpu.memref_squeeze %dma_wait3A_59 : memref<1x640x16xf32, #tpu.memory_space<hbm>> -> memref<640x16xf32, #tpu.memory_space<hbm>>
      %dma_wait3A_61 = arith.constant 0 : i32
      %dma_wait3A_62 = tpu.memref_slice %arg22[%mul3A_2, %dma_wait3A_61] : memref<10240x16xf32, #tpu.memory_space<vmem_shared>> -> memref<640x16xf32, #tpu.memory_space<vmem_shared>>
      tpu.wait_dma2 semaphore(%run_scoped3A : memref<!tpu.dma_semaphore, #tpu.memory_space<semaphore_mem>>) src(%dma_wait3A_62 : memref<640x16xf32, #tpu.memory_space<vmem_shared>>) dst(%dma_wait3A_60 : memref<640x16xf32, #tpu.memory_space<hbm>>)
      tpu.yield
    }) : () -> ()
    return
  }
}

#map = affine_map<(d0, d1) -> (0, 0)>
#map1 = affine_map<(d0, d1) -> (0)>
#map2 = affine_map<(d0, d1) -> (0, 0, 0)>
module attributes {stable_mosaic.version = 14 : i64} {
  func.func @edge_pass(%arg0: i32, %arg1: i32, %arg2: memref<10000x128xf32, #tpu.memory_space<hbm>>, %arg3: memref<10000x16xf32, #tpu.memory_space<hbm>>, %arg4: memref<10000x16xf32, #tpu.memory_space<hbm>>, %arg5: memref<320000xi32, #tpu.memory_space<hbm>>, %arg6: memref<320000xi32, #tpu.memory_space<hbm>>, %arg7: memref<640x128xf32, #tpu.memory_space<hbm>>, %arg8: memref<640x16xf32, #tpu.memory_space<hbm>>, %arg9: memref<2x10240x128xf32, #tpu.memory_space<hbm>>, %arg10: memref<2x10240x16xf32, #tpu.memory_space<hbm>>, %arg11: memref<80xi32, #tpu.memory_space<vmem>>, %arg12: memref<80xi32, #tpu.memory_space<vmem>>, %arg13: memref<80x128xf32, #tpu.memory_space<vmem>>, %arg14: memref<80x16xf32, #tpu.memory_space<vmem>>, %arg15: memref<80x16xf32, #tpu.memory_space<vmem>>, %arg16: memref<80xi32, #tpu.memory_space<vmem>>, %arg17: memref<80xi32, #tpu.memory_space<vmem>>, %arg18: memref<80x128xf32, #tpu.memory_space<vmem>>, %arg19: memref<80x16xf32, #tpu.memory_space<vmem>>, %arg20: memref<80x16xf32, #tpu.memory_space<vmem>>, %arg21: memref<10240x128xf32, #tpu.memory_space<vmem_shared>>, %arg22: memref<10240x16xf32, #tpu.memory_space<vmem_shared>>, %arg23: memref<!tpu.dma_semaphore, #tpu.memory_space<semaphore_mem>>, %arg24: memref<!tpu.dma_semaphore, #tpu.memory_space<semaphore_mem>>, %arg25: memref<!tpu.dma_semaphore, #tpu.memory_space<semaphore_mem>>, %arg26: memref<!tpu.dma_semaphore, #tpu.memory_space<semaphore_mem>>) attributes {dimension_semantics = [#tpu.dimension_semantics<core_parallel>, #tpu.dimension_semantics<subcore_parallel>], iteration_bounds = array<i64: 2, 16>, scalar_prefetch = 0 : i64, scratch_operands = 16 : i64, tpu.core_type = #tpu.core_type<sc_vector_subcore>, window_params = [{transform_indices = #map}, {transform_indices = #map}, {transform_indices = #map}, {transform_indices = #map1}, {transform_indices = #map1}, {transform_indices = #map}, {transform_indices = #map}, {transform_indices = #map2}, {transform_indices = #map2}]} {
    %mul3A = arith.constant 2 : i32
    %mul3A_0 = arith.muli %arg1, %mul3A : i32
    %add3A = arith.addi %mul3A_0, %arg0 : i32
    %mul3A_1 = arith.constant 640 : i32
    %mul3A_2 = arith.muli %arg1, %mul3A_1 : i32
    "tpu.region"() ({
      %run_scoped3A = tpu.sem_alloc : memref<!tpu.dma_semaphore, #tpu.memory_space<semaphore_mem>>
      %dma_start3A_53 = arith.constant 0 : i32
      %dma_start3A_54 = tpu.memref_slice %arg21[%mul3A_2, %dma_start3A_53] : memref<10240x128xf32, #tpu.memory_space<vmem_shared>> -> memref<640x128xf32, #tpu.memory_space<vmem_shared>>
      tpu.enqueue_dma source(%arg7 : memref<640x128xf32, #tpu.memory_space<hbm>>) target(%dma_start3A_54 : memref<640x128xf32, #tpu.memory_space<vmem_shared>>) target_semaphore(%run_scoped3A : memref<!tpu.dma_semaphore, #tpu.memory_space<semaphore_mem>>)
      %dma_wait3A_55 = arith.constant 0 : i32
      %dma_wait3A_56 = tpu.memref_slice %arg21[%mul3A_2, %dma_wait3A_55] : memref<10240x128xf32, #tpu.memory_space<vmem_shared>> -> memref<640x128xf32, #tpu.memory_space<vmem_shared>>
      tpu.wait_dma2 semaphore(%run_scoped3A : memref<!tpu.dma_semaphore, #tpu.memory_space<semaphore_mem>>) src(%arg7 : memref<640x128xf32, #tpu.memory_space<hbm>>) dst(%dma_wait3A_56 : memref<640x128xf32, #tpu.memory_space<vmem_shared>>)
      tpu.yield
    }) : () -> ()
    "tpu.region"() ({
      %run_scoped3A = tpu.sem_alloc : memref<!tpu.dma_semaphore, #tpu.memory_space<semaphore_mem>>
      %dma_start3A_53 = arith.constant 0 : i32
      %dma_start3A_54 = tpu.memref_slice %arg22[%mul3A_2, %dma_start3A_53] : memref<10240x16xf32, #tpu.memory_space<vmem_shared>> -> memref<640x16xf32, #tpu.memory_space<vmem_shared>>
      tpu.enqueue_dma source(%arg8 : memref<640x16xf32, #tpu.memory_space<hbm>>) target(%dma_start3A_54 : memref<640x16xf32, #tpu.memory_space<vmem_shared>>) target_semaphore(%run_scoped3A : memref<!tpu.dma_semaphore, #tpu.memory_space<semaphore_mem>>)
      %dma_wait3A_55 = arith.constant 0 : i32
      %dma_wait3A_56 = tpu.memref_slice %arg22[%mul3A_2, %dma_wait3A_55] : memref<10240x16xf32, #tpu.memory_space<vmem_shared>> -> memref<640x16xf32, #tpu.memory_space<vmem_shared>>
      tpu.wait_dma2 semaphore(%run_scoped3A : memref<!tpu.dma_semaphore, #tpu.memory_space<semaphore_mem>>) src(%arg8 : memref<640x16xf32, #tpu.memory_space<hbm>>) dst(%dma_wait3A_56 : memref<640x16xf32, #tpu.memory_space<vmem_shared>>)
      tpu.yield
    }) : () -> ()
    %barrier3A = arith.constant 0 : index
    tpu.barrier barrier_id(%barrier3A)
    %mul3A_3 = arith.constant 10000 : i32
    %mul3A_4 = arith.muli %add3A, %mul3A_3 : i32
    %add3A_5 = arith.constant 0 : i32
    %add3A_6 = arith.addi %mul3A_4, %add3A_5 : i32
    "tpu.region"() ({
      %run_scoped3A = tpu.sem_alloc : memref<!tpu.dma_semaphore, #tpu.memory_space<semaphore_mem>>
      %dma_start3A_53 = tpu.memref_slice %arg5[%add3A_6] : memref<320000xi32, #tpu.memory_space<hbm>> -> memref<80xi32, #tpu.memory_space<hbm>>
      %dma_start3A_54 = tpu.memref_slice %arg5[%add3A_6] : memref<320000xi32, #tpu.memory_space<hbm>> -> memref<80xi32, #tpu.memory_space<hbm>>
      tpu.enqueue_dma source(%dma_start3A_54 : memref<80xi32, #tpu.memory_space<hbm>>) target(%arg11 : memref<80xi32, #tpu.memory_space<vmem>>) target_semaphore(%run_scoped3A : memref<!tpu.dma_semaphore, #tpu.memory_space<semaphore_mem>>)
      %dma_wait3A_55 = tpu.memref_slice %arg5[%add3A_6] : memref<320000xi32, #tpu.memory_space<hbm>> -> memref<80xi32, #tpu.memory_space<hbm>>
      %dma_wait3A_56 = tpu.memref_slice %arg5[%add3A_6] : memref<320000xi32, #tpu.memory_space<hbm>> -> memref<80xi32, #tpu.memory_space<hbm>>
      tpu.wait_dma2 semaphore(%run_scoped3A : memref<!tpu.dma_semaphore, #tpu.memory_space<semaphore_mem>>) src(%dma_wait3A_56 : memref<80xi32, #tpu.memory_space<hbm>>) dst(%arg11 : memref<80xi32, #tpu.memory_space<vmem>>)
      tpu.yield
    }) : () -> ()
    "tpu.region"() ({
      %run_scoped3A = tpu.sem_alloc : memref<!tpu.dma_semaphore, #tpu.memory_space<semaphore_mem>>
      %dma_start3A_53 = tpu.memref_slice %arg6[%add3A_6] : memref<320000xi32, #tpu.memory_space<hbm>> -> memref<80xi32, #tpu.memory_space<hbm>>
      %dma_start3A_54 = tpu.memref_slice %arg6[%add3A_6] : memref<320000xi32, #tpu.memory_space<hbm>> -> memref<80xi32, #tpu.memory_space<hbm>>
      tpu.enqueue_dma source(%dma_start3A_54 : memref<80xi32, #tpu.memory_space<hbm>>) target(%arg12 : memref<80xi32, #tpu.memory_space<vmem>>) target_semaphore(%run_scoped3A : memref<!tpu.dma_semaphore, #tpu.memory_space<semaphore_mem>>)
      %dma_wait3A_55 = tpu.memref_slice %arg6[%add3A_6] : memref<320000xi32, #tpu.memory_space<hbm>> -> memref<80xi32, #tpu.memory_space<hbm>>
      %dma_wait3A_56 = tpu.memref_slice %arg6[%add3A_6] : memref<320000xi32, #tpu.memory_space<hbm>> -> memref<80xi32, #tpu.memory_space<hbm>>
      tpu.wait_dma2 semaphore(%run_scoped3A : memref<!tpu.dma_semaphore, #tpu.memory_space<semaphore_mem>>) src(%dma_wait3A_56 : memref<80xi32, #tpu.memory_space<hbm>>) dst(%arg12 : memref<80xi32, #tpu.memory_space<vmem>>)
      tpu.yield
    }) : () -> ()
    %dma_start3A = arith.constant 0 : i32
    %dma_start3A_7 = arith.constant 0 : i32
    %dma_start3A_8 = tpu.memref_slice %arg2[%dma_start3A, %dma_start3A_7] : memref<10000x128xf32, #tpu.memory_space<hbm>> -> memref<10000x128xf32, #tpu.memory_space<hbm>>
    tpu.enqueue_indirect_dma source(%dma_start3A_8 : memref<10000x128xf32, #tpu.memory_space<hbm>>) target(%arg13 : memref<80x128xf32, #tpu.memory_space<vmem>>) offsets(%arg11 : memref<80xi32, #tpu.memory_space<vmem>>) semaphore(%arg23 : memref<!tpu.dma_semaphore, #tpu.memory_space<semaphore_mem>>)
    %dma_start3A_9 = arith.constant 0 : i32
    %dma_start3A_10 = arith.constant 0 : i32
    %dma_start3A_11 = tpu.memref_slice %arg3[%dma_start3A_9, %dma_start3A_10] : memref<10000x16xf32, #tpu.memory_space<hbm>> -> memref<10000x16xf32, #tpu.memory_space<hbm>>
    tpu.enqueue_indirect_dma source(%dma_start3A_11 : memref<10000x16xf32, #tpu.memory_space<hbm>>) target(%arg14 : memref<80x16xf32, #tpu.memory_space<vmem>>) offsets(%arg11 : memref<80xi32, #tpu.memory_space<vmem>>) semaphore(%arg23 : memref<!tpu.dma_semaphore, #tpu.memory_space<semaphore_mem>>)
    %dma_start3A_12 = arith.constant 0 : i32
    %dma_start3A_13 = arith.constant 0 : i32
    %dma_start3A_14 = tpu.memref_slice %arg4[%dma_start3A_12, %dma_start3A_13] : memref<10000x16xf32, #tpu.memory_space<hbm>> -> memref<10000x16xf32, #tpu.memory_space<hbm>>
    tpu.enqueue_indirect_dma source(%dma_start3A_14 : memref<10000x16xf32, #tpu.memory_space<hbm>>) target(%arg15 : memref<80x16xf32, #tpu.memory_space<vmem>>) offsets(%arg12 : memref<80xi32, #tpu.memory_space<vmem>>) semaphore(%arg23 : memref<!tpu.dma_semaphore, #tpu.memory_space<semaphore_mem>>)
    %scan3A = arith.constant 0 : i32
    %scan3A_15 = arith.constant 0 : i32
    %scan3A_16 = arith.constant 62 : i32
    %scan3A_17 = arith.addi %scan3A_15, %scan3A_16 : i32
    %scan3A_18 = arith.constant 1 : i32
    scf.for %scan3A_53 = %scan3A_15 to %scan3A_17 step %scan3A_18  : i32 {
      %gt3A = arith.constant 0 : i32
      %gt3A_54 = arith.cmpi sgt, %scan3A_53, %gt3A : i32
      %convert_element_type3A = arith.extui %gt3A_54 : i1 to i32
      %cond3A = arith.constant 0 : i32
      %cond3A_55 = arith.cmpi ne, %convert_element_type3A, %cond3A : i32
      scf.if %cond3A_55 {
        %dma_wait3A_136 = arith.constant 0 : i32
        %dma_wait3A_137 = arith.constant 0 : i32
        %dma_wait3A_138 = tpu.memref_slice %arg21[%dma_wait3A_136, %dma_wait3A_137] : memref<10240x128xf32, #tpu.memory_space<vmem_shared>> -> memref<10240x128xf32, #tpu.memory_space<vmem_shared>>
        tpu.wait_indirect_dma semaphore(%arg26 : memref<!tpu.dma_semaphore, #tpu.memory_space<semaphore_mem>>) src(%arg18 : memref<80x128xf32, #tpu.memory_space<vmem>>) dst(%dma_wait3A_138 : memref<10240x128xf32, #tpu.memory_space<vmem_shared>>)
        %dma_wait3A_139 = arith.constant 0 : i32
        %dma_wait3A_140 = arith.constant 0 : i32
        %dma_wait3A_141 = tpu.memref_slice %arg22[%dma_wait3A_139, %dma_wait3A_140] : memref<10240x16xf32, #tpu.memory_space<vmem_shared>> -> memref<10240x16xf32, #tpu.memory_space<vmem_shared>>
        tpu.wait_indirect_dma semaphore(%arg26 : memref<!tpu.dma_semaphore, #tpu.memory_space<semaphore_mem>>) src(%arg20 : memref<80x16xf32, #tpu.memory_space<vmem>>) dst(%dma_wait3A_141 : memref<10240x16xf32, #tpu.memory_space<vmem_shared>>)
      } else {
      }
      %mul3A_56 = arith.constant 2 : i32
      %mul3A_57 = arith.muli %mul3A_56, %scan3A_53 : i32
      %add3A_58 = arith.constant 1 : i32
      %add3A_59 = arith.addi %mul3A_57, %add3A_58 : i32
      %mul3A_60 = arith.constant 80 : i32
      %mul3A_61 = arith.muli %add3A_59, %mul3A_60 : i32
      %add3A_62 = arith.addi %mul3A_4, %mul3A_61 : i32
      "tpu.region"() ({
        %run_scoped3A = tpu.sem_alloc : memref<!tpu.dma_semaphore, #tpu.memory_space<semaphore_mem>>
        %dma_start3A_136 = tpu.memref_slice %arg5[%add3A_62] : memref<320000xi32, #tpu.memory_space<hbm>> -> memref<80xi32, #tpu.memory_space<hbm>>
        %dma_start3A_137 = tpu.memref_slice %arg5[%add3A_62] : memref<320000xi32, #tpu.memory_space<hbm>> -> memref<80xi32, #tpu.memory_space<hbm>>
        tpu.enqueue_dma source(%dma_start3A_137 : memref<80xi32, #tpu.memory_space<hbm>>) target(%arg16 : memref<80xi32, #tpu.memory_space<vmem>>) target_semaphore(%run_scoped3A : memref<!tpu.dma_semaphore, #tpu.memory_space<semaphore_mem>>)
        %dma_wait3A_138 = tpu.memref_slice %arg5[%add3A_62] : memref<320000xi32, #tpu.memory_space<hbm>> -> memref<80xi32, #tpu.memory_space<hbm>>
        %dma_wait3A_139 = tpu.memref_slice %arg5[%add3A_62] : memref<320000xi32, #tpu.memory_space<hbm>> -> memref<80xi32, #tpu.memory_space<hbm>>
        tpu.wait_dma2 semaphore(%run_scoped3A : memref<!tpu.dma_semaphore, #tpu.memory_space<semaphore_mem>>) src(%dma_wait3A_139 : memref<80xi32, #tpu.memory_space<hbm>>) dst(%arg16 : memref<80xi32, #tpu.memory_space<vmem>>)
        tpu.yield
      }) : () -> ()
      "tpu.region"() ({
        %run_scoped3A = tpu.sem_alloc : memref<!tpu.dma_semaphore, #tpu.memory_space<semaphore_mem>>
        %dma_start3A_136 = tpu.memref_slice %arg6[%add3A_62] : memref<320000xi32, #tpu.memory_space<hbm>> -> memref<80xi32, #tpu.memory_space<hbm>>
        %dma_start3A_137 = tpu.memref_slice %arg6[%add3A_62] : memref<320000xi32, #tpu.memory_space<hbm>> -> memref<80xi32, #tpu.memory_space<hbm>>
        tpu.enqueue_dma source(%dma_start3A_137 : memref<80xi32, #tpu.memory_space<hbm>>) target(%arg17 : memref<80xi32, #tpu.memory_space<vmem>>) target_semaphore(%run_scoped3A : memref<!tpu.dma_semaphore, #tpu.memory_space<semaphore_mem>>)
        %dma_wait3A_138 = tpu.memref_slice %arg6[%add3A_62] : memref<320000xi32, #tpu.memory_space<hbm>> -> memref<80xi32, #tpu.memory_space<hbm>>
        %dma_wait3A_139 = tpu.memref_slice %arg6[%add3A_62] : memref<320000xi32, #tpu.memory_space<hbm>> -> memref<80xi32, #tpu.memory_space<hbm>>
        tpu.wait_dma2 semaphore(%run_scoped3A : memref<!tpu.dma_semaphore, #tpu.memory_space<semaphore_mem>>) src(%dma_wait3A_139 : memref<80xi32, #tpu.memory_space<hbm>>) dst(%arg17 : memref<80xi32, #tpu.memory_space<vmem>>)
        tpu.yield
      }) : () -> ()
      %dma_start3A_63 = arith.constant 0 : i32
      %dma_start3A_64 = arith.constant 0 : i32
      %dma_start3A_65 = tpu.memref_slice %arg2[%dma_start3A_63, %dma_start3A_64] : memref<10000x128xf32, #tpu.memory_space<hbm>> -> memref<10000x128xf32, #tpu.memory_space<hbm>>
      tpu.enqueue_indirect_dma source(%dma_start3A_65 : memref<10000x128xf32, #tpu.memory_space<hbm>>) target(%arg18 : memref<80x128xf32, #tpu.memory_space<vmem>>) offsets(%arg16 : memref<80xi32, #tpu.memory_space<vmem>>) semaphore(%arg24 : memref<!tpu.dma_semaphore, #tpu.memory_space<semaphore_mem>>)
      %dma_start3A_66 = arith.constant 0 : i32
      %dma_start3A_67 = arith.constant 0 : i32
      %dma_start3A_68 = tpu.memref_slice %arg3[%dma_start3A_66, %dma_start3A_67] : memref<10000x16xf32, #tpu.memory_space<hbm>> -> memref<10000x16xf32, #tpu.memory_space<hbm>>
      tpu.enqueue_indirect_dma source(%dma_start3A_68 : memref<10000x16xf32, #tpu.memory_space<hbm>>) target(%arg19 : memref<80x16xf32, #tpu.memory_space<vmem>>) offsets(%arg16 : memref<80xi32, #tpu.memory_space<vmem>>) semaphore(%arg24 : memref<!tpu.dma_semaphore, #tpu.memory_space<semaphore_mem>>)
      %dma_start3A_69 = arith.constant 0 : i32
      %dma_start3A_70 = arith.constant 0 : i32
      %dma_start3A_71 = tpu.memref_slice %arg4[%dma_start3A_69, %dma_start3A_70] : memref<10000x16xf32, #tpu.memory_space<hbm>> -> memref<10000x16xf32, #tpu.memory_space<hbm>>
      tpu.enqueue_indirect_dma source(%dma_start3A_71 : memref<10000x16xf32, #tpu.memory_space<hbm>>) target(%arg20 : memref<80x16xf32, #tpu.memory_space<vmem>>) offsets(%arg17 : memref<80xi32, #tpu.memory_space<vmem>>) semaphore(%arg24 : memref<!tpu.dma_semaphore, #tpu.memory_space<semaphore_mem>>)
      %dma_wait3A_72 = arith.constant 0 : i32
      %dma_wait3A_73 = arith.constant 0 : i32
      %dma_wait3A_74 = tpu.memref_slice %arg2[%dma_wait3A_72, %dma_wait3A_73] : memref<10000x128xf32, #tpu.memory_space<hbm>> -> memref<10000x128xf32, #tpu.memory_space<hbm>>
      tpu.wait_indirect_dma semaphore(%arg23 : memref<!tpu.dma_semaphore, #tpu.memory_space<semaphore_mem>>) src(%dma_wait3A_74 : memref<10000x128xf32, #tpu.memory_space<hbm>>) dst(%arg13 : memref<80x128xf32, #tpu.memory_space<vmem>>)
      %dma_wait3A_75 = arith.constant 0 : i32
      %dma_wait3A_76 = arith.constant 0 : i32
      %dma_wait3A_77 = tpu.memref_slice %arg3[%dma_wait3A_75, %dma_wait3A_76] : memref<10000x16xf32, #tpu.memory_space<hbm>> -> memref<10000x16xf32, #tpu.memory_space<hbm>>
      tpu.wait_indirect_dma semaphore(%arg23 : memref<!tpu.dma_semaphore, #tpu.memory_space<semaphore_mem>>) src(%dma_wait3A_77 : memref<10000x16xf32, #tpu.memory_space<hbm>>) dst(%arg14 : memref<80x16xf32, #tpu.memory_space<vmem>>)
      %dma_wait3A_78 = arith.constant 0 : i32
      %dma_wait3A_79 = arith.constant 0 : i32
      %dma_wait3A_80 = tpu.memref_slice %arg4[%dma_wait3A_78, %dma_wait3A_79] : memref<10000x16xf32, #tpu.memory_space<hbm>> -> memref<10000x16xf32, #tpu.memory_space<hbm>>
      tpu.wait_indirect_dma semaphore(%arg23 : memref<!tpu.dma_semaphore, #tpu.memory_space<semaphore_mem>>) src(%dma_wait3A_80 : memref<10000x16xf32, #tpu.memory_space<hbm>>) dst(%arg15 : memref<80x16xf32, #tpu.memory_space<vmem>>)
      %scan3A_81 = arith.constant 0 : i32
      %scan3A_82 = arith.constant 0 : i32
      %scan3A_83 = arith.constant 80 : i32
      %scan3A_84 = arith.addi %scan3A_82, %scan3A_83 : i32
      %scan3A_85 = arith.constant 1 : i32
      scf.for %scan3A_136 = %scan3A_82 to %scan3A_84 step %scan3A_85  : i32 {
        %get3A = arith.index_cast %scan3A_136 : i32 to index
        %get3A_137 = arith.constant 0 : index
        %get3A_138 = tpu.vector_load %arg14[%get3A, %get3A_137] {strides = array<i32>} : memref<80x16xf32, #tpu.memory_space<vmem>>, vector<1x16xf32>,
        %get3A_139 = vector.shape_cast %get3A_138 : vector<1x16xf32> to vector<16xf32>
        %get3A_140 = arith.index_cast %scan3A_136 : i32 to index
        %get3A_141 = arith.constant 0 : index
        %get3A_142 = tpu.vector_load %arg15[%get3A_140, %get3A_141] {strides = array<i32>} : memref<80x16xf32, #tpu.memory_space<vmem>>, vector<1x16xf32>,
        %get3A_143 = vector.shape_cast %get3A_142 : vector<1x16xf32> to vector<16xf32>
        %add3A_144 = arith.addf %get3A_139, %get3A_143 : vector<16xf32>
        %gt3A_145 = arith.constant 0.000000e+00 : f32
        %gt3A_146 = vector.broadcast %gt3A_145 : f32 to vector<16xf32>
        %gt3A_147 = arith.cmpf ogt, %add3A_144, %gt3A_146 : vector<16xf32>
        %mul3A_148 = arith.constant 2.000000e-01 : f32
        %mul3A_149 = vector.broadcast %mul3A_148 : f32 to vector<16xf32>
        %mul3A_150 = arith.mulf %add3A_144, %mul3A_149 : vector<16xf32>
        %select_n3A = arith.select %gt3A_147, %add3A_144, %mul3A_150 : vector<16xi1>, vector<16xf32>
        %exp3A = math.exp %select_n3A : vector<16xf32>
        %swap3A = arith.index_cast %scan3A_136 : i32 to index
        %swap3A_151 = arith.constant 0 : index
        %swap3A_152 = tpu.vector_load %arg15[%swap3A, %swap3A_151] {strides = array<i32>} : memref<80x16xf32, #tpu.memory_space<vmem>>, vector<1x16xf32>,
        %swap3A_153 = vector.shape_cast %swap3A_152 : vector<1x16xf32> to vector<16xf32>
        %swap3A_154 = vector.shape_cast %exp3A : vector<16xf32> to vector<1x16xf32>
        tpu.vector_store %arg15[%swap3A, %swap3A_151], %swap3A_154 {strides = array<i32>} : memref<80x16xf32, #tpu.memory_space<vmem>>, vector<1x16xf32>,
        %get3A_155 = arith.index_cast %scan3A_136 : i32 to index
        %get3A_156 = arith.constant 0 : index
        %get3A_157 = tpu.vector_load %arg13[%get3A_155, %get3A_156] {strides = array<i32>} : memref<80x128xf32, #tpu.memory_space<vmem>>, vector<1x16xf32>,
        %get3A_158 = vector.shape_cast %get3A_157 : vector<1x16xf32> to vector<16xf32>
        %slice3A = vector.extract_strided_slice %exp3A {offsets = [0], sizes = [1], strides = [1]} : vector<16xf32> to vector<1xf32>
        %squeeze3A = vector.extract %slice3A[0] : f32 from vector<1xf32>
        %mul3A_159 = vector.broadcast %squeeze3A : f32 to vector<16xf32>
        %mul3A_160 = arith.mulf %get3A_158, %mul3A_159 : vector<16xf32>
        %swap3A_161 = arith.index_cast %scan3A_136 : i32 to index
        %swap3A_162 = arith.constant 0 : index
        %swap3A_163 = tpu.vector_load %arg13[%swap3A_161, %swap3A_162] {strides = array<i32>} : memref<80x128xf32, #tpu.memory_space<vmem>>, vector<1x16xf32>,
        %swap3A_164 = vector.shape_cast %swap3A_163 : vector<1x16xf32> to vector<16xf32>
        %swap3A_165 = vector.shape_cast %mul3A_160 : vector<16xf32> to vector<1x16xf32>
        tpu.vector_store %arg13[%swap3A_161, %swap3A_162], %swap3A_165 {strides = array<i32>} : memref<80x128xf32, #tpu.memory_space<vmem>>, vector<1x16xf32>,
        %get3A_166 = arith.index_cast %scan3A_136 : i32 to index
        %get3A_167 = arith.constant 16 : index
        %get3A_168 = tpu.vector_load %arg13[%get3A_166, %get3A_167] {strides = array<i32>} : memref<80x128xf32, #tpu.memory_space<vmem>>, vector<1x16xf32>,
        %get3A_169 = vector.shape_cast %get3A_168 : vector<1x16xf32> to vector<16xf32>
        %slice3A_170 = vector.extract_strided_slice %exp3A {offsets = [0], sizes = [1], strides = [1]} : vector<16xf32> to vector<1xf32>
        %squeeze3A_171 = vector.extract %slice3A_170[0] : f32 from vector<1xf32>
        %mul3A_172 = vector.broadcast %squeeze3A_171 : f32 to vector<16xf32>
        %mul3A_173 = arith.mulf %get3A_169, %mul3A_172 : vector<16xf32>
        %swap3A_174 = arith.index_cast %scan3A_136 : i32 to index
        %swap3A_175 = arith.constant 16 : index
        %swap3A_176 = tpu.vector_load %arg13[%swap3A_174, %swap3A_175] {strides = array<i32>} : memref<80x128xf32, #tpu.memory_space<vmem>>, vector<1x16xf32>,
        %swap3A_177 = vector.shape_cast %swap3A_176 : vector<1x16xf32> to vector<16xf32>
        %swap3A_178 = vector.shape_cast %mul3A_173 : vector<16xf32> to vector<1x16xf32>
        tpu.vector_store %arg13[%swap3A_174, %swap3A_175], %swap3A_178 {strides = array<i32>} : memref<80x128xf32, #tpu.memory_space<vmem>>, vector<1x16xf32>,
        %get3A_179 = arith.index_cast %scan3A_136 : i32 to index
        %get3A_180 = arith.constant 32 : index
        %get3A_181 = tpu.vector_load %arg13[%get3A_179, %get3A_180] {strides = array<i32>} : memref<80x128xf32, #tpu.memory_space<vmem>>, vector<1x16xf32>,
        %get3A_182 = vector.shape_cast %get3A_181 : vector<1x16xf32> to vector<16xf32>
        %slice3A_183 = vector.extract_strided_slice %exp3A {offsets = [0], sizes = [1], strides = [1]} : vector<16xf32> to vector<1xf32>
        %squeeze3A_184 = vector.extract %slice3A_183[0] : f32 from vector<1xf32>
        %mul3A_185 = vector.broadcast %squeeze3A_184 : f32 to vector<16xf32>
        %mul3A_186 = arith.mulf %get3A_182, %mul3A_185 : vector<16xf32>
        %swap3A_187 = arith.index_cast %scan3A_136 : i32 to index
        %swap3A_188 = arith.constant 32 : index
        %swap3A_189 = tpu.vector_load %arg13[%swap3A_187, %swap3A_188] {strides = array<i32>} : memref<80x128xf32, #tpu.memory_space<vmem>>, vector<1x16xf32>,
        %swap3A_190 = vector.shape_cast %swap3A_189 : vector<1x16xf32> to vector<16xf32>
        %swap3A_191 = vector.shape_cast %mul3A_186 : vector<16xf32> to vector<1x16xf32>
        tpu.vector_store %arg13[%swap3A_187, %swap3A_188], %swap3A_191 {strides = array<i32>} : memref<80x128xf32, #tpu.memory_space<vmem>>, vector<1x16xf32>,
        %get3A_192 = arith.index_cast %scan3A_136 : i32 to index
        %get3A_193 = arith.constant 48 : index
        %get3A_194 = tpu.vector_load %arg13[%get3A_192, %get3A_193] {strides = array<i32>} : memref<80x128xf32, #tpu.memory_space<vmem>>, vector<1x16xf32>,
        %get3A_195 = vector.shape_cast %get3A_194 : vector<1x16xf32> to vector<16xf32>
        %slice3A_196 = vector.extract_strided_slice %exp3A {offsets = [0], sizes = [1], strides = [1]} : vector<16xf32> to vector<1xf32>
        %squeeze3A_197 = vector.extract %slice3A_196[0] : f32 from vector<1xf32>
        %mul3A_198 = vector.broadcast %squeeze3A_197 : f32 to vector<16xf32>
        %mul3A_199 = arith.mulf %get3A_195, %mul3A_198 : vector<16xf32>
        %swap3A_200 = arith.index_cast %scan3A_136 : i32 to index
        %swap3A_201 = arith.constant 48 : index
        %swap3A_202 = tpu.vector_load %arg13[%swap3A_200, %swap3A_201] {strides = array<i32>} : memref<80x128xf32, #tpu.memory_space<vmem>>, vector<1x16xf32>,
        %swap3A_203 = vector.shape_cast %swap3A_202 : vector<1x16xf32> to vector<16xf32>
        %swap3A_204 = vector.shape_cast %mul3A_199 : vector<16xf32> to vector<1x16xf32>
        tpu.vector_store %arg13[%swap3A_200, %swap3A_201], %swap3A_204 {strides = array<i32>} : memref<80x128xf32, #tpu.memory_space<vmem>>, vector<1x16xf32>,
        %get3A_205 = arith.index_cast %scan3A_136 : i32 to index
        %get3A_206 = arith.constant 64 : index
        %get3A_207 = tpu.vector_load %arg13[%get3A_205, %get3A_206] {strides = array<i32>} : memref<80x128xf32, #tpu.memory_space<vmem>>, vector<1x16xf32>,
        %get3A_208 = vector.shape_cast %get3A_207 : vector<1x16xf32> to vector<16xf32>
        %slice3A_209 = vector.extract_strided_slice %exp3A {offsets = [0], sizes = [1], strides = [1]} : vector<16xf32> to vector<1xf32>
        %squeeze3A_210 = vector.extract %slice3A_209[0] : f32 from vector<1xf32>
        %mul3A_211 = vector.broadcast %squeeze3A_210 : f32 to vector<16xf32>
        %mul3A_212 = arith.mulf %get3A_208, %mul3A_211 : vector<16xf32>
        %swap3A_213 = arith.index_cast %scan3A_136 : i32 to index
        %swap3A_214 = arith.constant 64 : index
        %swap3A_215 = tpu.vector_load %arg13[%swap3A_213, %swap3A_214] {strides = array<i32>} : memref<80x128xf32, #tpu.memory_space<vmem>>, vector<1x16xf32>,
        %swap3A_216 = vector.shape_cast %swap3A_215 : vector<1x16xf32> to vector<16xf32>
        %swap3A_217 = vector.shape_cast %mul3A_212 : vector<16xf32> to vector<1x16xf32>
        tpu.vector_store %arg13[%swap3A_213, %swap3A_214], %swap3A_217 {strides = array<i32>} : memref<80x128xf32, #tpu.memory_space<vmem>>, vector<1x16xf32>,
        %get3A_218 = arith.index_cast %scan3A_136 : i32 to index
        %get3A_219 = arith.constant 80 : index
        %get3A_220 = tpu.vector_load %arg13[%get3A_218, %get3A_219] {strides = array<i32>} : memref<80x128xf32, #tpu.memory_space<vmem>>, vector<1x16xf32>,
        %get3A_221 = vector.shape_cast %get3A_220 : vector<1x16xf32> to vector<16xf32>
        %slice3A_222 = vector.extract_strided_slice %exp3A {offsets = [0], sizes = [1], strides = [1]} : vector<16xf32> to vector<1xf32>
        %squeeze3A_223 = vector.extract %slice3A_222[0] : f32 from vector<1xf32>
        %mul3A_224 = vector.broadcast %squeeze3A_223 : f32 to vector<16xf32>
        %mul3A_225 = arith.mulf %get3A_221, %mul3A_224 : vector<16xf32>
        %swap3A_226 = arith.index_cast %scan3A_136 : i32 to index
        %swap3A_227 = arith.constant 80 : index
        %swap3A_228 = tpu.vector_load %arg13[%swap3A_226, %swap3A_227] {strides = array<i32>} : memref<80x128xf32, #tpu.memory_space<vmem>>, vector<1x16xf32>,
        %swap3A_229 = vector.shape_cast %swap3A_228 : vector<1x16xf32> to vector<16xf32>
        %swap3A_230 = vector.shape_cast %mul3A_225 : vector<16xf32> to vector<1x16xf32>
        tpu.vector_store %arg13[%swap3A_226, %swap3A_227], %swap3A_230 {strides = array<i32>} : memref<80x128xf32, #tpu.memory_space<vmem>>, vector<1x16xf32>,
        %get3A_231 = arith.index_cast %scan3A_136 : i32 to index
        %get3A_232 = arith.constant 96 : index
        %get3A_233 = tpu.vector_load %arg13[%get3A_231, %get3A_232] {strides = array<i32>} : memref<80x128xf32, #tpu.memory_space<vmem>>, vector<1x16xf32>,
        %get3A_234 = vector.shape_cast %get3A_233 : vector<1x16xf32> to vector<16xf32>
        %slice3A_235 = vector.extract_strided_slice %exp3A {offsets = [0], sizes = [1], strides = [1]} : vector<16xf32> to vector<1xf32>
        %squeeze3A_236 = vector.extract %slice3A_235[0] : f32 from vector<1xf32>
        %mul3A_237 = vector.broadcast %squeeze3A_236 : f32 to vector<16xf32>
        %mul3A_238 = arith.mulf %get3A_234, %mul3A_237 : vector<16xf32>
        %swap3A_239 = arith.index_cast %scan3A_136 : i32 to index
        %swap3A_240 = arith.constant 96 : index
        %swap3A_241 = tpu.vector_load %arg13[%swap3A_239, %swap3A_240] {strides = array<i32>} : memref<80x128xf32, #tpu.memory_space<vmem>>, vector<1x16xf32>,
        %swap3A_242 = vector.shape_cast %swap3A_241 : vector<1x16xf32> to vector<16xf32>
        %swap3A_243 = vector.shape_cast %mul3A_238 : vector<16xf32> to vector<1x16xf32>
        tpu.vector_store %arg13[%swap3A_239, %swap3A_240], %swap3A_243 {strides = array<i32>} : memref<80x128xf32, #tpu.memory_space<vmem>>, vector<1x16xf32>,
        %get3A_244 = arith.index_cast %scan3A_136 : i32 to index
        %get3A_245 = arith.constant 112 : index
        %get3A_246 = tpu.vector_load %arg13[%get3A_244, %get3A_245] {strides = array<i32>} : memref<80x128xf32, #tpu.memory_space<vmem>>, vector<1x16xf32>,
        %get3A_247 = vector.shape_cast %get3A_246 : vector<1x16xf32> to vector<16xf32>
        %slice3A_248 = vector.extract_strided_slice %exp3A {offsets = [0], sizes = [1], strides = [1]} : vector<16xf32> to vector<1xf32>
        %squeeze3A_249 = vector.extract %slice3A_248[0] : f32 from vector<1xf32>
        %mul3A_250 = vector.broadcast %squeeze3A_249 : f32 to vector<16xf32>
        %mul3A_251 = arith.mulf %get3A_247, %mul3A_250 : vector<16xf32>
        %swap3A_252 = arith.index_cast %scan3A_136 : i32 to index
        %swap3A_253 = arith.constant 112 : index
        %swap3A_254 = tpu.vector_load %arg13[%swap3A_252, %swap3A_253] {strides = array<i32>} : memref<80x128xf32, #tpu.memory_space<vmem>>, vector<1x16xf32>,
        %swap3A_255 = vector.shape_cast %swap3A_254 : vector<1x16xf32> to vector<16xf32>
        %swap3A_256 = vector.shape_cast %mul3A_251 : vector<16xf32> to vector<1x16xf32>
        tpu.vector_store %arg13[%swap3A_252, %swap3A_253], %swap3A_256 {strides = array<i32>} : memref<80x128xf32, #tpu.memory_space<vmem>>, vector<1x16xf32>,
      }
      %scan3A_86 = arith.constant 80 : i32
      %dma_start3A_87 = arith.constant 0 : i32
      %dma_start3A_88 = arith.constant 0 : i32
      %dma_start3A_89 = tpu.memref_slice %arg21[%dma_start3A_87, %dma_start3A_88] : memref<10240x128xf32, #tpu.memory_space<vmem_shared>> -> memref<10240x128xf32, #tpu.memory_space<vmem_shared>>
      tpu.enqueue_indirect_dma source(%arg13 : memref<80x128xf32, #tpu.memory_space<vmem>>) target(%dma_start3A_89 : memref<10240x128xf32, #tpu.memory_space<vmem_shared>>) offsets(%arg12 : memref<80xi32, #tpu.memory_space<vmem>>) semaphore(%arg25 : memref<!tpu.dma_semaphore, #tpu.memory_space<semaphore_mem>>) {add = true}
      %dma_start3A_90 = arith.constant 0 : i32
      %dma_start3A_91 = arith.constant 0 : i32
      %dma_start3A_92 = tpu.memref_slice %arg22[%dma_start3A_90, %dma_start3A_91] : memref<10240x16xf32, #tpu.memory_space<vmem_shared>> -> memref<10240x16xf32, #tpu.memory_space<vmem_shared>>
      tpu.enqueue_indirect_dma source(%arg15 : memref<80x16xf32, #tpu.memory_space<vmem>>) target(%dma_start3A_92 : memref<10240x16xf32, #tpu.memory_space<vmem_shared>>) offsets(%arg12 : memref<80xi32, #tpu.memory_space<vmem>>) semaphore(%arg25 : memref<!tpu.dma_semaphore, #tpu.memory_space<semaphore_mem>>) {add = true}
      %dma_wait3A_93 = arith.constant 0 : i32
      %dma_wait3A_94 = arith.constant 0 : i32
      %dma_wait3A_95 = tpu.memref_slice %arg2[%dma_wait3A_93, %dma_wait3A_94] : memref<10000x128xf32, #tpu.memory_space<hbm>> -> memref<10000x128xf32, #tpu.memory_space<hbm>>
      tpu.wait_indirect_dma semaphore(%arg24 : memref<!tpu.dma_semaphore, #tpu.memory_space<semaphore_mem>>) src(%dma_wait3A_95 : memref<10000x128xf32, #tpu.memory_space<hbm>>) dst(%arg18 : memref<80x128xf32, #tpu.memory_space<vmem>>)
      %dma_wait3A_96 = arith.constant 0 : i32
      %dma_wait3A_97 = arith.constant 0 : i32
      %dma_wait3A_98 = tpu.memref_slice %arg3[%dma_wait3A_96, %dma_wait3A_97] : memref<10000x16xf32, #tpu.memory_space<hbm>> -> memref<10000x16xf32, #tpu.memory_space<hbm>>
      tpu.wait_indirect_dma semaphore(%arg24 : memref<!tpu.dma_semaphore, #tpu.memory_space<semaphore_mem>>) src(%dma_wait3A_98 : memref<10000x16xf32, #tpu.memory_space<hbm>>) dst(%arg19 : memref<80x16xf32, #tpu.memory_space<vmem>>)
      %dma_wait3A_99 = arith.constant 0 : i32
      %dma_wait3A_100 = arith.constant 0 : i32
      %dma_wait3A_101 = tpu.memref_slice %arg4[%dma_wait3A_99, %dma_wait3A_100] : memref<10000x16xf32, #tpu.memory_space<hbm>> -> memref<10000x16xf32, #tpu.memory_space<hbm>>
      tpu.wait_indirect_dma semaphore(%arg24 : memref<!tpu.dma_semaphore, #tpu.memory_space<semaphore_mem>>) src(%dma_wait3A_101 : memref<10000x16xf32, #tpu.memory_space<hbm>>) dst(%arg20 : memref<80x16xf32, #tpu.memory_space<vmem>>)
      %scan3A_102 = arith.constant 0 : i32
      %scan3A_103 = arith.constant 0 : i32
      %scan3A_104 = arith.constant 80 : i32
      %scan3A_105 = arith.addi %scan3A_103, %scan3A_104 : i32
      %scan3A_106 = arith.constant 1 : i32
      scf.for %scan3A_136 = %scan3A_103 to %scan3A_105 step %scan3A_106  : i32 {
        %get3A = arith.index_cast %scan3A_136 : i32 to index
        %get3A_137 = arith.constant 0 : index
        %get3A_138 = tpu.vector_load %arg19[%get3A, %get3A_137] {strides = array<i32>} : memref<80x16xf32, #tpu.memory_space<vmem>>, vector<1x16xf32>,
        %get3A_139 = vector.shape_cast %get3A_138 : vector<1x16xf32> to vector<16xf32>
        %get3A_140 = arith.index_cast %scan3A_136 : i32 to index
        %get3A_141 = arith.constant 0 : index
        %get3A_142 = tpu.vector_load %arg20[%get3A_140, %get3A_141] {strides = array<i32>} : memref<80x16xf32, #tpu.memory_space<vmem>>, vector<1x16xf32>,
        %get3A_143 = vector.shape_cast %get3A_142 : vector<1x16xf32> to vector<16xf32>
        %add3A_144 = arith.addf %get3A_139, %get3A_143 : vector<16xf32>
        %gt3A_145 = arith.constant 0.000000e+00 : f32
        %gt3A_146 = vector.broadcast %gt3A_145 : f32 to vector<16xf32>
        %gt3A_147 = arith.cmpf ogt, %add3A_144, %gt3A_146 : vector<16xf32>
        %mul3A_148 = arith.constant 2.000000e-01 : f32
        %mul3A_149 = vector.broadcast %mul3A_148 : f32 to vector<16xf32>
        %mul3A_150 = arith.mulf %add3A_144, %mul3A_149 : vector<16xf32>
        %select_n3A = arith.select %gt3A_147, %add3A_144, %mul3A_150 : vector<16xi1>, vector<16xf32>
        %exp3A = math.exp %select_n3A : vector<16xf32>
        %swap3A = arith.index_cast %scan3A_136 : i32 to index
        %swap3A_151 = arith.constant 0 : index
        %swap3A_152 = tpu.vector_load %arg20[%swap3A, %swap3A_151] {strides = array<i32>} : memref<80x16xf32, #tpu.memory_space<vmem>>, vector<1x16xf32>,
        %swap3A_153 = vector.shape_cast %swap3A_152 : vector<1x16xf32> to vector<16xf32>
        %swap3A_154 = vector.shape_cast %exp3A : vector<16xf32> to vector<1x16xf32>
        tpu.vector_store %arg20[%swap3A, %swap3A_151], %swap3A_154 {strides = array<i32>} : memref<80x16xf32, #tpu.memory_space<vmem>>, vector<1x16xf32>,
        %get3A_155 = arith.index_cast %scan3A_136 : i32 to index
        %get3A_156 = arith.constant 0 : index
        %get3A_157 = tpu.vector_load %arg18[%get3A_155, %get3A_156] {strides = array<i32>} : memref<80x128xf32, #tpu.memory_space<vmem>>, vector<1x16xf32>,
        %get3A_158 = vector.shape_cast %get3A_157 : vector<1x16xf32> to vector<16xf32>
        %slice3A = vector.extract_strided_slice %exp3A {offsets = [0], sizes = [1], strides = [1]} : vector<16xf32> to vector<1xf32>
        %squeeze3A = vector.extract %slice3A[0] : f32 from vector<1xf32>
        %mul3A_159 = vector.broadcast %squeeze3A : f32 to vector<16xf32>
        %mul3A_160 = arith.mulf %get3A_158, %mul3A_159 : vector<16xf32>
        %swap3A_161 = arith.index_cast %scan3A_136 : i32 to index
        %swap3A_162 = arith.constant 0 : index
        %swap3A_163 = tpu.vector_load %arg18[%swap3A_161, %swap3A_162] {strides = array<i32>} : memref<80x128xf32, #tpu.memory_space<vmem>>, vector<1x16xf32>,
        %swap3A_164 = vector.shape_cast %swap3A_163 : vector<1x16xf32> to vector<16xf32>
        %swap3A_165 = vector.shape_cast %mul3A_160 : vector<16xf32> to vector<1x16xf32>
        tpu.vector_store %arg18[%swap3A_161, %swap3A_162], %swap3A_165 {strides = array<i32>} : memref<80x128xf32, #tpu.memory_space<vmem>>, vector<1x16xf32>,
        %get3A_166 = arith.index_cast %scan3A_136 : i32 to index
        %get3A_167 = arith.constant 16 : index
        %get3A_168 = tpu.vector_load %arg18[%get3A_166, %get3A_167] {strides = array<i32>} : memref<80x128xf32, #tpu.memory_space<vmem>>, vector<1x16xf32>,
        %get3A_169 = vector.shape_cast %get3A_168 : vector<1x16xf32> to vector<16xf32>
        %slice3A_170 = vector.extract_strided_slice %exp3A {offsets = [0], sizes = [1], strides = [1]} : vector<16xf32> to vector<1xf32>
        %squeeze3A_171 = vector.extract %slice3A_170[0] : f32 from vector<1xf32>
        %mul3A_172 = vector.broadcast %squeeze3A_171 : f32 to vector<16xf32>
        %mul3A_173 = arith.mulf %get3A_169, %mul3A_172 : vector<16xf32>
        %swap3A_174 = arith.index_cast %scan3A_136 : i32 to index
        %swap3A_175 = arith.constant 16 : index
        %swap3A_176 = tpu.vector_load %arg18[%swap3A_174, %swap3A_175] {strides = array<i32>} : memref<80x128xf32, #tpu.memory_space<vmem>>, vector<1x16xf32>,
        %swap3A_177 = vector.shape_cast %swap3A_176 : vector<1x16xf32> to vector<16xf32>
        %swap3A_178 = vector.shape_cast %mul3A_173 : vector<16xf32> to vector<1x16xf32>
        tpu.vector_store %arg18[%swap3A_174, %swap3A_175], %swap3A_178 {strides = array<i32>} : memref<80x128xf32, #tpu.memory_space<vmem>>, vector<1x16xf32>,
        %get3A_179 = arith.index_cast %scan3A_136 : i32 to index
        %get3A_180 = arith.constant 32 : index
        %get3A_181 = tpu.vector_load %arg18[%get3A_179, %get3A_180] {strides = array<i32>} : memref<80x128xf32, #tpu.memory_space<vmem>>, vector<1x16xf32>,
        %get3A_182 = vector.shape_cast %get3A_181 : vector<1x16xf32> to vector<16xf32>
        %slice3A_183 = vector.extract_strided_slice %exp3A {offsets = [0], sizes = [1], strides = [1]} : vector<16xf32> to vector<1xf32>
        %squeeze3A_184 = vector.extract %slice3A_183[0] : f32 from vector<1xf32>
        %mul3A_185 = vector.broadcast %squeeze3A_184 : f32 to vector<16xf32>
        %mul3A_186 = arith.mulf %get3A_182, %mul3A_185 : vector<16xf32>
        %swap3A_187 = arith.index_cast %scan3A_136 : i32 to index
        %swap3A_188 = arith.constant 32 : index
        %swap3A_189 = tpu.vector_load %arg18[%swap3A_187, %swap3A_188] {strides = array<i32>} : memref<80x128xf32, #tpu.memory_space<vmem>>, vector<1x16xf32>,
        %swap3A_190 = vector.shape_cast %swap3A_189 : vector<1x16xf32> to vector<16xf32>
        %swap3A_191 = vector.shape_cast %mul3A_186 : vector<16xf32> to vector<1x16xf32>
        tpu.vector_store %arg18[%swap3A_187, %swap3A_188], %swap3A_191 {strides = array<i32>} : memref<80x128xf32, #tpu.memory_space<vmem>>, vector<1x16xf32>,
        %get3A_192 = arith.index_cast %scan3A_136 : i32 to index
        %get3A_193 = arith.constant 48 : index
        %get3A_194 = tpu.vector_load %arg18[%get3A_192, %get3A_193] {strides = array<i32>} : memref<80x128xf32, #tpu.memory_space<vmem>>, vector<1x16xf32>,
        %get3A_195 = vector.shape_cast %get3A_194 : vector<1x16xf32> to vector<16xf32>
        %slice3A_196 = vector.extract_strided_slice %exp3A {offsets = [0], sizes = [1], strides = [1]} : vector<16xf32> to vector<1xf32>
        %squeeze3A_197 = vector.extract %slice3A_196[0] : f32 from vector<1xf32>
        %mul3A_198 = vector.broadcast %squeeze3A_197 : f32 to vector<16xf32>
        %mul3A_199 = arith.mulf %get3A_195, %mul3A_198 : vector<16xf32>
        %swap3A_200 = arith.index_cast %scan3A_136 : i32 to index
        %swap3A_201 = arith.constant 48 : index
        %swap3A_202 = tpu.vector_load %arg18[%swap3A_200, %swap3A_201] {strides = array<i32>} : memref<80x128xf32, #tpu.memory_space<vmem>>, vector<1x16xf32>,
        %swap3A_203 = vector.shape_cast %swap3A_202 : vector<1x16xf32> to vector<16xf32>
        %swap3A_204 = vector.shape_cast %mul3A_199 : vector<16xf32> to vector<1x16xf32>
        tpu.vector_store %arg18[%swap3A_200, %swap3A_201], %swap3A_204 {strides = array<i32>} : memref<80x128xf32, #tpu.memory_space<vmem>>, vector<1x16xf32>,
        %get3A_205 = arith.index_cast %scan3A_136 : i32 to index
        %get3A_206 = arith.constant 64 : index
        %get3A_207 = tpu.vector_load %arg18[%get3A_205, %get3A_206] {strides = array<i32>} : memref<80x128xf32, #tpu.memory_space<vmem>>, vector<1x16xf32>,
        %get3A_208 = vector.shape_cast %get3A_207 : vector<1x16xf32> to vector<16xf32>
        %slice3A_209 = vector.extract_strided_slice %exp3A {offsets = [0], sizes = [1], strides = [1]} : vector<16xf32> to vector<1xf32>
        %squeeze3A_210 = vector.extract %slice3A_209[0] : f32 from vector<1xf32>
        %mul3A_211 = vector.broadcast %squeeze3A_210 : f32 to vector<16xf32>
        %mul3A_212 = arith.mulf %get3A_208, %mul3A_211 : vector<16xf32>
        %swap3A_213 = arith.index_cast %scan3A_136 : i32 to index
        %swap3A_214 = arith.constant 64 : index
        %swap3A_215 = tpu.vector_load %arg18[%swap3A_213, %swap3A_214] {strides = array<i32>} : memref<80x128xf32, #tpu.memory_space<vmem>>, vector<1x16xf32>,
        %swap3A_216 = vector.shape_cast %swap3A_215 : vector<1x16xf32> to vector<16xf32>
        %swap3A_217 = vector.shape_cast %mul3A_212 : vector<16xf32> to vector<1x16xf32>
        tpu.vector_store %arg18[%swap3A_213, %swap3A_214], %swap3A_217 {strides = array<i32>} : memref<80x128xf32, #tpu.memory_space<vmem>>, vector<1x16xf32>,
        %get3A_218 = arith.index_cast %scan3A_136 : i32 to index
        %get3A_219 = arith.constant 80 : index
        %get3A_220 = tpu.vector_load %arg18[%get3A_218, %get3A_219] {strides = array<i32>} : memref<80x128xf32, #tpu.memory_space<vmem>>, vector<1x16xf32>,
        %get3A_221 = vector.shape_cast %get3A_220 : vector<1x16xf32> to vector<16xf32>
        %slice3A_222 = vector.extract_strided_slice %exp3A {offsets = [0], sizes = [1], strides = [1]} : vector<16xf32> to vector<1xf32>
        %squeeze3A_223 = vector.extract %slice3A_222[0] : f32 from vector<1xf32>
        %mul3A_224 = vector.broadcast %squeeze3A_223 : f32 to vector<16xf32>
        %mul3A_225 = arith.mulf %get3A_221, %mul3A_224 : vector<16xf32>
        %swap3A_226 = arith.index_cast %scan3A_136 : i32 to index
        %swap3A_227 = arith.constant 80 : index
        %swap3A_228 = tpu.vector_load %arg18[%swap3A_226, %swap3A_227] {strides = array<i32>} : memref<80x128xf32, #tpu.memory_space<vmem>>, vector<1x16xf32>,
        %swap3A_229 = vector.shape_cast %swap3A_228 : vector<1x16xf32> to vector<16xf32>
        %swap3A_230 = vector.shape_cast %mul3A_225 : vector<16xf32> to vector<1x16xf32>
        tpu.vector_store %arg18[%swap3A_226, %swap3A_227], %swap3A_230 {strides = array<i32>} : memref<80x128xf32, #tpu.memory_space<vmem>>, vector<1x16xf32>,
        %get3A_231 = arith.index_cast %scan3A_136 : i32 to index
        %get3A_232 = arith.constant 96 : index
        %get3A_233 = tpu.vector_load %arg18[%get3A_231, %get3A_232] {strides = array<i32>} : memref<80x128xf32, #tpu.memory_space<vmem>>, vector<1x16xf32>,
        %get3A_234 = vector.shape_cast %get3A_233 : vector<1x16xf32> to vector<16xf32>
        %slice3A_235 = vector.extract_strided_slice %exp3A {offsets = [0], sizes = [1], strides = [1]} : vector<16xf32> to vector<1xf32>
        %squeeze3A_236 = vector.extract %slice3A_235[0] : f32 from vector<1xf32>
        %mul3A_237 = vector.broadcast %squeeze3A_236 : f32 to vector<16xf32>
        %mul3A_238 = arith.mulf %get3A_234, %mul3A_237 : vector<16xf32>
        %swap3A_239 = arith.index_cast %scan3A_136 : i32 to index
        %swap3A_240 = arith.constant 96 : index
        %swap3A_241 = tpu.vector_load %arg18[%swap3A_239, %swap3A_240] {strides = array<i32>} : memref<80x128xf32, #tpu.memory_space<vmem>>, vector<1x16xf32>,
        %swap3A_242 = vector.shape_cast %swap3A_241 : vector<1x16xf32> to vector<16xf32>
        %swap3A_243 = vector.shape_cast %mul3A_238 : vector<16xf32> to vector<1x16xf32>
        tpu.vector_store %arg18[%swap3A_239, %swap3A_240], %swap3A_243 {strides = array<i32>} : memref<80x128xf32, #tpu.memory_space<vmem>>, vector<1x16xf32>,
        %get3A_244 = arith.index_cast %scan3A_136 : i32 to index
        %get3A_245 = arith.constant 112 : index
        %get3A_246 = tpu.vector_load %arg18[%get3A_244, %get3A_245] {strides = array<i32>} : memref<80x128xf32, #tpu.memory_space<vmem>>, vector<1x16xf32>,
        %get3A_247 = vector.shape_cast %get3A_246 : vector<1x16xf32> to vector<16xf32>
        %slice3A_248 = vector.extract_strided_slice %exp3A {offsets = [0], sizes = [1], strides = [1]} : vector<16xf32> to vector<1xf32>
        %squeeze3A_249 = vector.extract %slice3A_248[0] : f32 from vector<1xf32>
        %mul3A_250 = vector.broadcast %squeeze3A_249 : f32 to vector<16xf32>
        %mul3A_251 = arith.mulf %get3A_247, %mul3A_250 : vector<16xf32>
        %swap3A_252 = arith.index_cast %scan3A_136 : i32 to index
        %swap3A_253 = arith.constant 112 : index
        %swap3A_254 = tpu.vector_load %arg18[%swap3A_252, %swap3A_253] {strides = array<i32>} : memref<80x128xf32, #tpu.memory_space<vmem>>, vector<1x16xf32>,
        %swap3A_255 = vector.shape_cast %swap3A_254 : vector<1x16xf32> to vector<16xf32>
        %swap3A_256 = vector.shape_cast %mul3A_251 : vector<16xf32> to vector<1x16xf32>
        tpu.vector_store %arg18[%swap3A_252, %swap3A_253], %swap3A_256 {strides = array<i32>} : memref<80x128xf32, #tpu.memory_space<vmem>>, vector<1x16xf32>,
      }
      %scan3A_107 = arith.constant 80 : i32
      %dma_start3A_108 = arith.constant 0 : i32
      %dma_start3A_109 = arith.constant 0 : i32
      %dma_start3A_110 = tpu.memref_slice %arg21[%dma_start3A_108, %dma_start3A_109] : memref<10240x128xf32, #tpu.memory_space<vmem_shared>> -> memref<10240x128xf32, #tpu.memory_space<vmem_shared>>
      tpu.enqueue_indirect_dma source(%arg18 : memref<80x128xf32, #tpu.memory_space<vmem>>) target(%dma_start3A_110 : memref<10240x128xf32, #tpu.memory_space<vmem_shared>>) offsets(%arg17 : memref<80xi32, #tpu.memory_space<vmem>>) semaphore(%arg26 : memref<!tpu.dma_semaphore, #tpu.memory_space<semaphore_mem>>) {add = true}
      %dma_start3A_111 = arith.constant 0 : i32
      %dma_start3A_112 = arith.constant 0 : i32
      %dma_start3A_113 = tpu.memref_slice %arg22[%dma_start3A_111, %dma_start3A_112] : memref<10240x16xf32, #tpu.memory_space<vmem_shared>> -> memref<10240x16xf32, #tpu.memory_space<vmem_shared>>
      tpu.enqueue_indirect_dma source(%arg20 : memref<80x16xf32, #tpu.memory_space<vmem>>) target(%dma_start3A_113 : memref<10240x16xf32, #tpu.memory_space<vmem_shared>>) offsets(%arg17 : memref<80xi32, #tpu.memory_space<vmem>>) semaphore(%arg26 : memref<!tpu.dma_semaphore, #tpu.memory_space<semaphore_mem>>) {add = true}
      %dma_wait3A_114 = arith.constant 0 : i32
      %dma_wait3A_115 = arith.constant 0 : i32
      %dma_wait3A_116 = tpu.memref_slice %arg21[%dma_wait3A_114, %dma_wait3A_115] : memref<10240x128xf32, #tpu.memory_space<vmem_shared>> -> memref<10240x128xf32, #tpu.memory_space<vmem_shared>>
      tpu.wait_indirect_dma semaphore(%arg25 : memref<!tpu.dma_semaphore, #tpu.memory_space<semaphore_mem>>) src(%arg13 : memref<80x128xf32, #tpu.memory_space<vmem>>) dst(%dma_wait3A_116 : memref<10240x128xf32, #tpu.memory_space<vmem_shared>>)
      %dma_wait3A_117 = arith.constant 0 : i32
      %dma_wait3A_118 = arith.constant 0 : i32
      %dma_wait3A_119 = tpu.memref_slice %arg22[%dma_wait3A_117, %dma_wait3A_118] : memref<10240x16xf32, #tpu.memory_space<vmem_shared>> -> memref<10240x16xf32, #tpu.memory_space<vmem_shared>>
      tpu.wait_indirect_dma semaphore(%arg25 : memref<!tpu.dma_semaphore, #tpu.memory_space<semaphore_mem>>) src(%arg15 : memref<80x16xf32, #tpu.memory_space<vmem>>) dst(%dma_wait3A_119 : memref<10240x16xf32, #tpu.memory_space<vmem_shared>>)
      %mul3A_120 = arith.constant 2 : i32
      %mul3A_121 = arith.muli %mul3A_120, %scan3A_53 : i32
      %add3A_122 = arith.constant 2 : i32
      %add3A_123 = arith.addi %mul3A_121, %add3A_122 : i32
      %mul3A_124 = arith.constant 80 : i32
      %mul3A_125 = arith.muli %add3A_123, %mul3A_124 : i32
      %add3A_126 = arith.addi %mul3A_4, %mul3A_125 : i32
      "tpu.region"() ({
        %run_scoped3A = tpu.sem_alloc : memref<!tpu.dma_semaphore, #tpu.memory_space<semaphore_mem>>
        %dma_start3A_136 = tpu.memref_slice %arg5[%add3A_126] : memref<320000xi32, #tpu.memory_space<hbm>> -> memref<80xi32, #tpu.memory_space<hbm>>
        %dma_start3A_137 = tpu.memref_slice %arg5[%add3A_126] : memref<320000xi32, #tpu.memory_space<hbm>> -> memref<80xi32, #tpu.memory_space<hbm>>
        tpu.enqueue_dma source(%dma_start3A_137 : memref<80xi32, #tpu.memory_space<hbm>>) target(%arg11 : memref<80xi32, #tpu.memory_space<vmem>>) target_semaphore(%run_scoped3A : memref<!tpu.dma_semaphore, #tpu.memory_space<semaphore_mem>>)
        %dma_wait3A_138 = tpu.memref_slice %arg5[%add3A_126] : memref<320000xi32, #tpu.memory_space<hbm>> -> memref<80xi32, #tpu.memory_space<hbm>>
        %dma_wait3A_139 = tpu.memref_slice %arg5[%add3A_126] : memref<320000xi32, #tpu.memory_space<hbm>> -> memref<80xi32, #tpu.memory_space<hbm>>
        tpu.wait_dma2 semaphore(%run_scoped3A : memref<!tpu.dma_semaphore, #tpu.memory_space<semaphore_mem>>) src(%dma_wait3A_139 : memref<80xi32, #tpu.memory_space<hbm>>) dst(%arg11 : memref<80xi32, #tpu.memory_space<vmem>>)
        tpu.yield
      }) : () -> ()
      "tpu.region"() ({
        %run_scoped3A = tpu.sem_alloc : memref<!tpu.dma_semaphore, #tpu.memory_space<semaphore_mem>>
        %dma_start3A_136 = tpu.memref_slice %arg6[%add3A_126] : memref<320000xi32, #tpu.memory_space<hbm>> -> memref<80xi32, #tpu.memory_space<hbm>>
        %dma_start3A_137 = tpu.memref_slice %arg6[%add3A_126] : memref<320000xi32, #tpu.memory_space<hbm>> -> memref<80xi32, #tpu.memory_space<hbm>>
        tpu.enqueue_dma source(%dma_start3A_137 : memref<80xi32, #tpu.memory_space<hbm>>) target(%arg12 : memref<80xi32, #tpu.memory_space<vmem>>) target_semaphore(%run_scoped3A : memref<!tpu.dma_semaphore, #tpu.memory_space<semaphore_mem>>)
        %dma_wait3A_138 = tpu.memref_slice %arg6[%add3A_126] : memref<320000xi32, #tpu.memory_space<hbm>> -> memref<80xi32, #tpu.memory_space<hbm>>
        %dma_wait3A_139 = tpu.memref_slice %arg6[%add3A_126] : memref<320000xi32, #tpu.memory_space<hbm>> -> memref<80xi32, #tpu.memory_space<hbm>>
        tpu.wait_dma2 semaphore(%run_scoped3A : memref<!tpu.dma_semaphore, #tpu.memory_space<semaphore_mem>>) src(%dma_wait3A_139 : memref<80xi32, #tpu.memory_space<hbm>>) dst(%arg12 : memref<80xi32, #tpu.memory_space<vmem>>)
        tpu.yield
      }) : () -> ()
      %dma_start3A_127 = arith.constant 0 : i32
      %dma_start3A_128 = arith.constant 0 : i32
      %dma_start3A_129 = tpu.memref_slice %arg2[%dma_start3A_127, %dma_start3A_128] : memref<10000x128xf32, #tpu.memory_space<hbm>> -> memref<10000x128xf32, #tpu.memory_space<hbm>>
      tpu.enqueue_indirect_dma source(%dma_start3A_129 : memref<10000x128xf32, #tpu.memory_space<hbm>>) target(%arg13 : memref<80x128xf32, #tpu.memory_space<vmem>>) offsets(%arg11 : memref<80xi32, #tpu.memory_space<vmem>>) semaphore(%arg23 : memref<!tpu.dma_semaphore, #tpu.memory_space<semaphore_mem>>)
      %dma_start3A_130 = arith.constant 0 : i32
      %dma_start3A_131 = arith.constant 0 : i32
      %dma_start3A_132 = tpu.memref_slice %arg3[%dma_start3A_130, %dma_start3A_131] : memref<10000x16xf32, #tpu.memory_space<hbm>> -> memref<10000x16xf32, #tpu.memory_space<hbm>>
      tpu.enqueue_indirect_dma source(%dma_start3A_132 : memref<10000x16xf32, #tpu.memory_space<hbm>>) target(%arg14 : memref<80x16xf32, #tpu.memory_space<vmem>>) offsets(%arg11 : memref<80xi32, #tpu.memory_space<vmem>>) semaphore(%arg23 : memref<!tpu.dma_semaphore, #tpu.memory_space<semaphore_mem>>)
      %dma_start3A_133 = arith.constant 0 : i32
      %dma_start3A_134 = arith.constant 0 : i32
      %dma_start3A_135 = tpu.memref_slice %arg4[%dma_start3A_133, %dma_start3A_134] : memref<10000x16xf32, #tpu.memory_space<hbm>> -> memref<10000x16xf32, #tpu.memory_space<hbm>>
      tpu.enqueue_indirect_dma source(%dma_start3A_135 : memref<10000x16xf32, #tpu.memory_space<hbm>>) target(%arg15 : memref<80x16xf32, #tpu.memory_space<vmem>>) offsets(%arg12 : memref<80xi32, #tpu.memory_space<vmem>>) semaphore(%arg23 : memref<!tpu.dma_semaphore, #tpu.memory_space<semaphore_mem>>)
    }
    %scan3A_19 = arith.constant 62 : i32
    %dma_wait3A = arith.constant 0 : i32
    %dma_wait3A_20 = arith.constant 0 : i32
    %dma_wait3A_21 = tpu.memref_slice %arg21[%dma_wait3A, %dma_wait3A_20] : memref<10240x128xf32, #tpu.memory_space<vmem_shared>> -> memref<10240x128xf32, #tpu.memory_space<vmem_shared>>
    tpu.wait_indirect_dma semaphore(%arg26 : memref<!tpu.dma_semaphore, #tpu.memory_space<semaphore_mem>>) src(%arg18 : memref<80x128xf32, #tpu.memory_space<vmem>>) dst(%dma_wait3A_21 : memref<10240x128xf32, #tpu.memory_space<vmem_shared>>)
    %dma_wait3A_22 = arith.constant 0 : i32
    %dma_wait3A_23 = arith.constant 0 : i32
    %dma_wait3A_24 = tpu.memref_slice %arg22[%dma_wait3A_22, %dma_wait3A_23] : memref<10240x16xf32, #tpu.memory_space<vmem_shared>> -> memref<10240x16xf32, #tpu.memory_space<vmem_shared>>
    tpu.wait_indirect_dma semaphore(%arg26 : memref<!tpu.dma_semaphore, #tpu.memory_space<semaphore_mem>>) src(%arg20 : memref<80x16xf32, #tpu.memory_space<vmem>>) dst(%dma_wait3A_24 : memref<10240x16xf32, #tpu.memory_space<vmem_shared>>)
    %dma_wait3A_25 = arith.constant 0 : i32
    %dma_wait3A_26 = arith.constant 0 : i32
    %dma_wait3A_27 = tpu.memref_slice %arg2[%dma_wait3A_25, %dma_wait3A_26] : memref<10000x128xf32, #tpu.memory_space<hbm>> -> memref<10000x128xf32, #tpu.memory_space<hbm>>
    tpu.wait_indirect_dma semaphore(%arg23 : memref<!tpu.dma_semaphore, #tpu.memory_space<semaphore_mem>>) src(%dma_wait3A_27 : memref<10000x128xf32, #tpu.memory_space<hbm>>) dst(%arg13 : memref<80x128xf32, #tpu.memory_space<vmem>>)
    %dma_wait3A_28 = arith.constant 0 : i32
    %dma_wait3A_29 = arith.constant 0 : i32
    %dma_wait3A_30 = tpu.memref_slice %arg3[%dma_wait3A_28, %dma_wait3A_29] : memref<10000x16xf32, #tpu.memory_space<hbm>> -> memref<10000x16xf32, #tpu.memory_space<hbm>>
    tpu.wait_indirect_dma semaphore(%arg23 : memref<!tpu.dma_semaphore, #tpu.memory_space<semaphore_mem>>) src(%dma_wait3A_30 : memref<10000x16xf32, #tpu.memory_space<hbm>>) dst(%arg14 : memref<80x16xf32, #tpu.memory_space<vmem>>)
    %dma_wait3A_31 = arith.constant 0 : i32
    %dma_wait3A_32 = arith.constant 0 : i32
    %dma_wait3A_33 = tpu.memref_slice %arg4[%dma_wait3A_31, %dma_wait3A_32] : memref<10000x16xf32, #tpu.memory_space<hbm>> -> memref<10000x16xf32, #tpu.memory_space<hbm>>
    tpu.wait_indirect_dma semaphore(%arg23 : memref<!tpu.dma_semaphore, #tpu.memory_space<semaphore_mem>>) src(%dma_wait3A_33 : memref<10000x16xf32, #tpu.memory_space<hbm>>) dst(%arg15 : memref<80x16xf32, #tpu.memory_space<vmem>>)
    %scan3A_34 = arith.constant 0 : i32
    %scan3A_35 = arith.constant 0 : i32
    %scan3A_36 = arith.constant 80 : i32
    %scan3A_37 = arith.addi %scan3A_35, %scan3A_36 : i32
    %scan3A_38 = arith.constant 1 : i32
    scf.for %scan3A_53 = %scan3A_35 to %scan3A_37 step %scan3A_38  : i32 {
      %get3A = arith.index_cast %scan3A_53 : i32 to index
      %get3A_54 = arith.constant 0 : index
      %get3A_55 = tpu.vector_load %arg14[%get3A, %get3A_54] {strides = array<i32>} : memref<80x16xf32, #tpu.memory_space<vmem>>, vector<1x16xf32>,
      %get3A_56 = vector.shape_cast %get3A_55 : vector<1x16xf32> to vector<16xf32>
      %get3A_57 = arith.index_cast %scan3A_53 : i32 to index
      %get3A_58 = arith.constant 0 : index
      %get3A_59 = tpu.vector_load %arg15[%get3A_57, %get3A_58] {strides = array<i32>} : memref<80x16xf32, #tpu.memory_space<vmem>>, vector<1x16xf32>,
      %get3A_60 = vector.shape_cast %get3A_59 : vector<1x16xf32> to vector<16xf32>
      %add3A_61 = arith.addf %get3A_56, %get3A_60 : vector<16xf32>
      %gt3A = arith.constant 0.000000e+00 : f32
      %gt3A_62 = vector.broadcast %gt3A : f32 to vector<16xf32>
      %gt3A_63 = arith.cmpf ogt, %add3A_61, %gt3A_62 : vector<16xf32>
      %mul3A_64 = arith.constant 2.000000e-01 : f32
      %mul3A_65 = vector.broadcast %mul3A_64 : f32 to vector<16xf32>
      %mul3A_66 = arith.mulf %add3A_61, %mul3A_65 : vector<16xf32>
      %select_n3A = arith.select %gt3A_63, %add3A_61, %mul3A_66 : vector<16xi1>, vector<16xf32>
      %exp3A = math.exp %select_n3A : vector<16xf32>
      %swap3A = arith.index_cast %scan3A_53 : i32 to index
      %swap3A_67 = arith.constant 0 : index
      %swap3A_68 = tpu.vector_load %arg15[%swap3A, %swap3A_67] {strides = array<i32>} : memref<80x16xf32, #tpu.memory_space<vmem>>, vector<1x16xf32>,
      %swap3A_69 = vector.shape_cast %swap3A_68 : vector<1x16xf32> to vector<16xf32>
      %swap3A_70 = vector.shape_cast %exp3A : vector<16xf32> to vector<1x16xf32>
      tpu.vector_store %arg15[%swap3A, %swap3A_67], %swap3A_70 {strides = array<i32>} : memref<80x16xf32, #tpu.memory_space<vmem>>, vector<1x16xf32>,
      %get3A_71 = arith.index_cast %scan3A_53 : i32 to index
      %get3A_72 = arith.constant 0 : index
      %get3A_73 = tpu.vector_load %arg13[%get3A_71, %get3A_72] {strides = array<i32>} : memref<80x128xf32, #tpu.memory_space<vmem>>, vector<1x16xf32>,
      %get3A_74 = vector.shape_cast %get3A_73 : vector<1x16xf32> to vector<16xf32>
      %slice3A = vector.extract_strided_slice %exp3A {offsets = [0], sizes = [1], strides = [1]} : vector<16xf32> to vector<1xf32>
      %squeeze3A = vector.extract %slice3A[0] : f32 from vector<1xf32>
      %mul3A_75 = vector.broadcast %squeeze3A : f32 to vector<16xf32>
      %mul3A_76 = arith.mulf %get3A_74, %mul3A_75 : vector<16xf32>
      %swap3A_77 = arith.index_cast %scan3A_53 : i32 to index
      %swap3A_78 = arith.constant 0 : index
      %swap3A_79 = tpu.vector_load %arg13[%swap3A_77, %swap3A_78] {strides = array<i32>} : memref<80x128xf32, #tpu.memory_space<vmem>>, vector<1x16xf32>,
      %swap3A_80 = vector.shape_cast %swap3A_79 : vector<1x16xf32> to vector<16xf32>
      %swap3A_81 = vector.shape_cast %mul3A_76 : vector<16xf32> to vector<1x16xf32>
      tpu.vector_store %arg13[%swap3A_77, %swap3A_78], %swap3A_81 {strides = array<i32>} : memref<80x128xf32, #tpu.memory_space<vmem>>, vector<1x16xf32>,
      %get3A_82 = arith.index_cast %scan3A_53 : i32 to index
      %get3A_83 = arith.constant 16 : index
      %get3A_84 = tpu.vector_load %arg13[%get3A_82, %get3A_83] {strides = array<i32>} : memref<80x128xf32, #tpu.memory_space<vmem>>, vector<1x16xf32>,
      %get3A_85 = vector.shape_cast %get3A_84 : vector<1x16xf32> to vector<16xf32>
      %slice3A_86 = vector.extract_strided_slice %exp3A {offsets = [0], sizes = [1], strides = [1]} : vector<16xf32> to vector<1xf32>
      %squeeze3A_87 = vector.extract %slice3A_86[0] : f32 from vector<1xf32>
      %mul3A_88 = vector.broadcast %squeeze3A_87 : f32 to vector<16xf32>
      %mul3A_89 = arith.mulf %get3A_85, %mul3A_88 : vector<16xf32>
      %swap3A_90 = arith.index_cast %scan3A_53 : i32 to index
      %swap3A_91 = arith.constant 16 : index
      %swap3A_92 = tpu.vector_load %arg13[%swap3A_90, %swap3A_91] {strides = array<i32>} : memref<80x128xf32, #tpu.memory_space<vmem>>, vector<1x16xf32>,
      %swap3A_93 = vector.shape_cast %swap3A_92 : vector<1x16xf32> to vector<16xf32>
      %swap3A_94 = vector.shape_cast %mul3A_89 : vector<16xf32> to vector<1x16xf32>
      tpu.vector_store %arg13[%swap3A_90, %swap3A_91], %swap3A_94 {strides = array<i32>} : memref<80x128xf32, #tpu.memory_space<vmem>>, vector<1x16xf32>,
      %get3A_95 = arith.index_cast %scan3A_53 : i32 to index
      %get3A_96 = arith.constant 32 : index
      %get3A_97 = tpu.vector_load %arg13[%get3A_95, %get3A_96] {strides = array<i32>} : memref<80x128xf32, #tpu.memory_space<vmem>>, vector<1x16xf32>,
      %get3A_98 = vector.shape_cast %get3A_97 : vector<1x16xf32> to vector<16xf32>
      %slice3A_99 = vector.extract_strided_slice %exp3A {offsets = [0], sizes = [1], strides = [1]} : vector<16xf32> to vector<1xf32>
      %squeeze3A_100 = vector.extract %slice3A_99[0] : f32 from vector<1xf32>
      %mul3A_101 = vector.broadcast %squeeze3A_100 : f32 to vector<16xf32>
      %mul3A_102 = arith.mulf %get3A_98, %mul3A_101 : vector<16xf32>
      %swap3A_103 = arith.index_cast %scan3A_53 : i32 to index
      %swap3A_104 = arith.constant 32 : index
      %swap3A_105 = tpu.vector_load %arg13[%swap3A_103, %swap3A_104] {strides = array<i32>} : memref<80x128xf32, #tpu.memory_space<vmem>>, vector<1x16xf32>,
      %swap3A_106 = vector.shape_cast %swap3A_105 : vector<1x16xf32> to vector<16xf32>
      %swap3A_107 = vector.shape_cast %mul3A_102 : vector<16xf32> to vector<1x16xf32>
      tpu.vector_store %arg13[%swap3A_103, %swap3A_104], %swap3A_107 {strides = array<i32>} : memref<80x128xf32, #tpu.memory_space<vmem>>, vector<1x16xf32>,
      %get3A_108 = arith.index_cast %scan3A_53 : i32 to index
      %get3A_109 = arith.constant 48 : index
      %get3A_110 = tpu.vector_load %arg13[%get3A_108, %get3A_109] {strides = array<i32>} : memref<80x128xf32, #tpu.memory_space<vmem>>, vector<1x16xf32>,
      %get3A_111 = vector.shape_cast %get3A_110 : vector<1x16xf32> to vector<16xf32>
      %slice3A_112 = vector.extract_strided_slice %exp3A {offsets = [0], sizes = [1], strides = [1]} : vector<16xf32> to vector<1xf32>
      %squeeze3A_113 = vector.extract %slice3A_112[0] : f32 from vector<1xf32>
      %mul3A_114 = vector.broadcast %squeeze3A_113 : f32 to vector<16xf32>
      %mul3A_115 = arith.mulf %get3A_111, %mul3A_114 : vector<16xf32>
      %swap3A_116 = arith.index_cast %scan3A_53 : i32 to index
      %swap3A_117 = arith.constant 48 : index
      %swap3A_118 = tpu.vector_load %arg13[%swap3A_116, %swap3A_117] {strides = array<i32>} : memref<80x128xf32, #tpu.memory_space<vmem>>, vector<1x16xf32>,
      %swap3A_119 = vector.shape_cast %swap3A_118 : vector<1x16xf32> to vector<16xf32>
      %swap3A_120 = vector.shape_cast %mul3A_115 : vector<16xf32> to vector<1x16xf32>
      tpu.vector_store %arg13[%swap3A_116, %swap3A_117], %swap3A_120 {strides = array<i32>} : memref<80x128xf32, #tpu.memory_space<vmem>>, vector<1x16xf32>,
      %get3A_121 = arith.index_cast %scan3A_53 : i32 to index
      %get3A_122 = arith.constant 64 : index
      %get3A_123 = tpu.vector_load %arg13[%get3A_121, %get3A_122] {strides = array<i32>} : memref<80x128xf32, #tpu.memory_space<vmem>>, vector<1x16xf32>,
      %get3A_124 = vector.shape_cast %get3A_123 : vector<1x16xf32> to vector<16xf32>
      %slice3A_125 = vector.extract_strided_slice %exp3A {offsets = [0], sizes = [1], strides = [1]} : vector<16xf32> to vector<1xf32>
      %squeeze3A_126 = vector.extract %slice3A_125[0] : f32 from vector<1xf32>
      %mul3A_127 = vector.broadcast %squeeze3A_126 : f32 to vector<16xf32>
      %mul3A_128 = arith.mulf %get3A_124, %mul3A_127 : vector<16xf32>
      %swap3A_129 = arith.index_cast %scan3A_53 : i32 to index
      %swap3A_130 = arith.constant 64 : index
      %swap3A_131 = tpu.vector_load %arg13[%swap3A_129, %swap3A_130] {strides = array<i32>} : memref<80x128xf32, #tpu.memory_space<vmem>>, vector<1x16xf32>,
      %swap3A_132 = vector.shape_cast %swap3A_131 : vector<1x16xf32> to vector<16xf32>
      %swap3A_133 = vector.shape_cast %mul3A_128 : vector<16xf32> to vector<1x16xf32>
      tpu.vector_store %arg13[%swap3A_129, %swap3A_130], %swap3A_133 {strides = array<i32>} : memref<80x128xf32, #tpu.memory_space<vmem>>, vector<1x16xf32>,
      %get3A_134 = arith.index_cast %scan3A_53 : i32 to index
      %get3A_135 = arith.constant 80 : index
      %get3A_136 = tpu.vector_load %arg13[%get3A_134, %get3A_135] {strides = array<i32>} : memref<80x128xf32, #tpu.memory_space<vmem>>, vector<1x16xf32>,
      %get3A_137 = vector.shape_cast %get3A_136 : vector<1x16xf32> to vector<16xf32>
      %slice3A_138 = vector.extract_strided_slice %exp3A {offsets = [0], sizes = [1], strides = [1]} : vector<16xf32> to vector<1xf32>
      %squeeze3A_139 = vector.extract %slice3A_138[0] : f32 from vector<1xf32>
      %mul3A_140 = vector.broadcast %squeeze3A_139 : f32 to vector<16xf32>
      %mul3A_141 = arith.mulf %get3A_137, %mul3A_140 : vector<16xf32>
      %swap3A_142 = arith.index_cast %scan3A_53 : i32 to index
      %swap3A_143 = arith.constant 80 : index
      %swap3A_144 = tpu.vector_load %arg13[%swap3A_142, %swap3A_143] {strides = array<i32>} : memref<80x128xf32, #tpu.memory_space<vmem>>, vector<1x16xf32>,
      %swap3A_145 = vector.shape_cast %swap3A_144 : vector<1x16xf32> to vector<16xf32>
      %swap3A_146 = vector.shape_cast %mul3A_141 : vector<16xf32> to vector<1x16xf32>
      tpu.vector_store %arg13[%swap3A_142, %swap3A_143], %swap3A_146 {strides = array<i32>} : memref<80x128xf32, #tpu.memory_space<vmem>>, vector<1x16xf32>,
      %get3A_147 = arith.index_cast %scan3A_53 : i32 to index
      %get3A_148 = arith.constant 96 : index
      %get3A_149 = tpu.vector_load %arg13[%get3A_147, %get3A_148] {strides = array<i32>} : memref<80x128xf32, #tpu.memory_space<vmem>>, vector<1x16xf32>,
      %get3A_150 = vector.shape_cast %get3A_149 : vector<1x16xf32> to vector<16xf32>
      %slice3A_151 = vector.extract_strided_slice %exp3A {offsets = [0], sizes = [1], strides = [1]} : vector<16xf32> to vector<1xf32>
      %squeeze3A_152 = vector.extract %slice3A_151[0] : f32 from vector<1xf32>
      %mul3A_153 = vector.broadcast %squeeze3A_152 : f32 to vector<16xf32>
      %mul3A_154 = arith.mulf %get3A_150, %mul3A_153 : vector<16xf32>
      %swap3A_155 = arith.index_cast %scan3A_53 : i32 to index
      %swap3A_156 = arith.constant 96 : index
      %swap3A_157 = tpu.vector_load %arg13[%swap3A_155, %swap3A_156] {strides = array<i32>} : memref<80x128xf32, #tpu.memory_space<vmem>>, vector<1x16xf32>,
      %swap3A_158 = vector.shape_cast %swap3A_157 : vector<1x16xf32> to vector<16xf32>
      %swap3A_159 = vector.shape_cast %mul3A_154 : vector<16xf32> to vector<1x16xf32>
      tpu.vector_store %arg13[%swap3A_155, %swap3A_156], %swap3A_159 {strides = array<i32>} : memref<80x128xf32, #tpu.memory_space<vmem>>, vector<1x16xf32>,
      %get3A_160 = arith.index_cast %scan3A_53 : i32 to index
      %get3A_161 = arith.constant 112 : index
      %get3A_162 = tpu.vector_load %arg13[%get3A_160, %get3A_161] {strides = array<i32>} : memref<80x128xf32, #tpu.memory_space<vmem>>, vector<1x16xf32>,
      %get3A_163 = vector.shape_cast %get3A_162 : vector<1x16xf32> to vector<16xf32>
      %slice3A_164 = vector.extract_strided_slice %exp3A {offsets = [0], sizes = [1], strides = [1]} : vector<16xf32> to vector<1xf32>
      %squeeze3A_165 = vector.extract %slice3A_164[0] : f32 from vector<1xf32>
      %mul3A_166 = vector.broadcast %squeeze3A_165 : f32 to vector<16xf32>
      %mul3A_167 = arith.mulf %get3A_163, %mul3A_166 : vector<16xf32>
      %swap3A_168 = arith.index_cast %scan3A_53 : i32 to index
      %swap3A_169 = arith.constant 112 : index
      %swap3A_170 = tpu.vector_load %arg13[%swap3A_168, %swap3A_169] {strides = array<i32>} : memref<80x128xf32, #tpu.memory_space<vmem>>, vector<1x16xf32>,
      %swap3A_171 = vector.shape_cast %swap3A_170 : vector<1x16xf32> to vector<16xf32>
      %swap3A_172 = vector.shape_cast %mul3A_167 : vector<16xf32> to vector<1x16xf32>
      tpu.vector_store %arg13[%swap3A_168, %swap3A_169], %swap3A_172 {strides = array<i32>} : memref<80x128xf32, #tpu.memory_space<vmem>>, vector<1x16xf32>,
    }
    %scan3A_39 = arith.constant 80 : i32
    %dma_start3A_40 = arith.constant 0 : i32
    %dma_start3A_41 = arith.constant 0 : i32
    %dma_start3A_42 = tpu.memref_slice %arg21[%dma_start3A_40, %dma_start3A_41] : memref<10240x128xf32, #tpu.memory_space<vmem_shared>> -> memref<10240x128xf32, #tpu.memory_space<vmem_shared>>
    tpu.enqueue_indirect_dma source(%arg13 : memref<80x128xf32, #tpu.memory_space<vmem>>) target(%dma_start3A_42 : memref<10240x128xf32, #tpu.memory_space<vmem_shared>>) offsets(%arg12 : memref<80xi32, #tpu.memory_space<vmem>>) semaphore(%arg25 : memref<!tpu.dma_semaphore, #tpu.memory_space<semaphore_mem>>) {add = true}
    %dma_start3A_43 = arith.constant 0 : i32
    %dma_start3A_44 = arith.constant 0 : i32
    %dma_start3A_45 = tpu.memref_slice %arg22[%dma_start3A_43, %dma_start3A_44] : memref<10240x16xf32, #tpu.memory_space<vmem_shared>> -> memref<10240x16xf32, #tpu.memory_space<vmem_shared>>
    tpu.enqueue_indirect_dma source(%arg15 : memref<80x16xf32, #tpu.memory_space<vmem>>) target(%dma_start3A_45 : memref<10240x16xf32, #tpu.memory_space<vmem_shared>>) offsets(%arg12 : memref<80xi32, #tpu.memory_space<vmem>>) semaphore(%arg25 : memref<!tpu.dma_semaphore, #tpu.memory_space<semaphore_mem>>) {add = true}
    %dma_wait3A_46 = arith.constant 0 : i32
    %dma_wait3A_47 = arith.constant 0 : i32
    %dma_wait3A_48 = tpu.memref_slice %arg21[%dma_wait3A_46, %dma_wait3A_47] : memref<10240x128xf32, #tpu.memory_space<vmem_shared>> -> memref<10240x128xf32, #tpu.memory_space<vmem_shared>>
    tpu.wait_indirect_dma semaphore(%arg25 : memref<!tpu.dma_semaphore, #tpu.memory_space<semaphore_mem>>) src(%arg13 : memref<80x128xf32, #tpu.memory_space<vmem>>) dst(%dma_wait3A_48 : memref<10240x128xf32, #tpu.memory_space<vmem_shared>>)
    %dma_wait3A_49 = arith.constant 0 : i32
    %dma_wait3A_50 = arith.constant 0 : i32
    %dma_wait3A_51 = tpu.memref_slice %arg22[%dma_wait3A_49, %dma_wait3A_50] : memref<10240x16xf32, #tpu.memory_space<vmem_shared>> -> memref<10240x16xf32, #tpu.memory_space<vmem_shared>>
    tpu.wait_indirect_dma semaphore(%arg25 : memref<!tpu.dma_semaphore, #tpu.memory_space<semaphore_mem>>) src(%arg15 : memref<80x16xf32, #tpu.memory_space<vmem>>) dst(%dma_wait3A_51 : memref<10240x16xf32, #tpu.memory_space<vmem_shared>>)
    %barrier3A_52 = arith.constant 0 : index
    tpu.barrier barrier_id(%barrier3A_52)
    "tpu.region"() ({
      %run_scoped3A = tpu.sem_alloc : memref<!tpu.dma_semaphore, #tpu.memory_space<semaphore_mem>>
      %dma_start3A_53 = arith.constant 0 : i32
      %dma_start3A_54 = tpu.memref_slice %arg9[%arg0, %mul3A_2, %dma_start3A_53] : memref<2x10240x128xf32, #tpu.memory_space<hbm>> -> memref<1x640x128xf32, #tpu.memory_space<hbm>>
      %dma_start3A_55 = tpu.memref_squeeze %dma_start3A_54 : memref<1x640x128xf32, #tpu.memory_space<hbm>> -> memref<640x128xf32, #tpu.memory_space<hbm>>
      %dma_start3A_56 = arith.constant 0 : i32
      %dma_start3A_57 = tpu.memref_slice %arg21[%mul3A_2, %dma_start3A_56] : memref<10240x128xf32, #tpu.memory_space<vmem_shared>> -> memref<640x128xf32, #tpu.memory_space<vmem_shared>>
      tpu.enqueue_dma source(%dma_start3A_57 : memref<640x128xf32, #tpu.memory_space<vmem_shared>>) target(%dma_start3A_55 : memref<640x128xf32, #tpu.memory_space<hbm>>) target_semaphore(%run_scoped3A : memref<!tpu.dma_semaphore, #tpu.memory_space<semaphore_mem>>)
      %dma_wait3A_58 = arith.constant 0 : i32
      %dma_wait3A_59 = tpu.memref_slice %arg9[%arg0, %mul3A_2, %dma_wait3A_58] : memref<2x10240x128xf32, #tpu.memory_space<hbm>> -> memref<1x640x128xf32, #tpu.memory_space<hbm>>
      %dma_wait3A_60 = tpu.memref_squeeze %dma_wait3A_59 : memref<1x640x128xf32, #tpu.memory_space<hbm>> -> memref<640x128xf32, #tpu.memory_space<hbm>>
      %dma_wait3A_61 = arith.constant 0 : i32
      %dma_wait3A_62 = tpu.memref_slice %arg21[%mul3A_2, %dma_wait3A_61] : memref<10240x128xf32, #tpu.memory_space<vmem_shared>> -> memref<640x128xf32, #tpu.memory_space<vmem_shared>>
      tpu.wait_dma2 semaphore(%run_scoped3A : memref<!tpu.dma_semaphore, #tpu.memory_space<semaphore_mem>>) src(%dma_wait3A_62 : memref<640x128xf32, #tpu.memory_space<vmem_shared>>) dst(%dma_wait3A_60 : memref<640x128xf32, #tpu.memory_space<hbm>>)
      tpu.yield
    }) : () -> ()
    "tpu.region"() ({
      %run_scoped3A = tpu.sem_alloc : memref<!tpu.dma_semaphore, #tpu.memory_space<semaphore_mem>>
      %dma_start3A_53 = arith.constant 0 : i32
      %dma_start3A_54 = tpu.memref_slice %arg10[%arg0, %mul3A_2, %dma_start3A_53] : memref<2x10240x16xf32, #tpu.memory_space<hbm>> -> memref<1x640x16xf32, #tpu.memory_space<hbm>>
      %dma_start3A_55 = tpu.memref_squeeze %dma_start3A_54 : memref<1x640x16xf32, #tpu.memory_space<hbm>> -> memref<640x16xf32, #tpu.memory_space<hbm>>
      %dma_start3A_56 = arith.constant 0 : i32
      %dma_start3A_57 = tpu.memref_slice %arg22[%mul3A_2, %dma_start3A_56] : memref<10240x16xf32, #tpu.memory_space<vmem_shared>> -> memref<640x16xf32, #tpu.memory_space<vmem_shared>>
      tpu.enqueue_dma source(%dma_start3A_57 : memref<640x16xf32, #tpu.memory_space<vmem_shared>>) target(%dma_start3A_55 : memref<640x16xf32, #tpu.memory_space<hbm>>) target_semaphore(%run_scoped3A : memref<!tpu.dma_semaphore, #tpu.memory_space<semaphore_mem>>)
      %dma_wait3A_58 = arith.constant 0 : i32
      %dma_wait3A_59 = tpu.memref_slice %arg10[%arg0, %mul3A_2, %dma_wait3A_58] : memref<2x10240x16xf32, #tpu.memory_space<hbm>> -> memref<1x640x16xf32, #tpu.memory_space<hbm>>
      %dma_wait3A_60 = tpu.memref_squeeze %dma_wait3A_59 : memref<1x640x16xf32, #tpu.memory_space<hbm>> -> memref<640x16xf32, #tpu.memory_space<hbm>>
      %dma_wait3A_61 = arith.constant 0 : i32
      %dma_wait3A_62 = tpu.memref_slice %arg22[%mul3A_2, %dma_wait3A_61] : memref<10240x16xf32, #tpu.memory_space<vmem_shared>> -> memref<640x16xf32, #tpu.memory_space<vmem_shared>>
      tpu.wait_dma2 semaphore(%run_scoped3A : memref<!tpu.dma_semaphore, #tpu.memory_space<semaphore_mem>>) src(%dma_wait3A_62 : memref<640x16xf32, #tpu.memory_space<vmem_shared>>) dst(%dma_wait3A_60 : memref<640x16xf32, #tpu.memory_space<hbm>>)
      tpu.yield
    }) : () -> ()
    return
  }
}

module attributes {stable_mosaic.version = 14 : i64} {
  func.func @_dense_in(%arg0: memref<10000x128xf32, #tpu.memory_space<vmem>>, %arg1: memref<128x128xf32, #tpu.memory_space<vmem>>, %arg2: memref<128x16xf32, #tpu.memory_space<vmem>>, %arg3: memref<128x16xf32, #tpu.memory_space<vmem>>, %arg4: memref<10000x128xf32, #tpu.memory_space<vmem>>, %arg5: memref<10000x16xf32, #tpu.memory_space<vmem>>, %arg6: memref<10000x16xf32, #tpu.memory_space<vmem>>) attributes {dimension_semantics = [], scalar_prefetch = 0 : i64, scratch_operands = 0 : i64, tpu.core_type = #tpu.core_type<tc>} {
    %get3A = arith.constant 0 : index
    %get3A_0 = arith.constant 0 : index
    %get3A_1 = vector.load %arg0[%get3A, %get3A_0] : memref<10000x128xf32, #tpu.memory_space<vmem>>, vector<10000x128xf32>
    %get3A_2 = arith.constant 0 : index
    %get3A_3 = arith.constant 0 : index
    %get3A_4 = vector.load %arg1[%get3A_2, %get3A_3] : memref<128x128xf32, #tpu.memory_space<vmem>>, vector<128x128xf32>
    %dot_general3A = arith.constant dense<0.000000e+00> : vector<10000x128xf32>
    %dot_general3A_5 = tpu.matmul %get3A_1, %get3A_4, %dot_general3A {dimension_numbers = #tpu.dot_dimension_numbers<[1], [0], [0], [1], [0, 0, 1, 1], [], []>, transpose_lhs_hint = false} : vector<10000x128xf32>, vector<128x128xf32>, vector<10000x128xf32> -> vector<10000x128xf32>
    %swap3A = arith.constant 0 : index
    %swap3A_6 = arith.constant 0 : index
    %swap3A_7 = vector.load %arg4[%swap3A, %swap3A_6] : memref<10000x128xf32, #tpu.memory_space<vmem>>, vector<10000x128xf32>
    tpu.vector_store %arg4[%swap3A, %swap3A_6], %dot_general3A_5 {strides = array<i32>} : memref<10000x128xf32, #tpu.memory_space<vmem>>, vector<10000x128xf32>,
    %get3A_8 = arith.constant 0 : index
    %get3A_9 = arith.constant 0 : index
    %get3A_10 = vector.load %arg2[%get3A_8, %get3A_9] : memref<128x16xf32, #tpu.memory_space<vmem>>, vector<128x16xf32>
    %dot_general3A_11 = arith.constant dense<0.000000e+00> : vector<10000x16xf32>
    %dot_general3A_12 = tpu.matmul %dot_general3A_5, %get3A_10, %dot_general3A_11 {dimension_numbers = #tpu.dot_dimension_numbers<[1], [0], [0], [1], [0, 0, 1, 1], [], []>, transpose_lhs_hint = false} : vector<10000x128xf32>, vector<128x16xf32>, vector<10000x16xf32> -> vector<10000x16xf32>
    %swap3A_13 = arith.constant 0 : index
    %swap3A_14 = arith.constant 0 : index
    %swap3A_15 = vector.load %arg5[%swap3A_13, %swap3A_14] : memref<10000x16xf32, #tpu.memory_space<vmem>>, vector<10000x16xf32>
    tpu.vector_store %arg5[%swap3A_13, %swap3A_14], %dot_general3A_12 {strides = array<i32>} : memref<10000x16xf32, #tpu.memory_space<vmem>>, vector<10000x16xf32>,
    %get3A_16 = arith.constant 0 : index
    %get3A_17 = arith.constant 0 : index
    %get3A_18 = vector.load %arg3[%get3A_16, %get3A_17] : memref<128x16xf32, #tpu.memory_space<vmem>>, vector<128x16xf32>
    %dot_general3A_19 = arith.constant dense<0.000000e+00> : vector<10000x16xf32>
    %dot_general3A_20 = tpu.matmul %dot_general3A_5, %get3A_18, %dot_general3A_19 {dimension_numbers = #tpu.dot_dimension_numbers<[1], [0], [0], [1], [0, 0, 1, 1], [], []>, transpose_lhs_hint = false} : vector<10000x128xf32>, vector<128x16xf32>, vector<10000x16xf32> -> vector<10000x16xf32>
    %swap3A_21 = arith.constant 0 : index
    %swap3A_22 = arith.constant 0 : index
    %swap3A_23 = vector.load %arg6[%swap3A_21, %swap3A_22] : memref<10000x16xf32, #tpu.memory_space<vmem>>, vector<10000x16xf32>
    tpu.vector_store %arg6[%swap3A_21, %swap3A_22], %dot_general3A_20 {strides = array<i32>} : memref<10000x16xf32, #tpu.memory_space<vmem>>, vector<10000x16xf32>,
    return
  }
}

module attributes {stable_mosaic.version = 14 : i64} {
  func.func @_dense_mid(%arg0: memref<2x10240x128xf32, #tpu.memory_space<vmem>>, %arg1: memref<2x10240x16xf32, #tpu.memory_space<vmem>>, %arg2: memref<16x128xf32, #tpu.memory_space<vmem>>, %arg3: memref<1x128xf32, #tpu.memory_space<vmem>>, %arg4: memref<128x128xf32, #tpu.memory_space<vmem>>, %arg5: memref<128x16xf32, #tpu.memory_space<vmem>>, %arg6: memref<128x16xf32, #tpu.memory_space<vmem>>, %arg7: memref<10000x128xf32, #tpu.memory_space<vmem>>, %arg8: memref<10000x16xf32, #tpu.memory_space<vmem>>, %arg9: memref<10000x16xf32, #tpu.memory_space<vmem>>) attributes {dimension_semantics = [], scalar_prefetch = 0 : i64, scratch_operands = 0 : i64, tpu.core_type = #tpu.core_type<tc>} {
    %get3A = arith.constant 0 : index
    %get3A_0 = arith.constant 0 : index
    %get3A_1 = arith.constant 0 : index
    %get3A_2 = vector.load %arg0[%get3A, %get3A_0, %get3A_1] : memref<2x10240x128xf32, #tpu.memory_space<vmem>>, vector<1x10000x128xf32>
    %get3A_3 = vector.shape_cast %get3A_2 : vector<1x10000x128xf32> to vector<10000x128xf32>
    %get3A_4 = arith.constant 1 : index
    %get3A_5 = arith.constant 0 : index
    %get3A_6 = arith.constant 0 : index
    %get3A_7 = vector.load %arg0[%get3A_4, %get3A_5, %get3A_6] : memref<2x10240x128xf32, #tpu.memory_space<vmem>>, vector<1x10000x128xf32>
    %get3A_8 = vector.shape_cast %get3A_7 : vector<1x10000x128xf32> to vector<10000x128xf32>
    %add3A = arith.addf %get3A_3, %get3A_8 : vector<10000x128xf32>
    %get3A_9 = arith.constant 0 : index
    %get3A_10 = arith.constant 0 : index
    %get3A_11 = arith.constant 0 : index
    %get3A_12 = vector.load %arg1[%get3A_9, %get3A_10, %get3A_11] : memref<2x10240x16xf32, #tpu.memory_space<vmem>>, vector<1x10000x16xf32>
    %get3A_13 = vector.shape_cast %get3A_12 : vector<1x10000x16xf32> to vector<10000x16xf32>
    %get3A_14 = arith.constant 1 : index
    %get3A_15 = arith.constant 0 : index
    %get3A_16 = arith.constant 0 : index
    %get3A_17 = vector.load %arg1[%get3A_14, %get3A_15, %get3A_16] : memref<2x10240x16xf32, #tpu.memory_space<vmem>>, vector<1x10000x16xf32>
    %get3A_18 = vector.shape_cast %get3A_17 : vector<1x10000x16xf32> to vector<10000x16xf32>
    %add3A_19 = arith.addf %get3A_13, %get3A_18 : vector<10000x16xf32>
    %get3A_20 = arith.constant 0 : index
    %get3A_21 = arith.constant 0 : index
    %get3A_22 = vector.load %arg2[%get3A_20, %get3A_21] : memref<16x128xf32, #tpu.memory_space<vmem>>, vector<16x128xf32>
    %dot_general3A = arith.constant dense<0.000000e+00> : vector<10000x128xf32>
    %dot_general3A_23 = tpu.matmul %add3A_19, %get3A_22, %dot_general3A {dimension_numbers = #tpu.dot_dimension_numbers<[1], [0], [0], [1], [0, 0, 1, 1], [], []>, transpose_lhs_hint = false} : vector<10000x16xf32>, vector<16x128xf32>, vector<10000x128xf32> -> vector<10000x128xf32>
    %add3A_24 = arith.constant 1.000000e-16 : f32
    %add3A_25 = vector.broadcast %add3A_24 : f32 to vector<10000x128xf32>
    %add3A_26 = arith.addf %dot_general3A_23, %add3A_25 : vector<10000x128xf32>
    %div3A = arith.divf %add3A, %add3A_26 : vector<10000x128xf32>
    %get3A_27 = arith.constant 0 : index
    %get3A_28 = arith.constant 0 : index
    %get3A_29 = vector.load %arg3[%get3A_27, %get3A_28] : memref<1x128xf32, #tpu.memory_space<vmem>>, vector<1x128xf32>
    %add3A_30 = vector.broadcast %get3A_29 : vector<1x128xf32> to vector<10000x128xf32>
    %add3A_31 = arith.addf %div3A, %add3A_30 : vector<10000x128xf32>
    %gt3A = arith.constant 0.000000e+00 : f32
    %gt3A_32 = vector.broadcast %gt3A : f32 to vector<10000x128xf32>
    %gt3A_33 = arith.cmpf ogt, %add3A_31, %gt3A_32 : vector<10000x128xf32>
    %exp3A = math.exp %add3A_31 : vector<10000x128xf32>
    %sub3A = arith.constant 1.000000e+00 : f32
    %sub3A_34 = vector.broadcast %sub3A : f32 to vector<10000x128xf32>
    %sub3A_35 = arith.subf %exp3A, %sub3A_34 : vector<10000x128xf32>
    %select_n3A = arith.select %gt3A_33, %add3A_31, %sub3A_35 : vector<10000x128xi1>, vector<10000x128xf32>
    %get3A_36 = arith.constant 0 : index
    %get3A_37 = arith.constant 0 : index
    %get3A_38 = vector.load %arg4[%get3A_36, %get3A_37] : memref<128x128xf32, #tpu.memory_space<vmem>>, vector<128x128xf32>
    %dot_general3A_39 = arith.constant dense<0.000000e+00> : vector<10000x128xf32>
    %dot_general3A_40 = tpu.matmul %select_n3A, %get3A_38, %dot_general3A_39 {dimension_numbers = #tpu.dot_dimension_numbers<[1], [0], [0], [1], [0, 0, 1, 1], [], []>, transpose_lhs_hint = false} : vector<10000x128xf32>, vector<128x128xf32>, vector<10000x128xf32> -> vector<10000x128xf32>
    %swap3A = arith.constant 0 : index
    %swap3A_41 = arith.constant 0 : index
    %swap3A_42 = vector.load %arg7[%swap3A, %swap3A_41] : memref<10000x128xf32, #tpu.memory_space<vmem>>, vector<10000x128xf32>
    tpu.vector_store %arg7[%swap3A, %swap3A_41], %dot_general3A_40 {strides = array<i32>} : memref<10000x128xf32, #tpu.memory_space<vmem>>, vector<10000x128xf32>,
    %get3A_43 = arith.constant 0 : index
    %get3A_44 = arith.constant 0 : index
    %get3A_45 = vector.load %arg5[%get3A_43, %get3A_44] : memref<128x16xf32, #tpu.memory_space<vmem>>, vector<128x16xf32>
    %dot_general3A_46 = arith.constant dense<0.000000e+00> : vector<10000x16xf32>
    %dot_general3A_47 = tpu.matmul %dot_general3A_40, %get3A_45, %dot_general3A_46 {dimension_numbers = #tpu.dot_dimension_numbers<[1], [0], [0], [1], [0, 0, 1, 1], [], []>, transpose_lhs_hint = false} : vector<10000x128xf32>, vector<128x16xf32>, vector<10000x16xf32> -> vector<10000x16xf32>
    %swap3A_48 = arith.constant 0 : index
    %swap3A_49 = arith.constant 0 : index
    %swap3A_50 = vector.load %arg8[%swap3A_48, %swap3A_49] : memref<10000x16xf32, #tpu.memory_space<vmem>>, vector<10000x16xf32>
    tpu.vector_store %arg8[%swap3A_48, %swap3A_49], %dot_general3A_47 {strides = array<i32>} : memref<10000x16xf32, #tpu.memory_space<vmem>>, vector<10000x16xf32>,
    %get3A_51 = arith.constant 0 : index
    %get3A_52 = arith.constant 0 : index
    %get3A_53 = vector.load %arg6[%get3A_51, %get3A_52] : memref<128x16xf32, #tpu.memory_space<vmem>>, vector<128x16xf32>
    %dot_general3A_54 = arith.constant dense<0.000000e+00> : vector<10000x16xf32>
    %dot_general3A_55 = tpu.matmul %dot_general3A_40, %get3A_53, %dot_general3A_54 {dimension_numbers = #tpu.dot_dimension_numbers<[1], [0], [0], [1], [0, 0, 1, 1], [], []>, transpose_lhs_hint = false} : vector<10000x128xf32>, vector<128x16xf32>, vector<10000x16xf32> -> vector<10000x16xf32>
    %swap3A_56 = arith.constant 0 : index
    %swap3A_57 = arith.constant 0 : index
    %swap3A_58 = vector.load %arg9[%swap3A_56, %swap3A_57] : memref<10000x16xf32, #tpu.memory_space<vmem>>, vector<10000x16xf32>
    tpu.vector_store %arg9[%swap3A_56, %swap3A_57], %dot_general3A_55 {strides = array<i32>} : memref<10000x16xf32, #tpu.memory_space<vmem>>, vector<10000x16xf32>,
    return
  }
}

module attributes {stable_mosaic.version = 14 : i64} {
  func.func @_dense_out(%arg0: memref<2x10240x128xf32, #tpu.memory_space<vmem>>, %arg1: memref<2x10240x16xf32, #tpu.memory_space<vmem>>, %arg2: memref<16x128xf32, #tpu.memory_space<vmem>>, %arg3: memref<1x128xf32, #tpu.memory_space<vmem>>, %arg4: memref<10000x128xf32, #tpu.memory_space<vmem>>) attributes {dimension_semantics = [], scalar_prefetch = 0 : i64, scratch_operands = 0 : i64, tpu.core_type = #tpu.core_type<tc>} {
    %get3A = arith.constant 0 : index
    %get3A_0 = arith.constant 0 : index
    %get3A_1 = arith.constant 0 : index
    %get3A_2 = vector.load %arg0[%get3A, %get3A_0, %get3A_1] : memref<2x10240x128xf32, #tpu.memory_space<vmem>>, vector<1x10000x128xf32>
    %get3A_3 = vector.shape_cast %get3A_2 : vector<1x10000x128xf32> to vector<10000x128xf32>
    %get3A_4 = arith.constant 1 : index
    %get3A_5 = arith.constant 0 : index
    %get3A_6 = arith.constant 0 : index
    %get3A_7 = vector.load %arg0[%get3A_4, %get3A_5, %get3A_6] : memref<2x10240x128xf32, #tpu.memory_space<vmem>>, vector<1x10000x128xf32>
    %get3A_8 = vector.shape_cast %get3A_7 : vector<1x10000x128xf32> to vector<10000x128xf32>
    %add3A = arith.addf %get3A_3, %get3A_8 : vector<10000x128xf32>
    %get3A_9 = arith.constant 0 : index
    %get3A_10 = arith.constant 0 : index
    %get3A_11 = arith.constant 0 : index
    %get3A_12 = vector.load %arg1[%get3A_9, %get3A_10, %get3A_11] : memref<2x10240x16xf32, #tpu.memory_space<vmem>>, vector<1x10000x16xf32>
    %get3A_13 = vector.shape_cast %get3A_12 : vector<1x10000x16xf32> to vector<10000x16xf32>
    %get3A_14 = arith.constant 1 : index
    %get3A_15 = arith.constant 0 : index
    %get3A_16 = arith.constant 0 : index
    %get3A_17 = vector.load %arg1[%get3A_14, %get3A_15, %get3A_16] : memref<2x10240x16xf32, #tpu.memory_space<vmem>>, vector<1x10000x16xf32>
    %get3A_18 = vector.shape_cast %get3A_17 : vector<1x10000x16xf32> to vector<10000x16xf32>
    %add3A_19 = arith.addf %get3A_13, %get3A_18 : vector<10000x16xf32>
    %get3A_20 = arith.constant 0 : index
    %get3A_21 = arith.constant 0 : index
    %get3A_22 = vector.load %arg2[%get3A_20, %get3A_21] : memref<16x128xf32, #tpu.memory_space<vmem>>, vector<16x128xf32>
    %dot_general3A = arith.constant dense<0.000000e+00> : vector<10000x128xf32>
    %dot_general3A_23 = tpu.matmul %add3A_19, %get3A_22, %dot_general3A {dimension_numbers = #tpu.dot_dimension_numbers<[1], [0], [0], [1], [0, 0, 1, 1], [], []>, transpose_lhs_hint = false} : vector<10000x16xf32>, vector<16x128xf32>, vector<10000x128xf32> -> vector<10000x128xf32>
    %add3A_24 = arith.constant 1.000000e-16 : f32
    %add3A_25 = vector.broadcast %add3A_24 : f32 to vector<10000x128xf32>
    %add3A_26 = arith.addf %dot_general3A_23, %add3A_25 : vector<10000x128xf32>
    %div3A = arith.divf %add3A, %add3A_26 : vector<10000x128xf32>
    %get3A_27 = arith.constant 0 : index
    %get3A_28 = arith.constant 0 : index
    %get3A_29 = vector.load %arg3[%get3A_27, %get3A_28] : memref<1x128xf32, #tpu.memory_space<vmem>>, vector<1x128xf32>
    %add3A_30 = vector.broadcast %get3A_29 : vector<1x128xf32> to vector<10000x128xf32>
    %add3A_31 = arith.addf %div3A, %add3A_30 : vector<10000x128xf32>
    %gt3A = arith.constant 0.000000e+00 : f32
    %gt3A_32 = vector.broadcast %gt3A : f32 to vector<10000x128xf32>
    %gt3A_33 = arith.cmpf ogt, %add3A_31, %gt3A_32 : vector<10000x128xf32>
    %exp3A = math.exp %add3A_31 : vector<10000x128xf32>
    %sub3A = arith.constant 1.000000e+00 : f32
    %sub3A_34 = vector.broadcast %sub3A : f32 to vector<10000x128xf32>
    %sub3A_35 = arith.subf %exp3A, %sub3A_34 : vector<10000x128xf32>
    %select_n3A = arith.select %gt3A_33, %add3A_31, %sub3A_35 : vector<10000x128xi1>, vector<10000x128xf32>
    %swap3A = arith.constant 0 : index
    %swap3A_36 = arith.constant 0 : index
    %swap3A_37 = vector.load %arg4[%swap3A, %swap3A_36] : memref<10000x128xf32, #tpu.memory_space<vmem>>, vector<10000x128xf32>
    tpu.vector_store %arg4[%swap3A, %swap3A_36], %select_n3A {strides = array<i32>} : memref<10000x128xf32, #tpu.memory_space<vmem>>, vector<10000x128xf32>,
    return
  }
}

</mosaic_0001>

<sc_bundles>
// kernel: kernel.10.cloned.1.call-start
scs
__scs_entry_jumppad:
0x0: {  	(pc) =	sbr.rel $0x88, $3  }
0x1: {  	(tag) =	ssettag $0x0;
	lr =	simm.s32 $0x1  }
0x2: {  	[smem:$0x3F97] =	sst lr;
	_ =	strace $0xD0000000  }
0x3: {  	_ = 	snop  }
0x4: {  	_ = 	snop  }
0x5: {  	_ = 	snop  }
0x6: {  	_ = 	snop  }
0x7: {  	_ = 	snop  }
__scs_overlays_trampoline_lowered:
0x8: {  	[smem:$0x3FA6] =	sst s0  }
0x9: {  	[smem:$0x3FA7] =	sst s1  }
0xa: {  	[smem:$0x3FA8] =	sst s2  }
0xb: {  	[smem:$0x3FA9] =	sst s3  }
0xc: {  	[smem:$0x3FAA] =	sst s4  }
0xd: {  	[smem:$0x3FAB] =	sst s5  }
0xe: {  	[smem:$0x3FAC] =	sst s6  }
0xf: {  	[smem:$0x3FAD] =	sst s7  }
0x10: {  	[smem:$0x3FAE] =	sst s8  }
0x11: {  	[smem:$0x3FAF] =	sst s9;
	s0 =	simm.s32 @!p0 $0x0  }
0x12: {  	s1 =	sld [smem:$0x3F95];
	s0 =	simm.s32 @p0 $0x1  }
0x13: {  	[smem:$0x3FB0] =	sst s0;
	s0 =	simm.s32 @!p1 $0x0  }
0x14: {  	s2 =	sld [smem:$0x3F94];
	s0 =	simm.s32 @p1 $0x1  }
0x15: {  	[smem:$0x3FB1] =	sst s0;
	s0 =	simm.s32 @!p2 $0x0  }
0x16: {  	s3 =	sld [smem:$0x3FDB];
	s0 =	simm.s32 @p2 $0x1  }
0x17: {  	s4 =	simm.s32 $0x1BF5;
	[smem:$0x3FB3] =	sst s0  }
0x18: {  	s0 =	sld [smem:$0x3F96];
	_ =	swait.ge [sflag:s4], $0x0  }
0x19: {  	s7 =	sld [smem:$0x3F97]  }
0x1a: {  	s8 =	sadd.s32 $0xFFFFE003, lr  }
0x1b: {  	s9 =	sadd.s32 $0xFFFFFEF7, lr;
	s5 =	simm.s32 $0xFFFFFFFF;
	p2 =	slt.u32 s8, $0xFFFFF086  }
0x1c: {  	p1 =	slt.u32 s9, $0xF7A;
	s5 =	simm.s32 @!p2 $0x0  }
0x1d: {  	s5 =	simm.s32 @p1 $0x1;
	p0 =	seq.s32 s7, s2  }
0x1e: {  	s7 =	smul.u32 @!p0 $0xF7A, s2;
	p2 =	seq.s32 @!p0 s5, $0x0  }
0x1f: {  	s9 =	smul.u32 $0xF7A, s1;
	s8 =	simm.s32 @!p0 $0x1BF5;
	p2 =	por !p2, p0  }
0x20: {  	[sflag:s8] =	ssyncset.s32 @!p0 $0xFFFFF086;
	s6 =	sadd.s32 @!p0 s3, s7;
	s7 =	simm.s32 @!p0 $0x108  }
0x21: {  	s3 =	sadd.s32 s3, s9;
	s6 =	sadd.s32 @!p0 $0x88, s6;
	s7 =	simm.s32 @p2 $0x1082  }
0x22: {  	[simem:s7], [sflag:s8] =	dma.local @!p0 [hbm:s6], $0xF7A  }
0x23: {  	s9 =	sor.u32 $0xD0000000, s2;
	s6 =	simm.s32 $0x108;
	_ =	swait.ge @!p0 [sflag:s8], $0x0  }
0x24: {  	s3 =	sadd.s32 $0x88, s3;
	s6 =	simm.s32 @!p1 $0x1082;
	[sflag:s4] =	ssyncset.s32 $0xFFFFF086  }
0x25: {  	[simem:s6], [sflag:s4] =	dma.local [hbm:s3], $0xF7A  }
0x26: {  	[smem:$0x3F97] =	sst s1;
	(tag) =	ssettag s2;
	_ =	strace s9  }
0x27: {  	s1 =	sld [smem:$0x3FA7]  }
0x28: {  	s2 =	sld [smem:$0x3FA8]  }
0x29: {  	s4 =	sld [smem:$0x3FAA]  }
0x2a: {  	p0 =	seq.s32 s5, $0x0;
	s5 =	sld [smem:$0x3FAB]  }
0x2b: {  	s6 =	sld [smem:$0x3FAC]  }
0x2c: {  	s7 =	sld [smem:$0x3FAD]  }
0x2d: {  	s3 =	simm.s32 $0x108;
	s8 =	sld [smem:$0x3FAE]  }
0x2e: {  	s3 =	simm.s32 @!p0 $0x1082;
	s9 =	sld [smem:$0x3FAF]  }
0x2f: {  	lr =	sadd.s32 s0, s3;
	s0 =	sld [smem:$0x3FA6]  }
0x30: {  	s3 =	sld [smem:$0x3FA9]  }
0x31: {  	[smem:$0x3FB2] =	sst s10  }
0x32: {  	s10 =	sld [smem:$0x3FB0];
	_ =	sdelay $0x3  }
0x33: {  	p0 =	seq.s32 s10, $0x1;
	s10 =	sld [smem:$0x3FB2];
	_ =	sdelay $0x3  }
0x34: {  	[smem:$0x3FB2] =	sst s10  }
0x35: {  	s10 =	sld [smem:$0x3FB1];
	_ =	sdelay $0x3  }
0x36: {  	p1 =	seq.s32 s10, $0x1;
	s10 =	sld [smem:$0x3FB2];
	_ =	sdelay $0x3  }
0x37: {  	[smem:$0x3FB2] =	sst s10  }
0x38: {  	s10 =	sld [smem:$0x3FB3]  }
0x39: {  	_ = 	snop;
	(pc) =	sbr.ind lr, $3  }
0x3a: {  	_ = 	snop  }
0x3b: {  	_ = 	snop  }
0x3c: {  	p2 =	seq.s32 s10, $0x1;
	s10 =	sld [smem:$0x3FB2]  }
0x3d: {  	_ =	shalt  }
0x3e: {  	_ =	shalt  }
0x3f: {  	_ =	shalt  }
0x40: {  	_ =	shalt  }
0x41: {  	_ =	shalt  }
0x42: {  	_ =	shalt  }
0x43: {  	_ =	shalt  }
0x44: {  	_ =	shalt  }
0x45: {  	_ =	shalt  }
0x46: {  	_ =	shalt  }
0x47: {  	_ =	shalt  }
0x48: {  	_ =	shalt  }
0x49: {  	_ =	shalt  }
0x4a: {  	_ =	shalt  }
0x4b: {  	_ =	shalt  }
0x4c: {  	_ =	shalt  }
0x4d: {  	_ =	shalt  }
0x4e: {  	_ =	shalt  }
0x4f: {  	_ =	shalt  }
0x50: {  	_ =	shalt  }
0x51: {  	_ =	shalt  }
0x52: {  	_ =	shalt  }
0x53: {  	_ =	shalt  }
0x54: {  	_ =	shalt  }
0x55: {  	_ =	shalt  }
0x56: {  	_ =	shalt  }
0x57: {  	_ =	shalt  }
0x58: {  	_ =	shalt  }
0x59: {  	_ =	shalt  }
0x5a: {  	_ =	shalt  }
0x5b: {  	_ =	shalt  }
0x5c: {  	_ =	shalt  }
0x5d: {  	_ =	shalt  }
0x5e: {  	_ =	shalt  }
0x5f: {  	_ =	shalt  }
0x60: {  	_ =	shalt  }
0x61: {  	_ =	shalt  }
0x62: {  	_ =	shalt  }
0x63: {  	_ =	shalt  }
0x64: {  	_ =	shalt  }
0x65: {  	_ =	shalt  }
0x66: {  	_ =	shalt  }
0x67: {  	_ =	shalt  }
0x68: {  	_ =	shalt  }
0x69: {  	_ =	shalt  }
0x6a: {  	_ =	shalt  }
0x6b: {  	_ =	shalt  }
0x6c: {  	_ =	shalt  }
0x6d: {  	_ =	shalt  }
0x6e: {  	_ =	shalt  }
0x6f: {  	_ =	shalt  }
0x70: {  	_ =	shalt  }
0x71: {  	_ =	shalt  }
0x72: {  	_ =	shalt  }
0x73: {  	_ =	shalt  }
0x74: {  	_ =	shalt  }
0x75: {  	_ =	shalt  }
0x76: {  	_ =	shalt  }
0x77: {  	_ =	shalt  }
0x78: {  	_ =	shalt  }
0x79: {  	_ =	shalt  }
0x7a: {  	_ =	shalt  }
0x7b: {  	_ =	shalt  }
0x7c: {  	_ =	shalt  }
0x7d: {  	_ =	shalt  }
0x7e: {  	_ =	shalt  }
0x7f: {  	_ =	shalt  }
0x80: {  	_ =	shalt  }
0x81: {  	_ =	shalt  }
0x82: {  	_ =	shalt  }
0x83: {  	_ =	shalt  }
0x84: {  	_ =	shalt  }
0x85: {  	_ =	shalt  }
0x86: {  	_ =	shalt  }
0x87: {  	_ =	shalt  }
.Lfunc_end0:
.L_simem_size_0:
called_computation.1_lowered:
.L_overlay_start_0:
0x88: {  	s2 =	sld [smem:$0x3FD9]  }
0x89: {  	s3 =	sld [smem:$0x3FFE];
	_ =	sdelay $0x1  }
0x8a: {  	s1 =	srdreg.scid  }
0x8b: {  	s0 =	sand.u32 $0x1, s1  }
0x8c: {  	s17 =	sshll.u32 s0, $0xA;
	s2 =	sadd.s32 s3, s2  }
0x8d: {  	s2 =	sadd.s32 s2, s17  }
0x8e: {  	[smem:$0x3FBE] =	sst s2  }
0x8f: {  	_ = 	snop  }
0x90: {  	s2 =	sld [smem:$0x3FD0];
	(tm) =	ssettm $0x1  }
0x91: {  	s18 =	sld [smem:$0x3FFB];
	_ =	sdelay $0x3  }
0x92: {  	_ =	strace s18  }
0x93: {  	s3 =	sld [smem:$0x3FFC];
	_ =	sdelay $0x3  }
0x94: {  	_ =	strace s3  }
0x95: {  	s3 =	sld [smem:$0x3FFD];
	_ =	sdelay $0x3  }
0x96: {  	_ =	strace s3  }
0x97: {  	_ =	strace $0x8FFFFFFF  }
0x98: {  	s19 =	sld [smem:$0x3FDB];
	_ =	sdelay $0x1  }
0x99: {  	s4 =	simm.s32 $_scs_section_size  }
0x9a: {  	s5 =	simm.s32 $_size__tile_overlayer_lowered;
	s6 =	simm.s32 $_tile_overlayer_lowered  }
0x9b: {  	s22 =	simm.s32 $0x1BFF;
	s21 =	sshll.u32 s6, $0x1;
	s3 =	sadd.s32 s4, s19  }
0x9c: {  	s7 =	simm.s32 $0x0;
	s20 =	sshll.u32 s5, $0x1;
	s5 =	sadd.s32 s21, s3  }
0x9d: {  	[timem:s7], [sflag:s22] =	dma.local [hbm:s5], s20  }
0x9e: {  	_ =	swait.ge [sflag:s22], s20  }
0x9f: {  	s4 =	ssub.s32 $0x0, s20;
	[sflag:s22] =	ssyncset.done $0x0  }
0xa0: {  	[sflag:s22] =	ssyncadd.s32 s4;
	_ =	sdelay $0x1  }
0xa1: {  	s23 =	simm.s32 $0x1B8B  }
0xa2: {  	_ =	swait.ge [sflag:s23], $0x1  }
0xa3: {  	[sflag:s23] =	ssyncset.done $0x0  }
0xa4: {  	s25 =	simm.s32 $0x1B8E;
	s24 =	sld [smem:$0x3FFE];
	[sflag:s23] =	ssyncadd.s32 $0xFFFFFFFF  }
0xa5: {  	s26 =	simm.s32 $execute0_lowered;
	[smem:$0x3FD2] =	sst s25  }
0xa6: {  	s5 =	sshll.u32 s26, $0x1;
	_ =	strace $0x80000049;
	[dreg:$0x1] =	wrdreg $0xFFFFFFFF  }
0xa7: {  	s28 =	simm.s32 $_size_execute0_lowered;
	s3 =	sadd.s32 s3, s5;
	[dreg:$0x0] =	wrdreg $0x0  }
0xa8: {  	s5 =	sshll.u32 s28, $0x1;
	[dreg:$0x2] =	wrdreg s3  }
0xa9: {  	[dreg:$0x3] =	wrdreg s5  }
0xaa: {  	[dreg:$0x4] =	wrdreg $0xC0  }
0xab: {  	_ =	task [dreg:s7], $0x5FFFF  }
0xac: {  	[dreg:$0x1] =	wrdreg $0xFFFFFFFF  }
0xad: {  	[dreg:$0x0] =	wrdreg $0x60  }
0xae: {  	[dreg:$0x2] =	wrdreg s2  }
0xaf: {  	[dreg:$0x3] =	wrdreg s24  }
0xb0: {  	[dreg:$0x4] =	wrdreg $0x65400  }
0xb1: {  	[dreg:$0x5] =	wrdreg $0x1A5400  }
0xb2: {  	[dreg:$0x6] =	wrdreg $0x9  }
0xb3: {  	_ =	task.clear_ibuf [dreg:s7], $0x7FFFF;
	_ =	strace $0x90000049  }
0xb4: {  	s29 =	simm.s32 $0x9;
	_ =	strace $0x8000004B  }
0xb5: {  	_ =	swait.ge [sflag:s29], $0x1  }
0xb6: {  	[sflag:s29] =	ssyncadd.s32 $0xFFFFFFFF  }
0xb7: {  	_ =	strace $0x9000004B  }
0xb8: {  	_ =	sfence  }
0xb9: {  	s30 =	sld [smem:$0x0];
	_ =	sdelay $0x2  }
0xba: {  	s31 =	sshll.u32 s1, $0xD;
	s1 =	sshrl.u32 s1, $0x2  }
0xbb: {  	s3 =	sand.u32 $0x4000, s31;
	s1 =	sadd.s32 s1, s30  }
0xbc: {  	s0 =	sor.u32 s3, s0;
	s1 =	sshll.u32 s1, $0x11  }
0xbd: {  	s0 =	sor.u32 s1, s0  }
0xbe: {  	s0 =	sadd.s32 $0x8F2B, s0  }
0xbf: {  	[sflag:s0] =	ssyncadd.remote.s32 $0x1  }
0xc0: {  	_ =	sfence.sel $0xFFFF  }
0xc1: {  	[dreg:$0x0] =	wrdreg $0xFFFFFFFF;
	(pc) =	sbr.abs _section_cstart, $3  }
0xc2: {  	[dreg:$0x1] =	wrdreg $0xFFFFFFFF  }
0xc3: {  	_ =	task.clear_ibuf [dreg:s7], $0x2FFFF;
	_ =	strace $0x9FFFFFFF  }
0xc4: {  	(tm) =	ssettm $0x7FFFFFFF  }
0xc5: {  	_ =	shalt  }
tec
execute0_lowered:
.L_overlay_start_1:
0x0: {  	(tag) =	ssettag $0x1  }
0x1: {  	s1 =	rddreg [dreg:$0x0]  }
0x2: {  	s0 =	rddreg [dreg:$0x1]  }
0x3: {  	s2 =	rddreg [dreg:$0x2]  }
0x4: {  	s4 =	rddreg [dreg:$0x3];
	s5 =	simm.s32 $0x0  }
0x5: {  	s3 =	srdreg.scid;
	s16 =	stileid.u32;
	s28 =	simm.s32 $0x32A0  }
0x6: {  	s29 =	simm.s32 $0x32F0;
	s30 =	simm.s32 $0x3340;
	s31 =	simm.s32 $0x5B40  }
0x7: {  	[smem:$0x7FF] =	sst s5;
	s3 =	sand.u32 $0x1, s3;
	s10 =	smul.u32 $0x14000, s16  }
0x8: {  	s6 =	sadd.s32 $0x16200, s0;
	s7 =	sadd.s32 $0x1B200, s0;
	s8 =	sadd.s32 $0xC400, s0  }
0x9: {  	s9 =	sadd.s32 $0x2600, s0;
	s13 =	smul.u32 $0x2800, s16;
	s12 =	sadd.s32 $0x20800, s0  }
0xa: {  	s14 =	sadd.s32 $0x20200, s0;
	s19 =	sshll.u32 s16, $0x1;
	s21 =	sshll.u32 s16, $0x6  }
0xb: {  	_ =	strace $0x8000004A;
	s11 =	smul.u32 $0x140000, s3;
	[dreg:$0x5] =	wrdreg s12  }
0xc: {  	s18 =	smul.u32 $0x28000, s3;
	s15 =	ssub.s32 $0x2, s3;
	s3 =	sor.u32 s3, s19  }
0xd: {  	[dreg:$0x6] =	wrdreg s14;
	s20 =	sshrl.u32 s15, $0x1;
	s3 =	smul.u32 $0x2710, s3  }
0xe: {  	s11 =	sadd.s32 s10, s11;
	s12 =	sadd.s32 s13, s18;
	s14 =	ssub.s32 s15, s20  }
0xf: {  	s10 =	sadd.s32 s10, s2;
	s13 =	sadd.s32 s13, s4;
	s11 =	sshrl.u32 s11, $0x3  }
0x10: {  	s12 =	sshrl.u32 s12, $0x3;
	s22 =	sshrl.u32 s3, $0x3;
	[dreg:$0x7] =	wrdreg s13  }
0x11: {  	s16 =	sadd.s32 $0x50, s3;
	s17 =	sadd.s32 $0xA0, s3;
	s26 =	smax.u32 s14, $0x1  }
0x12: {  	s15 =	sshrl.u32 s10, $0x3;
	s3 =	simm.s32 $0x1;
	s10 =	simm.s32 $0x2  }
0x13: {  	s14 =	simm.s32 $0x0;
	s11 =	sadd.s32 s11, s0;
	[dreg:$0xc] =	wrdreg s26  }
0x14: {  	s0 =	sadd.s32 s12, s0;
	s23 =	sadd.s32 s8, s22;
	[dreg:$0xd] =	wrdreg s15  }
0x15: {  	s12 =	sor.u32 $0x1C05, s21;
	s24 =	sadd.s32 s9, s22;
	[dreg:$0x8] =	wrdreg s23  }
0x16: {  	s22 =	simm.s32 $0x5;
	s26 =	simm.s32 $0x2DA0;
	[dreg:$0x9] =	wrdreg s24  }
0x17: {  	s25 =	sadd.s32 $0x2D000, s11;
	s0 =	sadd.s32 $0x23000, s0;
	s23 =	simm.s32 $0x50  }
0x18: {  	s24 =	simm.s32 $0xA0;
	s11 =	simm.s32 $0x3;
	[dreg:$0xa] =	wrdreg s25  }
0x19: {  	[dreg:$0xb] =	wrdreg s0;
	s25 =	simm.s32 $0x28A0;
	s0 =	simm.s32 $0x6040  }
.LBB2_1:
0x1a: {  	s13 =	rddreg [dreg:$0x5]  }
0x1b: {  	[spmem:s15], [sflag:s12] =	dma.local [hbm:s13], $0x2800  }
0x1c: {  	_ =	swait.ge [sflag:s22], $0x2800  }
0x1d: {  	s15 =	rddreg [dreg:$0x7]  }
0x1e: {  	[sflag:s22] =	ssyncset.done $0x0;
	s19 =	rddreg [dreg:$0x6];
	s18 =	sshrl.u32 s15, $0x3  }
0x1f: {  	[sflag:s22] =	ssyncadd.s32 $0xFFFFD800;
	[dreg:$0xe] =	wrdreg s18  }
0x20: {  	[spmem:s18], [sflag:s12] =	dma.local [hbm:s19], $0x500  }
0x21: {  	_ =	swait.ge [sflag:s22], $0x500  }
0x22: {  	[sflag:s22] =	ssyncset.done $0x0  }
0x23: {  	[sflag:s22] =	ssyncadd.s32 $0xFFFFFB00  }
0x24: {  	[bflag:$0x0] =	sbarrier.arrive $0xFFFF  }
0x25: {  	s20 =	rddreg [dreg:$0x8]  }
0x26: {  	[tilespmem:s5], [sflag:$0x5] =	stream.linear.gather [hbm4b:s20+s5], $0x50, $0x38;
	[tilespmem:$0x1CD40] =	vst v63  }
0x27: {  	_ =	swait.ge [sflag:s22], $0x50  }
0x28: {  	[sflag:s22] =	ssyncset.done $0x0  }
0x29: {  	s21 =	rddreg [dreg:$0x9];
	[sflag:s22] =	ssyncadd.s32 $0xFFFFFFB0  }
0x2a: {  	[tilespmem:s23], [sflag:$0x5] =	stream.linear.gather [hbm4b:s21+s5], $0x50, $0x38;
	[tilespmem:$0x1CD40] =	vst v63  }
0x2b: {  	_ =	swait.ge [sflag:s22], $0x50  }
0x2c: {  	[sflag:s22] =	ssyncset.done $0x0  }
0x2d: {  	[sflag:s22] =	ssyncadd.s32 $0xFFFFFFB0  }
0x2e: {  	[tilespmem:s24], [sflag:$0x1] =	stream.indirect.gather [hbm4b:s1+s23], $0x80, s5, s23, $0xb8;
	[tilespmem:$0x1CD40] =	vst v63  }
0x2f: {  	_ = 	snop  }
0x30: {  	[tilespmem:s25], [sflag:$0x1] =	stream.indirect.gather [hbm4b:s6+s23], $0x10, s5, s23, $0xb8;
	[tilespmem:$0x1CD40] =	vst v63  }
0x31: {  	s18 =	simm.s32 $0x0  }
0x32: {  	[tilespmem:s26], [sflag:$0x1] =	stream.indirect.gather [hbm4b:s7+s23], $0x10, s23, s23, $0xb8;
	[tilespmem:$0x1CD40] =	vst v63  }
.LBB2_2:
0x33: {  	p0 =	seq.s32 s18, $0x0  }
0x34: {  	s13 =	simm.s32 @!p0 $0x4  }
0x35: {  	_ =	swait.ge @!p0 [sflag:s13], $0x2800  }
0x36: {  	s19 =	smul.u32 $0xA0, s18;
	[sflag:s13] =	ssyncset.done @!p0 $0x0  }
0x37: {  	[sflag:s13] =	ssyncadd.s32 @!p0 $0xFFFFD800  }
0x38: {  	s20 =	sadd.s32 s19, s16;
	_ =	swait.ge @!p0 [sflag:s13], $0x500  }
0x39: {  	s20 =	sshrl.u32 s20, $0x3;
	[sflag:s13] =	ssyncset.done @!p0 $0x0  }
0x3a: {  	s21 =	simm.s32 $0x0;
	s15 =	sadd.s32 s8, s20;
	[sflag:s13] =	ssyncadd.s32 @!p0 $0xFFFFFB00  }
0x3b: {  	[tilespmem:s28], [sflag:$0x5] =	stream.linear.gather [hbm4b:s15+s21], $0x50, $0x38;
	[tilespmem:$0x1CD40] =	vst v63  }
0x3c: {  	_ =	swait.ge [sflag:s22], $0x50  }
0x3d: {  	[sflag:s22] =	ssyncset.done $0x0  }
0x3e: {  	s20 =	sadd.s32 s9, s20;
	[sflag:s22] =	ssyncadd.s32 $0xFFFFFFB0  }
0x3f: {  	[tilespmem:s29], [sflag:$0x5] =	stream.linear.gather [hbm4b:s20+s21], $0x50, $0x38;
	[tilespmem:$0x1CD40] =	vst v63  }
0x40: {  	_ =	swait.ge [sflag:s22], $0x50  }
0x41: {  	[sflag:s22] =	ssyncset.done $0x0  }
0x42: {  	[sflag:s22] =	ssyncadd.s32 $0xFFFFFFB0  }
0x43: {  	[tilespmem:s30], [sflag:$0x2] =	stream.indirect.gather [hbm4b:s1+s23], $0x80, s28, s23, $0xb8;
	[tilespmem:$0x1CD40] =	vst v63  }
0x44: {  	_ = 	snop  }
0x45: {  	[tilespmem:s31], [sflag:$0x2] =	stream.indirect.gather [hbm4b:s6+s23], $0x10, s28, s23, $0xb8;
	[tilespmem:$0x1CD40] =	vst v63  }
0x46: {  	_ = 	snop  }
0x47: {  	[tilespmem:s0], [sflag:$0x2] =	stream.indirect.gather [hbm4b:s7+s23], $0x10, s29, s23, $0xb8;
	[tilespmem:$0x1CD40] =	vst v63  }
0x48: {  	_ =	swait.ge [sflag:s3], $0x2800  }
0x49: {  	[sflag:s3] =	ssyncset.done $0x0  }
0x4a: {  	[sflag:s3] =	ssyncadd.s32 $0xFFFFD800  }
0x4b: {  	_ =	swait.ge [sflag:s3], $0x500  }
0x4c: {  	[sflag:s3] =	ssyncset.done $0x0  }
0x4d: {  	[sflag:s3] =	ssyncadd.s32 $0xFFFFFB00  }
0x4e: {  	_ =	swait.ge [sflag:s3], $0x500  }
0x4f: {  	[sflag:s3] =	ssyncset.done $0x0  }
0x50: {  	s21 =	simm.s32 $0x0;
	[sflag:s3] =	ssyncadd.s32 $0xFFFFFB00  }
0x51: {  	v0 =	vld [tilespmem:s21+$0x28A0]  }
0x52: {  	v1 =	vld [tilespmem:s21+$0x2DA0];
	_ =	sdelay $0x4  }
0x53: {  	v0 =	vadd.f32 v1, v0;
	_ =	sdelay $0x1  }
0x54: {  	v1 =	vmul.f32 $2.000000030e-01, v0  }
0x55: {  	vm0 =	vgt.f32 v0, $0.0e+00  }
0x56: {  	v0 =	vsel vm0, v0, v1  }
0x57: {  	v0 =	vmul.f32 $1.442695020e+00, v0;
	_ =	sdelay $0x1  }
0x58: {  	(erf) = vpow2.f32 v0;
	_ =	sdelay $0x8  }
0x59: {  	v0 =	vpop (erf)  }
0x5a: {  	s20 =	simm.s32 $0xE0;
	[tilespmem:s21+$0x2DA0] =	vst v0  }
0x5b: {  	v6 =	vld [tilespmem:s20+$0x30]  }
0x5c: {  	v5 =	vld [tilespmem:s20+$0xFFFFFFE0]  }
0x5d: {  	v4 =	vld [tilespmem:s20+$0x10]  }
0x5e: {  	v0 =	vbroadcast v0, $0x0;
	v2 =	vld [tilespmem:s20+$0x20]  }
0x5f: {  	v3 =	vld [tilespmem:s20+$0xFFFFFFD0]  }
0x60: {  	s13 =	simm.s32 $0xE0;
	s21 =	simm.s32 $0x40;
	v1 =	vld [tilespmem:s20+$0x0];
	v6 =	vmul.f32 v6, v0  }
.LBB2_3:
0x61: {  	p0 =	sne.s32 s21, $0x13C0  }
0x62: {  	v5 =	vmul.f32 v0, v5;
	v7 =	vld [tilespmem:s20+$0xFFFFFFF0];
	s13 =	sadd.s32 $0x80, s13;
	s15 =	smov.u32 s21;
	s21 =	sadd.s32 $0x40, s21  }
0x63: {  	v8 =	vld [tilespmem:s20+$0xFFFFFFC0];
	v4 =	vmul.f32 v4, v0;
	[tilespmem:s20+$0x30] =	vst v6  }
0x64: {  	[tilespmem:s20+$0xFFFFFFE0] =	vst v5;
	v2 =	vmul.f32 v2, v0  }
0x65: {  	v3 =	vmul.f32 v0, v3;
	[tilespmem:s20+$0x10] =	vst v4  }
0x66: {  	v1 =	vmul.f32 v1, v0;
	[tilespmem:s20+$0x20] =	vst v2  }
0x67: {  	[tilespmem:s20+$0xFFFFFFD0] =	vst v3;
	v2 =	vmul.f32 v7, v0  }
0x68: {  	v0 =	vmul.f32 v0, v8;
	[tilespmem:s20+$0x0] =	vst v1  }
0x69: {  	[tilespmem:s20+$0xFFFFFFF0] =	vst v2  }
0x6a: {  	s15 =	sshra.s32 s15, $0x2;
	[tilespmem:s20+$0xFFFFFFC0] =	vst v0;
	s20 =	smov.u32 s13  }
0x6b: {  	v0 =	vld [tilespmem:s15+$0x28A0]  }
0x6c: {  	v1 =	vld [tilespmem:s15+$0x2DA0];
	_ =	sdelay $0x4  }
0x6d: {  	v0 =	vadd.f32 v1, v0;
	_ =	sdelay $0x1  }
0x6e: {  	vm0 =	vgt.f32 v0, $0.0e+00;
	v1 =	vmul.f32 $2.000000030e-01, v0;
	_ =	sdelay $0x1  }
0x6f: {  	v0 =	vsel vm0, v0, v1  }
0x70: {  	v0 =	vmul.f32 $1.442695020e+00, v0;
	_ =	sdelay $0x1  }
0x71: {  	(erf) = vpow2.f32 v0;
	_ =	sdelay $0x8  }
0x72: {  	v0 =	vpop (erf)  }
0x73: {  	[tilespmem:s15+$0x2DA0] =	vst v0  }
0x74: {  	v6 =	vld [tilespmem:s13+$0x30]  }
.Ltmp0:
0x75: {  	v5 =	vld [tilespmem:s13+$0xFFFFFFE0];
	(pc) =	sbr.rel @p0 .LBB2_3-.Ltmp0, $4  }
0x76: {  	v4 =	vld [tilespmem:s13+$0x10]  }
0x77: {  	v0 =	vbroadcast v0, $0x0;
	v2 =	vld [tilespmem:s13+$0x20]  }
0x78: {  	v3 =	vld [tilespmem:s13+$0xFFFFFFD0]  }
0x79: {  	v1 =	vld [tilespmem:s13+$0x0];
	v6 =	vmul.f32 v6, v0  }
0x7a: {  	v5 =	vmul.f32 v0, v5;
	v7 =	vld [tilespmem:s20+$0xFFFFFFF0]  }
0x7b: {  	v8 =	vld [tilespmem:s20+$0xFFFFFFC0];
	v4 =	vmul.f32 v4, v0;
	[tilespmem:s20+$0x30] =	vst v6  }
0x7c: {  	[tilespmem:s20+$0xFFFFFFE0] =	vst v5;
	v2 =	vmul.f32 v2, v0  }
0x7d: {  	v3 =	vmul.f32 v0, v3;
	[tilespmem:s20+$0x10] =	vst v4  }
0x7e: {  	v1 =	vmul.f32 v1, v0;
	[tilespmem:s20+$0x20] =	vst v2  }
0x7f: {  	[tilespmem:s20+$0xFFFFFFD0] =	vst v3;
	v2 =	vmul.f32 v7, v0  }
0x80: {  	v0 =	vmul.f32 v0, v8;
	[tilespmem:s20+$0x0] =	vst v1  }
0x81: {  	[tilespmem:s20+$0xFFFFFFF0] =	vst v2  }
0x82: {  	[tilespmem:s20+$0xFFFFFFC0] =	vst v0  }
0x83: {  	[spmem:s2] =	stream.indirect.scatter.add.f32 [tilespmem:s24], [sflag:$0x3], $0x80, s23, s23, $0xb8;
	[tilespmem:$0x1CD40] =	vst v63  }
0x84: {  	_ = 	snop  }
0x85: {  	[spmem:s4] =	stream.indirect.scatter.add.f32 [tilespmem:s26], [sflag:$0x3], $0x10, s23, s23, $0xb8;
	[tilespmem:$0x1CD40] =	vst v63  }
0x86: {  	_ =	swait.ge [sflag:s10], $0x2800  }
0x87: {  	[sflag:s10] =	ssyncset.done $0x0  }
0x88: {  	[sflag:s10] =	ssyncadd.s32 $0xFFFFD800  }
0x89: {  	_ =	swait.ge [sflag:s10], $0x500  }
0x8a: {  	[sflag:s10] =	ssyncset.done $0x0  }
0x8b: {  	[sflag:s10] =	ssyncadd.s32 $0xFFFFFB00  }
0x8c: {  	_ =	swait.ge [sflag:s10], $0x500  }
0x8d: {  	[sflag:s10] =	ssyncset.done $0x0  }
0x8e: {  	s13 =	simm.s32 $0x0;
	[sflag:s10] =	ssyncadd.s32 $0xFFFFFB00  }
0x8f: {  	v0 =	vld [tilespmem:s13+$0x5B40]  }
0x90: {  	v1 =	vld [tilespmem:s13+$0x6040];
	_ =	sdelay $0x4  }
0x91: {  	v0 =	vadd.f32 v1, v0;
	_ =	sdelay $0x1  }
0x92: {  	v1 =	vmul.f32 $2.000000030e-01, v0  }
0x93: {  	vm0 =	vgt.f32 v0, $0.0e+00  }
0x94: {  	v0 =	vsel vm0, v0, v1  }
0x95: {  	v0 =	vmul.f32 $1.442695020e+00, v0;
	_ =	sdelay $0x1  }
0x96: {  	(erf) = vpow2.f32 v0;
	_ =	sdelay $0x8  }
0x97: {  	v0 =	vpop (erf)  }
0x98: {  	s20 =	simm.s32 $0x3380;
	[tilespmem:s13+$0x6040] =	vst v0  }
0x99: {  	v6 =	vld [tilespmem:s20+$0x30]  }
0x9a: {  	v5 =	vld [tilespmem:s20+$0xFFFFFFE0]  }
0x9b: {  	v4 =	vld [tilespmem:s20+$0x10]  }
0x9c: {  	v0 =	vbroadcast v0, $0x0;
	v2 =	vld [tilespmem:s20+$0x20]  }
0x9d: {  	v3 =	vld [tilespmem:s20+$0xFFFFFFD0]  }
0x9e: {  	s21 =	simm.s32 $0x40;
	s13 =	simm.s32 $0x3380;
	v1 =	vld [tilespmem:s20+$0x0];
	v6 =	vmul.f32 v6, v0  }
.LBB2_5:
0x9f: {  	p0 =	sne.s32 s21, $0x13C0  }
0xa0: {  	v5 =	vmul.f32 v0, v5;
	v7 =	vld [tilespmem:s20+$0xFFFFFFF0];
	s13 =	sadd.s32 $0x80, s13;
	s15 =	smov.u32 s21;
	s21 =	sadd.s32 $0x40, s21  }
0xa1: {  	v8 =	vld [tilespmem:s20+$0xFFFFFFC0];
	v4 =	vmul.f32 v4, v0;
	[tilespmem:s20+$0x30] =	vst v6  }
0xa2: {  	[tilespmem:s20+$0xFFFFFFE0] =	vst v5;
	v2 =	vmul.f32 v2, v0  }
0xa3: {  	v3 =	vmul.f32 v0, v3;
	[tilespmem:s20+$0x10] =	vst v4  }
0xa4: {  	v1 =	vmul.f32 v1, v0;
	[tilespmem:s20+$0x20] =	vst v2  }
0xa5: {  	[tilespmem:s20+$0xFFFFFFD0] =	vst v3;
	v2 =	vmul.f32 v7, v0  }
0xa6: {  	v0 =	vmul.f32 v0, v8;
	[tilespmem:s20+$0x0] =	vst v1  }
0xa7: {  	[tilespmem:s20+$0xFFFFFFF0] =	vst v2  }
0xa8: {  	s15 =	sshra.s32 s15, $0x2;
	[tilespmem:s20+$0xFFFFFFC0] =	vst v0;
	s20 =	smov.u32 s13  }
0xa9: {  	v0 =	vld [tilespmem:s15+$0x5B40]  }
0xaa: {  	v1 =	vld [tilespmem:s15+$0x6040];
	_ =	sdelay $0x4  }
0xab: {  	v0 =	vadd.f32 v1, v0;
	_ =	sdelay $0x1  }
0xac: {  	vm0 =	vgt.f32 v0, $0.0e+00;
	v1 =	vmul.f32 $2.000000030e-01, v0;
	_ =	sdelay $0x1  }
0xad: {  	v0 =	vsel vm0, v0, v1  }
0xae: {  	v0 =	vmul.f32 $1.442695020e+00, v0;
	_ =	sdelay $0x1  }
0xaf: {  	(erf) = vpow2.f32 v0;
	_ =	sdelay $0x8  }
0xb0: {  	v0 =	vpop (erf)  }
0xb1: {  	[tilespmem:s15+$0x6040] =	vst v0  }
0xb2: {  	v6 =	vld [tilespmem:s13+$0x30]  }
.Ltmp1:
0xb3: {  	v5 =	vld [tilespmem:s13+$0xFFFFFFE0];
	(pc) =	sbr.rel @p0 .LBB2_5-.Ltmp1, $4  }
0xb4: {  	v4 =	vld [tilespmem:s13+$0x10]  }
0xb5: {  	v0 =	vbroadcast v0, $0x0;
	v2 =	vld [tilespmem:s13+$0x20]  }
0xb6: {  	v3 =	vld [tilespmem:s13+$0xFFFFFFD0]  }
0xb7: {  	v1 =	vld [tilespmem:s13+$0x0];
	v6 =	vmul.f32 v6, v0  }
0xb8: {  	v5 =	vmul.f32 v0, v5;
	v7 =	vld [tilespmem:s20+$0xFFFFFFF0]  }
0xb9: {  	v8 =	vld [tilespmem:s20+$0xFFFFFFC0];
	v4 =	vmul.f32 v4, v0;
	[tilespmem:s20+$0x30] =	vst v6  }
0xba: {  	[tilespmem:s20+$0xFFFFFFE0] =	vst v5;
	v2 =	vmul.f32 v2, v0  }
0xbb: {  	v3 =	vmul.f32 v0, v3;
	[tilespmem:s20+$0x10] =	vst v4  }
0xbc: {  	v1 =	vmul.f32 v1, v0;
	[tilespmem:s20+$0x20] =	vst v2  }
0xbd: {  	[tilespmem:s20+$0xFFFFFFD0] =	vst v3;
	v62 =	vmul.f32 v7, v0  }
0xbe: {  	v63 =	vmul.f32 v0, v8;
	[tilespmem:s20+$0x0] =	vst v1  }
0xbf: {  	[tilespmem:s20+$0xFFFFFFF0] =	vst v62  }
0xc0: {  	[tilespmem:s20+$0xFFFFFFC0] =	vst v63  }
0xc1: {  	[spmem:s2] =	stream.indirect.scatter.add.f32 [tilespmem:s30], [sflag:$0x4], $0x80, s29, s23, $0xb8;
	[tilespmem:$0x1CD40] =	vst v63  }
0xc2: {  	_ = 	snop  }
0xc3: {  	[spmem:s4] =	stream.indirect.scatter.add.f32 [tilespmem:s0], [sflag:$0x4], $0x10, s29, s23, $0xb8;
	[tilespmem:$0x1CD40] =	vst v63  }
0xc4: {  	_ =	swait.ge [sflag:s11], $0x2800  }
0xc5: {  	[sflag:s11] =	ssyncset.done $0x0  }
0xc6: {  	[sflag:s11] =	ssyncadd.s32 $0xFFFFD800  }
0xc7: {  	s13 =	sadd.s32 s19, s17;
	_ =	swait.ge [sflag:s11], $0x500  }
0xc8: {  	s13 =	sshrl.u32 s13, $0x3;
	[sflag:s11] =	ssyncset.done $0x0  }
0xc9: {  	s15 =	sadd.s32 s8, s13;
	[sflag:s11] =	ssyncadd.s32 $0xFFFFFB00  }
0xca: {  	[tilespmem:s5], [sflag:$0x5] =	stream.linear.gather [hbm4b:s15+s5], $0x50, $0x38;
	[tilespmem:$0x1CD40] =	vst v63  }
0xcb: {  	_ =	swait.ge [sflag:s22], $0x50  }
0xcc: {  	[sflag:s22] =	ssyncset.done $0x0  }
0xcd: {  	s13 =	sadd.s32 s9, s13;
	[sflag:s22] =	ssyncadd.s32 $0xFFFFFFB0  }
0xce: {  	[tilespmem:s23], [sflag:$0x5] =	stream.linear.gather [hbm4b:s13+s5], $0x50, $0x38;
	[tilespmem:$0x1CD40] =	vst v63  }
0xcf: {  	_ =	swait.ge [sflag:s22], $0x50  }
0xd0: {  	s18 =	sadd.s32 $0x1, s18;
	[sflag:s22] =	ssyncset.done $0x0  }
0xd1: {  	p0 =	sne.s32 s18, $0x3E;
	[sflag:s22] =	ssyncadd.s32 $0xFFFFFFB0  }
0xd2: {  	[tilespmem:s24], [sflag:$0x1] =	stream.indirect.gather [hbm4b:s1+s23], $0x80, s5, s23, $0xb8;
	[tilespmem:$0x1CD40] =	vst v63  }
.Ltmp2:
0xd3: {  	_ = 	snop;
	(pc) =	sbr.rel @p0 .LBB2_2-.Ltmp2, $4  }
0xd4: {  	_ = 	snop  }
0xd5: {  	[tilespmem:s25], [sflag:$0x1] =	stream.indirect.gather [hbm4b:s6+s23], $0x10, s5, s23, $0xb8;
	[tilespmem:$0x1CD40] =	vst v63  }
0xd6: {  	_ = 	snop  }
0xd7: {  	[tilespmem:s26], [sflag:$0x1] =	stream.indirect.gather [hbm4b:s7+s23], $0x10, s23, s23, $0xb8;
	[tilespmem:$0x1CD40] =	vst v63  }
0xd8: {  	s13 =	simm.s32 $0x4  }
0xd9: {  	_ =	swait.ge [sflag:s13], $0x2800  }
0xda: {  	[sflag:s13] =	ssyncset.done $0x0  }
0xdb: {  	[sflag:s13] =	ssyncadd.s32 $0xFFFFD800  }
0xdc: {  	_ =	swait.ge [sflag:s13], $0x500  }
0xdd: {  	[sflag:s13] =	ssyncset.done $0x0  }
0xde: {  	[sflag:s13] =	ssyncadd.s32 $0xFFFFFB00  }
0xdf: {  	_ =	swait.ge [sflag:s3], $0x2800  }
0xe0: {  	[sflag:s3] =	ssyncset.done $0x0  }
0xe1: {  	[sflag:s3] =	ssyncadd.s32 $0xFFFFD800  }
0xe2: {  	_ =	swait.ge [sflag:s3], $0x500  }
0xe3: {  	[sflag:s3] =	ssyncset.done $0x0  }
0xe4: {  	[sflag:s3] =	ssyncadd.s32 $0xFFFFFB00  }
0xe5: {  	_ =	swait.ge [sflag:s3], $0x500  }
0xe6: {  	[sflag:s3] =	ssyncset.done $0x0  }
0xe7: {  	s21 =	simm.s32 $0x0;
	[sflag:s3] =	ssyncadd.s32 $0xFFFFFB00  }
0xe8: {  	v0 =	vld [tilespmem:s21+$0x28A0]  }
0xe9: {  	v1 =	vld [tilespmem:s21+$0x2DA0];
	_ =	sdelay $0x4  }
0xea: {  	v0 =	vadd.f32 v1, v0;
	_ =	sdelay $0x1  }
0xeb: {  	v1 =	vmul.f32 $2.000000030e-01, v0  }
0xec: {  	vm0 =	vgt.f32 v0, $0.0e+00  }
0xed: {  	v0 =	vsel vm0, v0, v1  }
0xee: {  	v0 =	vmul.f32 $1.442695020e+00, v0;
	_ =	sdelay $0x1  }
0xef: {  	(erf) = vpow2.f32 v0;
	_ =	sdelay $0x8  }
0xf0: {  	v0 =	vpop (erf)  }
0xf1: {  	s18 =	simm.s32 $0xE0;
	[tilespmem:s21+$0x2DA0] =	vst v0  }
0xf2: {  	v6 =	vld [tilespmem:s18+$0x30]  }
0xf3: {  	v5 =	vld [tilespmem:s18+$0xFFFFFFE0]  }
0xf4: {  	v4 =	vld [tilespmem:s18+$0x10]  }
0xf5: {  	v0 =	vbroadcast v0, $0x0;
	v2 =	vld [tilespmem:s18+$0x20]  }
0xf6: {  	v3 =	vld [tilespmem:s18+$0xFFFFFFD0]  }
0xf7: {  	s19 =	simm.s32 $0x40;
	s13 =	simm.s32 $0xE0;
	v1 =	vld [tilespmem:s18+$0x0];
	v6 =	vmul.f32 v6, v0  }
.LBB2_8:
0xf8: {  	p0 =	sne.s32 s19, $0x13C0  }
0xf9: {  	v5 =	vmul.f32 v0, v5;
	v7 =	vld [tilespmem:s18+$0xFFFFFFF0];
	s13 =	sadd.s32 $0x80, s13;
	s15 =	smov.u32 s19;
	s19 =	sadd.s32 $0x40, s19  }
0xfa: {  	v8 =	vld [tilespmem:s18+$0xFFFFFFC0];
	v4 =	vmul.f32 v4, v0;
	[tilespmem:s18+$0x30] =	vst v6  }
0xfb: {  	[tilespmem:s18+$0xFFFFFFE0] =	vst v5;
	v2 =	vmul.f32 v2, v0  }
0xfc: {  	v3 =	vmul.f32 v0, v3;
	[tilespmem:s18+$0x10] =	vst v4  }
0xfd: {  	v1 =	vmul.f32 v1, v0;
	[tilespmem:s18+$0x20] =	vst v2  }
0xfe: {  	[tilespmem:s18+$0xFFFFFFD0] =	vst v3;
	v2 =	vmul.f32 v7, v0  }
0xff: {  	v0 =	vmul.f32 v0, v8;
	[tilespmem:s18+$0x0] =	vst v1  }
0x100: {  	[tilespmem:s18+$0xFFFFFFF0] =	vst v2  }
0x101: {  	s15 =	sshra.s32 s15, $0x2;
	[tilespmem:s18+$0xFFFFFFC0] =	vst v0;
	s18 =	smov.u32 s13  }
0x102: {  	v0 =	vld [tilespmem:s15+$0x28A0]  }
0x103: {  	v1 =	vld [tilespmem:s15+$0x2DA0];
	_ =	sdelay $0x4  }
0x104: {  	v0 =	vadd.f32 v1, v0;
	_ =	sdelay $0x1  }
0x105: {  	vm0 =	vgt.f32 v0, $0.0e+00;
	v1 =	vmul.f32 $2.000000030e-01, v0;
	_ =	sdelay $0x1  }
0x106: {  	v0 =	vsel vm0, v0, v1  }
0x107: {  	v0 =	vmul.f32 $1.442695020e+00, v0;
	_ =	sdelay $0x1  }
0x108: {  	(erf) = vpow2.f32 v0;
	_ =	sdelay $0x8  }
0x109: {  	v0 =	vpop (erf)  }
0x10a: {  	[tilespmem:s15+$0x2DA0] =	vst v0  }
0x10b: {  	v6 =	vld [tilespmem:s13+$0x30]  }
.Ltmp3:
0x10c: {  	v5 =	vld [tilespmem:s13+$0xFFFFFFE0];
	(pc) =	sbr.rel @p0 .LBB2_8-.Ltmp3, $4  }
0x10d: {  	v4 =	vld [tilespmem:s13+$0x10]  }
0x10e: {  	v0 =	vbroadcast v0, $0x0;
	v2 =	vld [tilespmem:s13+$0x20]  }
0x10f: {  	v3 =	vld [tilespmem:s13+$0xFFFFFFD0]  }
0x110: {  	v1 =	vld [tilespmem:s13+$0x0];
	v6 =	vmul.f32 v6, v0  }
0x111: {  	v5 =	vmul.f32 v0, v5;
	v7 =	vld [tilespmem:s18+$0xFFFFFFF0]  }
0x112: {  	v8 =	vld [tilespmem:s18+$0xFFFFFFC0];
	v4 =	vmul.f32 v4, v0;
	[tilespmem:s18+$0x30] =	vst v6  }
0x113: {  	[tilespmem:s18+$0xFFFFFFE0] =	vst v5;
	v2 =	vmul.f32 v2, v0  }
0x114: {  	v3 =	vmul.f32 v0, v3;
	[tilespmem:s18+$0x10] =	vst v4  }
0x115: {  	v1 =	vmul.f32 v1, v0;
	[tilespmem:s18+$0x20] =	vst v2  }
0x116: {  	[tilespmem:s18+$0xFFFFFFD0] =	vst v3;
	v62 =	vmul.f32 v7, v0  }
0x117: {  	v63 =	vmul.f32 v0, v8;
	[tilespmem:s18+$0x0] =	vst v1  }
0x118: {  	[tilespmem:s18+$0xFFFFFFF0] =	vst v62  }
0x119: {  	[tilespmem:s18+$0xFFFFFFC0] =	vst v63  }
0x11a: {  	[spmem:s2] =	stream.indirect.scatter.add.f32 [tilespmem:s24], [sflag:$0x3], $0x80, s23, s23, $0xb8;
	[tilespmem:$0x1CD40] =	vst v63  }
0x11b: {  	_ = 	snop  }
0x11c: {  	[spmem:s4] =	stream.indirect.scatter.add.f32 [tilespmem:s26], [sflag:$0x3], $0x10, s23, s23, $0xb8;
	[tilespmem:$0x1CD40] =	vst v63  }
0x11d: {  	_ =	swait.ge [sflag:s11], $0x2800  }
0x11e: {  	[sflag:s11] =	ssyncset.done $0x0  }
0x11f: {  	[sflag:s11] =	ssyncadd.s32 $0xFFFFD800  }
0x120: {  	_ =	swait.ge [sflag:s11], $0x500  }
0x121: {  	[sflag:s11] =	ssyncset.done $0x0  }
0x122: {  	[sflag:s11] =	ssyncadd.s32 $0xFFFFFB00  }
0x123: {  	[bflag:$0x0] =	sbarrier.arrive $0xFFFF  }
0x124: {  	s13 =	rddreg [dreg:$0xa]  }
0x125: {  	s15 =	rddreg [dreg:$0xd]  }
0x126: {  	[hbm:s13], [sflag:s12] =	dma.local [spmem:s15], $0x2800  }
0x127: {  	_ =	swait.ge [sflag:s22], $0x2800  }
0x128: {  	[sflag:s22] =	ssyncset.done $0x0;
	s19 =	rddreg [dreg:$0xb]  }
0x129: {  	s20 =	rddreg [dreg:$0xe];
	[sflag:s22] =	ssyncadd.s32 $0xFFFFD800  }
0x12a: {  	[hbm:s19], [sflag:s12] =	dma.local [spmem:s20], $0x500  }
0x12b: {  	_ =	swait.ge [sflag:s22], $0x500  }
0x12c: {  	s14 =	sadd.s32 $0x1, s14;
	s21 =	rddreg [dreg:$0xc]  }
0x12d: {  	p0 =	sne.s32 s14, s21  }
.Ltmp4:
0x12e: {  	_ = 	snop;
	(pc) =	sbr.rel @p0 .LBB2_1-.Ltmp4, $3  }
0x12f: {  	_ =	sdelay $0x1  }
0x130: {  	[sflag:s22] =	ssyncset.done $0x0  }
0x131: {  	[sflag:s22] =	ssyncadd.s32 $0xFFFFFB00  }
0x132: {  	_ =	sfence.sel $0x180000  }
0x133: {  	[bflag:$0x0] =	sbarrier.arrive $0xFFFF  }
0x134: {  	_ =	strace $0x9000004A  }
0x135: {  	s0 =	stileid.u32;
	[bflag:$0x2] =	sbarrier.arrive $0xFFFF  }
0x136: {  	p0 =	sne.s32 s0, $0x0;
	s0 =	rddreg [dreg:$0x4]  }
0x137: {  	s0 =	sadd.s32 @!p0 $0x100000, s0  }
0x138: {  	[sflag:s0] =	ssyncadd.tile.s32 @!p0 $0x1;
	_ =	shalt  }
.Lfunc_end2:
_tile_overlayer_lowered:
.L_overlay_start_2:
0x139: {  	(tag) =	ssettag $0x2  }
0x13a: {  	s0 =	rddreg [dreg:$0x0];
	s2 =	stileid.u32  }
0x13b: {  	s1 =	rddreg [dreg:$0x1];
	p0 =	sne.s32 s2, $0x0  }
0x13c: {  	s3 =	rddreg [dreg:$0x2];
	[bflag:$0x3] =	sbarrier.arrive $0xFFFF;
	s2 =	simm.s32 @!p0 $0x1C05  }
0x13d: {  	[timem:s3], [sflag:s2] =	dma.local @!p0 [hbm:s0], s1  }
0x13e: {  	s0 =	simm.s32 @!p0 $0x5  }
0x13f: {  	_ =	swait.ge @!p0 [sflag:s0], s1  }
0x140: {  	s1 =	ssub.s32 @!p0 $0x0, s1;
	[sflag:s0] =	ssyncset.done @!p0 $0x0  }
0x141: {  	[sflag:s0] =	ssyncadd.s32 @!p0 s1  }
0x142: {  	[bflag:$0x3] =	sbarrier.arrive $0xFFFF  }
0x143: {  	_ =	shalt  }

// kernel: kernel.7.cloned.1.call-start
scs
__scs_entry_jumppad:
0x0: {  	(pc) =	sbr.rel $0x88, $3  }
0x1: {  	(tag) =	ssettag $0x0;
	lr =	simm.s32 $0x1  }
0x2: {  	[smem:$0x3F97] =	sst lr;
	_ =	strace $0xD0000000  }
0x3: {  	_ = 	snop  }
0x4: {  	_ = 	snop  }
0x5: {  	_ = 	snop  }
0x6: {  	_ = 	snop  }
0x7: {  	_ = 	snop  }
__scs_overlays_trampoline_lowered:
0x8: {  	[smem:$0x3FA6] =	sst s0  }
0x9: {  	[smem:$0x3FA7] =	sst s1  }
0xa: {  	[smem:$0x3FA8] =	sst s2  }
0xb: {  	[smem:$0x3FA9] =	sst s3  }
0xc: {  	[smem:$0x3FAA] =	sst s4  }
0xd: {  	[smem:$0x3FAB] =	sst s5  }
0xe: {  	[smem:$0x3FAC] =	sst s6  }
0xf: {  	[smem:$0x3FAD] =	sst s7  }
0x10: {  	[smem:$0x3FAE] =	sst s8  }
0x11: {  	[smem:$0x3FAF] =	sst s9;
	s0 =	simm.s32 @!p0 $0x0  }
0x12: {  	s1 =	sld [smem:$0x3F95];
	s0 =	simm.s32 @p0 $0x1  }
0x13: {  	[smem:$0x3FB0] =	sst s0;
	s0 =	simm.s32 @!p1 $0x0  }
0x14: {  	s2 =	sld [smem:$0x3F94];
	s0 =	simm.s32 @p1 $0x1  }
0x15: {  	[smem:$0x3FB1] =	sst s0;
	s0 =	simm.s32 @!p2 $0x0  }
0x16: {  	s3 =	sld [smem:$0x3FDB];
	s0 =	simm.s32 @p2 $0x1  }
0x17: {  	s4 =	simm.s32 $0x1BF5;
	[smem:$0x3FB3] =	sst s0  }
0x18: {  	s0 =	sld [smem:$0x3F96];
	_ =	swait.ge [sflag:s4], $0x0  }
0x19: {  	s7 =	sld [smem:$0x3F97]  }
0x1a: {  	s8 =	sadd.s32 $0xFFFFE003, lr  }
0x1b: {  	s9 =	sadd.s32 $0xFFFFFEF7, lr;
	s5 =	simm.s32 $0xFFFFFFFF;
	p2 =	slt.u32 s8, $0xFFFFF086  }
0x1c: {  	p1 =	slt.u32 s9, $0xF7A;
	s5 =	simm.s32 @!p2 $0x0  }
0x1d: {  	s5 =	simm.s32 @p1 $0x1;
	p0 =	seq.s32 s7, s2  }
0x1e: {  	s7 =	smul.u32 @!p0 $0xF7A, s2;
	p2 =	seq.s32 @!p0 s5, $0x0  }
0x1f: {  	s9 =	smul.u32 $0xF7A, s1;
	s8 =	simm.s32 @!p0 $0x1BF5;
	p2 =	por !p2, p0  }
0x20: {  	[sflag:s8] =	ssyncset.s32 @!p0 $0xFFFFF086;
	s6 =	sadd.s32 @!p0 s3, s7;
	s7 =	simm.s32 @!p0 $0x108  }
0x21: {  	s3 =	sadd.s32 s3, s9;
	s6 =	sadd.s32 @!p0 $0x88, s6;
	s7 =	simm.s32 @p2 $0x1082  }
0x22: {  	[simem:s7], [sflag:s8] =	dma.local @!p0 [hbm:s6], $0xF7A  }
0x23: {  	s9 =	sor.u32 $0xD0000000, s2;
	s6 =	simm.s32 $0x108;
	_ =	swait.ge @!p0 [sflag:s8], $0x0  }
0x24: {  	s3 =	sadd.s32 $0x88, s3;
	s6 =	simm.s32 @!p1 $0x1082;
	[sflag:s4] =	ssyncset.s32 $0xFFFFF086  }
0x25: {  	[simem:s6], [sflag:s4] =	dma.local [hbm:s3], $0xF7A  }
0x26: {  	[smem:$0x3F97] =	sst s1;
	(tag) =	ssettag s2;
	_ =	strace s9  }
0x27: {  	s1 =	sld [smem:$0x3FA7]  }
0x28: {  	s2 =	sld [smem:$0x3FA8]  }
0x29: {  	s4 =	sld [smem:$0x3FAA]  }
0x2a: {  	p0 =	seq.s32 s5, $0x0;
	s5 =	sld [smem:$0x3FAB]  }
0x2b: {  	s6 =	sld [smem:$0x3FAC]  }
0x2c: {  	s7 =	sld [smem:$0x3FAD]  }
0x2d: {  	s3 =	simm.s32 $0x108;
	s8 =	sld [smem:$0x3FAE]  }
0x2e: {  	s3 =	simm.s32 @!p0 $0x1082;
	s9 =	sld [smem:$0x3FAF]  }
0x2f: {  	lr =	sadd.s32 s0, s3;
	s0 =	sld [smem:$0x3FA6]  }
0x30: {  	s3 =	sld [smem:$0x3FA9]  }
0x31: {  	[smem:$0x3FB2] =	sst s10  }
0x32: {  	s10 =	sld [smem:$0x3FB0];
	_ =	sdelay $0x3  }
0x33: {  	p0 =	seq.s32 s10, $0x1;
	s10 =	sld [smem:$0x3FB2];
	_ =	sdelay $0x3  }
0x34: {  	[smem:$0x3FB2] =	sst s10  }
0x35: {  	s10 =	sld [smem:$0x3FB1];
	_ =	sdelay $0x3  }
0x36: {  	p1 =	seq.s32 s10, $0x1;
	s10 =	sld [smem:$0x3FB2];
	_ =	sdelay $0x3  }
0x37: {  	[smem:$0x3FB2] =	sst s10  }
0x38: {  	s10 =	sld [smem:$0x3FB3]  }
0x39: {  	_ = 	snop;
	(pc) =	sbr.ind lr, $3  }
0x3a: {  	_ = 	snop  }
0x3b: {  	_ = 	snop  }
0x3c: {  	p2 =	seq.s32 s10, $0x1;
	s10 =	sld [smem:$0x3FB2]  }
0x3d: {  	_ =	shalt  }
0x3e: {  	_ =	shalt  }
0x3f: {  	_ =	shalt  }
0x40: {  	_ =	shalt  }
0x41: {  	_ =	shalt  }
0x42: {  	_ =	shalt  }
0x43: {  	_ =	shalt  }
0x44: {  	_ =	shalt  }
0x45: {  	_ =	shalt  }
0x46: {  	_ =	shalt  }
0x47: {  	_ =	shalt  }
0x48: {  	_ =	shalt  }
0x49: {  	_ =	shalt  }
0x4a: {  	_ =	shalt  }
0x4b: {  	_ =	shalt  }
0x4c: {  	_ =	shalt  }
0x4d: {  	_ =	shalt  }
0x4e: {  	_ =	shalt  }
0x4f: {  	_ =	shalt  }
0x50: {  	_ =	shalt  }
0x51: {  	_ =	shalt  }
0x52: {  	_ =	shalt  }
0x53: {  	_ =	shalt  }
0x54: {  	_ =	shalt  }
0x55: {  	_ =	shalt  }
0x56: {  	_ =	shalt  }
0x57: {  	_ =	shalt  }
0x58: {  	_ =	shalt  }
0x59: {  	_ =	shalt  }
0x5a: {  	_ =	shalt  }
0x5b: {  	_ =	shalt  }
0x5c: {  	_ =	shalt  }
0x5d: {  	_ =	shalt  }
0x5e: {  	_ =	shalt  }
0x5f: {  	_ =	shalt  }
0x60: {  	_ =	shalt  }
0x61: {  	_ =	shalt  }
0x62: {  	_ =	shalt  }
0x63: {  	_ =	shalt  }
0x64: {  	_ =	shalt  }
0x65: {  	_ =	shalt  }
0x66: {  	_ =	shalt  }
0x67: {  	_ =	shalt  }
0x68: {  	_ =	shalt  }
0x69: {  	_ =	shalt  }
0x6a: {  	_ =	shalt  }
0x6b: {  	_ =	shalt  }
0x6c: {  	_ =	shalt  }
0x6d: {  	_ =	shalt  }
0x6e: {  	_ =	shalt  }
0x6f: {  	_ =	shalt  }
0x70: {  	_ =	shalt  }
0x71: {  	_ =	shalt  }
0x72: {  	_ =	shalt  }
0x73: {  	_ =	shalt  }
0x74: {  	_ =	shalt  }
0x75: {  	_ =	shalt  }
0x76: {  	_ =	shalt  }
0x77: {  	_ =	shalt  }
0x78: {  	_ =	shalt  }
0x79: {  	_ =	shalt  }
0x7a: {  	_ =	shalt  }
0x7b: {  	_ =	shalt  }
0x7c: {  	_ =	shalt  }
0x7d: {  	_ =	shalt  }
0x7e: {  	_ =	shalt  }
0x7f: {  	_ =	shalt  }
0x80: {  	_ =	shalt  }
0x81: {  	_ =	shalt  }
0x82: {  	_ =	shalt  }
0x83: {  	_ =	shalt  }
0x84: {  	_ =	shalt  }
0x85: {  	_ =	shalt  }
0x86: {  	_ =	shalt  }
0x87: {  	_ =	shalt  }
.Lfunc_end0:
.L_simem_size_0:
called_computation_lowered:
.L_overlay_start_0:
0x88: {  	s2 =	sld [smem:$0x3FD9]  }
0x89: {  	s3 =	sld [smem:$0x3FFE];
	_ =	sdelay $0x1  }
0x8a: {  	s1 =	srdreg.scid  }
0x8b: {  	s0 =	sand.u32 $0x1, s1  }
0x8c: {  	s17 =	sshll.u32 s0, $0xA;
	s2 =	sadd.s32 s3, s2  }
0x8d: {  	s2 =	sadd.s32 s2, s17  }
0x8e: {  	[smem:$0x3FBE] =	sst s2  }
0x8f: {  	_ = 	snop  }
0x90: {  	s2 =	sld [smem:$0x3FD0];
	(tm) =	ssettm $0x1  }
0x91: {  	s18 =	sld [smem:$0x3FFB];
	_ =	sdelay $0x3  }
0x92: {  	_ =	strace s18  }
0x93: {  	s3 =	sld [smem:$0x3FFC];
	_ =	sdelay $0x3  }
0x94: {  	_ =	strace s3  }
0x95: {  	s3 =	sld [smem:$0x3FFD];
	_ =	sdelay $0x3  }
0x96: {  	_ =	strace s3  }
0x97: {  	_ =	strace $0x8FFFFFFF  }
0x98: {  	s19 =	sld [smem:$0x3FDB];
	_ =	sdelay $0x1  }
0x99: {  	s4 =	simm.s32 $_scs_section_size  }
0x9a: {  	s5 =	simm.s32 $_size__tile_overlayer_lowered;
	s6 =	simm.s32 $_tile_overlayer_lowered  }
0x9b: {  	s22 =	simm.s32 $0x1BFF;
	s21 =	sshll.u32 s6, $0x1;
	s3 =	sadd.s32 s4, s19  }
0x9c: {  	s7 =	simm.s32 $0x0;
	s20 =	sshll.u32 s5, $0x1;
	s5 =	sadd.s32 s21, s3  }
0x9d: {  	[timem:s7], [sflag:s22] =	dma.local [hbm:s5], s20  }
0x9e: {  	_ =	swait.ge [sflag:s22], s20  }
0x9f: {  	s4 =	ssub.s32 $0x0, s20;
	[sflag:s22] =	ssyncset.done $0x0  }
0xa0: {  	[sflag:s22] =	ssyncadd.s32 s4;
	_ =	sdelay $0x1  }
0xa1: {  	s23 =	simm.s32 $0x1B8B  }
0xa2: {  	_ =	swait.ge [sflag:s23], $0x1  }
0xa3: {  	[sflag:s23] =	ssyncset.done $0x0  }
0xa4: {  	s25 =	simm.s32 $0x1B8E;
	s24 =	sld [smem:$0x3FFE];
	[sflag:s23] =	ssyncadd.s32 $0xFFFFFFFF  }
0xa5: {  	s26 =	simm.s32 $execute0_lowered;
	[smem:$0x3FD2] =	sst s25  }
0xa6: {  	s5 =	sshll.u32 s26, $0x1;
	_ =	strace $0x80000046;
	[dreg:$0x1] =	wrdreg $0xFFFFFFFF  }
0xa7: {  	s28 =	simm.s32 $_size_execute0_lowered;
	s3 =	sadd.s32 s3, s5;
	[dreg:$0x0] =	wrdreg $0x0  }
0xa8: {  	s5 =	sshll.u32 s28, $0x1;
	[dreg:$0x2] =	wrdreg s3  }
0xa9: {  	[dreg:$0x3] =	wrdreg s5  }
0xaa: {  	[dreg:$0x4] =	wrdreg $0xC0  }
0xab: {  	_ =	task [dreg:s7], $0x5FFFF  }
0xac: {  	[dreg:$0x1] =	wrdreg $0xFFFFFFFF  }
0xad: {  	[dreg:$0x0] =	wrdreg $0x60  }
0xae: {  	[dreg:$0x2] =	wrdreg s2  }
0xaf: {  	[dreg:$0x3] =	wrdreg s24  }
0xb0: {  	[dreg:$0x4] =	wrdreg $0x65400  }
0xb1: {  	[dreg:$0x5] =	wrdreg $0x1A5400  }
0xb2: {  	[dreg:$0x6] =	wrdreg $0x9  }
0xb3: {  	_ =	task.clear_ibuf [dreg:s7], $0x7FFFF;
	_ =	strace $0x90000046  }
0xb4: {  	s29 =	simm.s32 $0x9;
	_ =	strace $0x80000048  }
0xb5: {  	_ =	swait.ge [sflag:s29], $0x1  }
0xb6: {  	[sflag:s29] =	ssyncadd.s32 $0xFFFFFFFF  }
0xb7: {  	_ =	strace $0x90000048  }
0xb8: {  	_ =	sfence  }
0xb9: {  	s30 =	sld [smem:$0x0];
	_ =	sdelay $0x2  }
0xba: {  	s31 =	sshll.u32 s1, $0xD;
	s1 =	sshrl.u32 s1, $0x2  }
0xbb: {  	s3 =	sand.u32 $0x4000, s31;
	s1 =	sadd.s32 s1, s30  }
0xbc: {  	s0 =	sor.u32 s3, s0;
	s1 =	sshll.u32 s1, $0x11  }
0xbd: {  	s0 =	sor.u32 s1, s0  }
0xbe: {  	s0 =	sadd.s32 $0x8F2B, s0  }
0xbf: {  	[sflag:s0] =	ssyncadd.remote.s32 $0x1  }
0xc0: {  	_ =	sfence.sel $0xFFFF  }
0xc1: {  	[dreg:$0x0] =	wrdreg $0xFFFFFFFF;
	(pc) =	sbr.abs _section_cstart, $3  }
0xc2: {  	[dreg:$0x1] =	wrdreg $0xFFFFFFFF  }
0xc3: {  	_ =	task.clear_ibuf [dreg:s7], $0x2FFFF;
	_ =	strace $0x9FFFFFFF  }
0xc4: {  	(tm) =	ssettm $0x7FFFFFFF  }
0xc5: {  	_ =	shalt  }
tec
execute0_lowered:
.L_overlay_start_1:
0x0: {  	(tag) =	ssettag $0x1  }
0x1: {  	s1 =	rddreg [dreg:$0x0]  }
0x2: {  	s0 =	rddreg [dreg:$0x1]  }
0x3: {  	s2 =	rddreg [dreg:$0x2]  }
0x4: {  	s4 =	rddreg [dreg:$0x3];
	s5 =	simm.s32 $0x0  }
0x5: {  	s3 =	srdreg.scid;
	s16 =	stileid.u32;
	s28 =	simm.s32 $0x32A0  }
0x6: {  	s29 =	simm.s32 $0x32F0;
	s30 =	simm.s32 $0x3340;
	s31 =	simm.s32 $0x5B40  }
0x7: {  	[smem:$0x7FF] =	sst s5;
	s3 =	sand.u32 $0x1, s3;
	s10 =	smul.u32 $0x14000, s16  }
0x8: {  	s6 =	sadd.s32 $0x16200, s0;
	s7 =	sadd.s32 $0x1B200, s0;
	s8 =	sadd.s32 $0xC400, s0  }
0x9: {  	s9 =	sadd.s32 $0x2600, s0;
	s13 =	smul.u32 $0x2800, s16;
	s12 =	sadd.s32 $0x20800, s0  }
0xa: {  	s14 =	sadd.s32 $0x20200, s0;
	s19 =	sshll.u32 s16, $0x1;
	s21 =	sshll.u32 s16, $0x6  }
0xb: {  	_ =	strace $0x80000047;
	s11 =	smul.u32 $0x140000, s3;
	[dreg:$0x5] =	wrdreg s12  }
0xc: {  	s18 =	smul.u32 $0x28000, s3;
	s15 =	ssub.s32 $0x2, s3;
	s3 =	sor.u32 s3, s19  }
0xd: {  	[dreg:$0x6] =	wrdreg s14;
	s20 =	sshrl.u32 s15, $0x1;
	s3 =	smul.u32 $0x2710, s3  }
0xe: {  	s11 =	sadd.s32 s10, s11;
	s12 =	sadd.s32 s13, s18;
	s14 =	ssub.s32 s15, s20  }
0xf: {  	s10 =	sadd.s32 s10, s2;
	s13 =	sadd.s32 s13, s4;
	s11 =	sshrl.u32 s11, $0x3  }
0x10: {  	s12 =	sshrl.u32 s12, $0x3;
	s22 =	sshrl.u32 s3, $0x3;
	[dreg:$0x7] =	wrdreg s13  }
0x11: {  	s16 =	sadd.s32 $0x50, s3;
	s17 =	sadd.s32 $0xA0, s3;
	s26 =	smax.u32 s14, $0x1  }
0x12: {  	s18 =	sshrl.u32 s10, $0x3;
	s3 =	simm.s32 $0x1;
	s10 =	simm.s32 $0x2  }
0x13: {  	s14 =	simm.s32 $0x0;
	s11 =	sadd.s32 s11, s0;
	[dreg:$0xc] =	wrdreg s26  }
0x14: {  	s0 =	sadd.s32 s12, s0;
	s23 =	sadd.s32 s8, s22;
	[dreg:$0xd] =	wrdreg s18  }
0x15: {  	s12 =	sor.u32 $0x1C05, s21;
	s24 =	sadd.s32 s9, s22;
	[dreg:$0x8] =	wrdreg s23  }
0x16: {  	s22 =	simm.s32 $0x5;
	s26 =	simm.s32 $0x2DA0;
	[dreg:$0x9] =	wrdreg s24  }
0x17: {  	s25 =	sadd.s32 $0x2D000, s11;
	s0 =	sadd.s32 $0x23000, s0;
	s23 =	simm.s32 $0x50  }
0x18: {  	s24 =	simm.s32 $0xA0;
	s11 =	simm.s32 $0x3;
	[dreg:$0xa] =	wrdreg s25  }
0x19: {  	[dreg:$0xb] =	wrdreg s0;
	s25 =	simm.s32 $0x28A0;
	s0 =	simm.s32 $0x6040  }
.LBB2_1:
0x1a: {  	s13 =	rddreg [dreg:$0x5]  }
0x1b: {  	[spmem:s18], [sflag:s12] =	dma.local [hbm:s13], $0x2800  }
0x1c: {  	_ =	swait.ge [sflag:s22], $0x2800  }
0x1d: {  	[sflag:s22] =	ssyncset.done $0x0;
	s18 =	rddreg [dreg:$0x7]  }
0x1e: {  	s19 =	rddreg [dreg:$0x6];
	[sflag:s22] =	ssyncadd.s32 $0xFFFFD800;
	s15 =	sshrl.u32 s18, $0x3  }
0x1f: {  	[spmem:s15], [sflag:s12] =	dma.local [hbm:s19], $0x500  }
0x20: {  	_ =	swait.ge [sflag:s22], $0x500  }
0x21: {  	[sflag:s22] =	ssyncset.done $0x0  }
0x22: {  	[sflag:s22] =	ssyncadd.s32 $0xFFFFFB00  }
0x23: {  	[bflag:$0x0] =	sbarrier.arrive $0xFFFF  }
0x24: {  	s20 =	rddreg [dreg:$0x8]  }
0x25: {  	[tilespmem:s5], [sflag:$0x5] =	stream.linear.gather [hbm4b:s20+s5], $0x50, $0x38;
	[tilespmem:$0x1CD40] =	vst v63  }
0x26: {  	_ =	swait.ge [sflag:s22], $0x50  }
0x27: {  	[sflag:s22] =	ssyncset.done $0x0  }
0x28: {  	s21 =	rddreg [dreg:$0x9];
	[sflag:s22] =	ssyncadd.s32 $0xFFFFFFB0  }
0x29: {  	[tilespmem:s23], [sflag:$0x5] =	stream.linear.gather [hbm4b:s21+s5], $0x50, $0x38;
	[tilespmem:$0x1CD40] =	vst v63  }
0x2a: {  	_ =	swait.ge [sflag:s22], $0x50  }
0x2b: {  	[sflag:s22] =	ssyncset.done $0x0  }
0x2c: {  	[sflag:s22] =	ssyncadd.s32 $0xFFFFFFB0  }
0x2d: {  	[tilespmem:s24], [sflag:$0x1] =	stream.indirect.gather [hbm4b:s1+s23], $0x80, s5, s23, $0xb8;
	[tilespmem:$0x1CD40] =	vst v63  }
0x2e: {  	_ = 	snop  }
0x2f: {  	[tilespmem:s25], [sflag:$0x1] =	stream.indirect.gather [hbm4b:s6+s23], $0x10, s5, s23, $0xb8;
	[tilespmem:$0x1CD40] =	vst v63  }
0x30: {  	s18 =	simm.s32 $0x0  }
0x31: {  	[tilespmem:s26], [sflag:$0x1] =	stream.indirect.gather [hbm4b:s7+s23], $0x10, s23, s23, $0xb8;
	[tilespmem:$0x1CD40] =	vst v63  }
.LBB2_2:
0x32: {  	p0 =	seq.s32 s18, $0x0  }
0x33: {  	s13 =	simm.s32 @!p0 $0x4  }
0x34: {  	_ =	swait.ge @!p0 [sflag:s13], $0x2800  }
0x35: {  	s19 =	smul.u32 $0xA0, s18;
	[sflag:s13] =	ssyncset.done @!p0 $0x0  }
0x36: {  	[sflag:s13] =	ssyncadd.s32 @!p0 $0xFFFFD800  }
0x37: {  	s20 =	sadd.s32 s19, s16;
	_ =	swait.ge @!p0 [sflag:s13], $0x500  }
0x38: {  	s20 =	sshrl.u32 s20, $0x3;
	[sflag:s13] =	ssyncset.done @!p0 $0x0  }
0x39: {  	s21 =	simm.s32 $0x0;
	[sflag:s13] =	ssyncadd.s32 @!p0 $0xFFFFFB00;
	s13 =	sadd.s32 s8, s20  }
0x3a: {  	[tilespmem:s28], [sflag:$0x5] =	stream.linear.gather [hbm4b:s13+s21], $0x50, $0x38;
	[tilespmem:$0x1CD40] =	vst v63  }
0x3b: {  	_ =	swait.ge [sflag:s22], $0x50  }
0x3c: {  	[sflag:s22] =	ssyncset.done $0x0  }
0x3d: {  	s20 =	sadd.s32 s9, s20;
	[sflag:s22] =	ssyncadd.s32 $0xFFFFFFB0  }
0x3e: {  	[tilespmem:s29], [sflag:$0x5] =	stream.linear.gather [hbm4b:s20+s21], $0x50, $0x38;
	[tilespmem:$0x1CD40] =	vst v63  }
0x3f: {  	_ =	swait.ge [sflag:s22], $0x50  }
0x40: {  	[sflag:s22] =	ssyncset.done $0x0  }
0x41: {  	[sflag:s22] =	ssyncadd.s32 $0xFFFFFFB0  }
0x42: {  	[tilespmem:s30], [sflag:$0x2] =	stream.indirect.gather [hbm4b:s1+s23], $0x80, s28, s23, $0xb8;
	[tilespmem:$0x1CD40] =	vst v63  }
0x43: {  	_ = 	snop  }
0x44: {  	[tilespmem:s31], [sflag:$0x2] =	stream.indirect.gather [hbm4b:s6+s23], $0x10, s28, s23, $0xb8;
	[tilespmem:$0x1CD40] =	vst v63  }
0x45: {  	_ = 	snop  }
0x46: {  	[tilespmem:s0], [sflag:$0x2] =	stream.indirect.gather [hbm4b:s7+s23], $0x10, s29, s23, $0xb8;
	[tilespmem:$0x1CD40] =	vst v63  }
0x47: {  	_ =	swait.ge [sflag:s3], $0x2800  }
0x48: {  	[sflag:s3] =	ssyncset.done $0x0  }
0x49: {  	[sflag:s3] =	ssyncadd.s32 $0xFFFFD800  }
0x4a: {  	_ =	swait.ge [sflag:s3], $0x500  }
0x4b: {  	[sflag:s3] =	ssyncset.done $0x0  }
0x4c: {  	[sflag:s3] =	ssyncadd.s32 $0xFFFFFB00  }
0x4d: {  	_ =	swait.ge [sflag:s3], $0x500  }
0x4e: {  	[sflag:s3] =	ssyncset.done $0x0  }
0x4f: {  	s21 =	simm.s32 $0x0;
	[sflag:s3] =	ssyncadd.s32 $0xFFFFFB00  }
0x50: {  	v0 =	vld [tilespmem:s21+$0x2DA0]  }
0x51: {  	v1 =	vld [tilespmem:s21+$0x28A0];
	_ =	sdelay $0x4  }
0x52: {  	v0 =	vadd.f32 v0, v1;
	_ =	sdelay $0x1  }
0x53: {  	v1 =	vmul.f32 $2.000000030e-01, v0  }
0x54: {  	vm0 =	vgt.f32 v0, $0.0e+00  }
0x55: {  	v0 =	vsel vm0, v0, v1  }
0x56: {  	v0 =	vmul.f32 $1.442695020e+00, v0;
	_ =	sdelay $0x1  }
0x57: {  	(erf) = vpow2.f32 v0;
	_ =	sdelay $0x8  }
0x58: {  	v0 =	vpop (erf)  }
0x59: {  	s20 =	simm.s32 $0xE0;
	[tilespmem:s21+$0x2DA0] =	vst v0  }
0x5a: {  	v1 =	vld [tilespmem:s20+$0x30]  }
0x5b: {  	v2 =	vld [tilespmem:s20+$0x20]  }
0x5c: {  	v3 =	vld [tilespmem:s20+$0x10]  }
0x5d: {  	v4 =	vbroadcast v0, $0x7;
	v5 =	vld [tilespmem:s20+$0x0]  }
0x5e: {  	v6 =	vbroadcast v0, $0x6;
	v7 =	vld [tilespmem:s20+$0xFFFFFFF0]  }
0x5f: {  	v8 =	vbroadcast v0, $0x5;
	v9 =	vld [tilespmem:s20+$0xFFFFFFE0];
	v1 =	vmul.f32 v1, v4  }
0x60: {  	v61 =	vbroadcast v0, $0x4;
	v10 =	vld [tilespmem:s20+$0xFFFFFFD0];
	v2 =	vmul.f32 v2, v6  }
0x61: {  	v62 =	vbroadcast v0, $0x3;
	v11 =	vld [tilespmem:s20+$0xFFFFFFC0];
	v3 =	vmul.f32 v3, v8;
	[tilespmem:s20+$0x30] =	vst v1  }
0x62: {  	v4 =	vmul.f32 v5, v61;
	v1 =	vbroadcast v0, $0x2;
	[tilespmem:s20+$0x20] =	vst v2  }
0x63: {  	v63 =	vmul.f32 v7, v62;
	v2 =	vbroadcast v0, $0x1;
	[tilespmem:s20+$0x10] =	vst v3  }
0x64: {  	v0 =	vbroadcast v0, $0x0;
	[tilespmem:s20+$0x0] =	vst v4;
	v1 =	vmul.f32 v1, v9  }
0x65: {  	[tilespmem:s20+$0xFFFFFFF0] =	vst v63;
	v2 =	vmul.f32 v2, v10  }
0x66: {  	v0 =	vmul.f32 v0, v11;
	[tilespmem:s20+$0xFFFFFFE0] =	vst v1  }
0x67: {  	[tilespmem:s20+$0xFFFFFFD0] =	vst v2  }
0x68: {  	s13 =	simm.s32 $0x10;
	[tilespmem:s20+$0xFFFFFFC0] =	vst v0  }
0x69: {  	s21 =	simm.s32 $0x80;
	v0 =	vld [tilespmem:s13+$0x2DA0]  }
.LBB2_3:
0x6a: {  	p0 =	sne.s32 s21, $0x13C0;
	v1 =	vld [tilespmem:s13+$0x28A0];
	_ =	sdelay $0x4  }
0x6b: {  	v0 =	vadd.f32 v0, v1;
	_ =	sdelay $0x1  }
0x6c: {  	v1 =	vmul.f32 $2.000000030e-01, v0  }
0x6d: {  	vm0 =	vgt.f32 v0, $0.0e+00  }
0x6e: {  	v0 =	vsel vm0, v0, v1  }
0x6f: {  	v0 =	vmul.f32 $1.442695020e+00, v0;
	_ =	sdelay $0x1  }
0x70: {  	(erf) = vpow2.f32 v0;
	_ =	sdelay $0x8  }
0x71: {  	v0 =	vpop (erf)  }
0x72: {  	s20 =	sadd.s32 $0x80, s20;
	[tilespmem:s13+$0x2DA0] =	vst v0;
	v1 =	vbroadcast v0, $0x6;
	v2 =	vbroadcast v0, $0x7  }
0x73: {  	v3 =	vbroadcast v0, $0x4;
	v4 =	vbroadcast v0, $0x5;
	v5 =	vld [tilespmem:s20+$0x30]  }
0x74: {  	v6 =	vbroadcast v0, $0x2;
	v7 =	vbroadcast v0, $0x3;
	v8 =	vld [tilespmem:s20+$0x20]  }
0x75: {  	v9 =	vbroadcast v0, $0x0;
	v0 =	vbroadcast v0, $0x1;
	v10 =	vld [tilespmem:s20+$0x10]  }
0x76: {  	v11 =	vld [tilespmem:s20+$0x0]  }
0x77: {  	v12 =	vld [tilespmem:s20+$0xFFFFFFF0]  }
0x78: {  	v13 =	vld [tilespmem:s20+$0xFFFFFFE0];
	v2 =	vmul.f32 v5, v2  }
0x79: {  	v5 =	vld [tilespmem:s20+$0xFFFFFFD0];
	v1 =	vmul.f32 v8, v1  }
0x7a: {  	v8 =	vld [tilespmem:s20+$0xFFFFFFC0];
	v4 =	vmul.f32 v10, v4;
	[tilespmem:s20+$0x30] =	vst v2  }
0x7b: {  	v2 =	vmul.f32 v11, v3;
	[tilespmem:s20+$0x20] =	vst v1  }
0x7c: {  	v1 =	vmul.f32 v12, v7;
	[tilespmem:s20+$0x10] =	vst v4  }
0x7d: {  	v3 =	vmul.f32 v6, v13;
	[tilespmem:s20+$0x0] =	vst v2  }
.Ltmp0:
0x7e: {  	v0 =	vmul.f32 v0, v5;
	[tilespmem:s20+$0xFFFFFFF0] =	vst v1;
	(pc) =	sbr.rel @p0 .LBB2_3-.Ltmp0, $4  }
0x7f: {  	v1 =	vmul.f32 v9, v8;
	[tilespmem:s20+$0xFFFFFFE0] =	vst v3  }
0x80: {  	[tilespmem:s20+$0xFFFFFFD0] =	vst v0  }
0x81: {  	s13 =	sshra.s32 s21, $0x2;
	[tilespmem:s20+$0xFFFFFFC0] =	vst v1  }
0x82: {  	s21 =	sadd.s32 $0x40, s21;
	v0 =	vld [tilespmem:s13+$0x2DA0]  }
0x83: {  	v1 =	vld [tilespmem:s13+$0x28A0];
	_ =	sdelay $0x4  }
0x84: {  	v0 =	vadd.f32 v0, v1;
	_ =	sdelay $0x1  }
0x85: {  	v1 =	vmul.f32 $2.000000030e-01, v0  }
0x86: {  	vm0 =	vgt.f32 v0, $0.0e+00  }
0x87: {  	v0 =	vsel vm0, v0, v1  }
0x88: {  	v0 =	vmul.f32 $1.442695020e+00, v0;
	_ =	sdelay $0x1  }
0x89: {  	(erf) = vpow2.f32 v0;
	_ =	sdelay $0x8  }
0x8a: {  	v0 =	vpop (erf)  }
0x8b: {  	s20 =	sadd.s32 $0x80, s20;
	[tilespmem:s13+$0x2DA0] =	vst v0  }
0x8c: {  	v1 =	vld [tilespmem:s20+$0x30]  }
0x8d: {  	v2 =	vld [tilespmem:s20+$0x20]  }
0x8e: {  	v3 =	vld [tilespmem:s20+$0x10]  }
0x8f: {  	v4 =	vbroadcast v0, $0x7;
	v5 =	vld [tilespmem:s20+$0x0]  }
0x90: {  	v6 =	vbroadcast v0, $0x6;
	v7 =	vld [tilespmem:s20+$0xFFFFFFF0]  }
0x91: {  	v8 =	vbroadcast v0, $0x5;
	v9 =	vld [tilespmem:s20+$0xFFFFFFE0];
	v1 =	vmul.f32 v1, v4  }
0x92: {  	v50 =	vbroadcast v0, $0x4;
	v10 =	vld [tilespmem:s20+$0xFFFFFFD0];
	v2 =	vmul.f32 v2, v6  }
0x93: {  	v51 =	vbroadcast v0, $0x3;
	v11 =	vld [tilespmem:s20+$0xFFFFFFC0];
	v3 =	vmul.f32 v3, v8;
	[tilespmem:s20+$0x30] =	vst v1  }
0x94: {  	v4 =	vmul.f32 v5, v50;
	v1 =	vbroadcast v0, $0x2;
	[tilespmem:s20+$0x20] =	vst v2  }
0x95: {  	v52 =	vmul.f32 v7, v51;
	v2 =	vbroadcast v0, $0x1;
	[tilespmem:s20+$0x10] =	vst v3  }
0x96: {  	v0 =	vbroadcast v0, $0x0;
	[tilespmem:s20+$0x0] =	vst v4;
	v1 =	vmul.f32 v1, v9  }
0x97: {  	[tilespmem:s20+$0xFFFFFFF0] =	vst v52;
	v2 =	vmul.f32 v2, v10  }
0x98: {  	v0 =	vmul.f32 v0, v11;
	[tilespmem:s20+$0xFFFFFFE0] =	vst v1  }
0x99: {  	[tilespmem:s20+$0xFFFFFFD0] =	vst v2  }
0x9a: {  	[tilespmem:s20+$0xFFFFFFC0] =	vst v0  }
0x9b: {  	[spmem:s2] =	stream.indirect.scatter.add.f32 [tilespmem:s24], [sflag:$0x3], $0x80, s23, s23, $0xb8;
	[tilespmem:$0x1CD40] =	vst v63  }
0x9c: {  	_ = 	snop  }
0x9d: {  	[spmem:s4] =	stream.indirect.scatter.add.f32 [tilespmem:s26], [sflag:$0x3], $0x10, s23, s23, $0xb8;
	[tilespmem:$0x1CD40] =	vst v63  }
0x9e: {  	_ =	swait.ge [sflag:s10], $0x2800  }
0x9f: {  	[sflag:s10] =	ssyncset.done $0x0  }
0xa0: {  	[sflag:s10] =	ssyncadd.s32 $0xFFFFD800  }
0xa1: {  	_ =	swait.ge [sflag:s10], $0x500  }
0xa2: {  	[sflag:s10] =	ssyncset.done $0x0  }
0xa3: {  	[sflag:s10] =	ssyncadd.s32 $0xFFFFFB00  }
0xa4: {  	_ =	swait.ge [sflag:s10], $0x500  }
0xa5: {  	[sflag:s10] =	ssyncset.done $0x0  }
0xa6: {  	s21 =	simm.s32 $0x0;
	[sflag:s10] =	ssyncadd.s32 $0xFFFFFB00  }
0xa7: {  	v0 =	vld [tilespmem:s21+$0x6040]  }
0xa8: {  	v1 =	vld [tilespmem:s21+$0x5B40];
	_ =	sdelay $0x4  }
0xa9: {  	v0 =	vadd.f32 v0, v1;
	_ =	sdelay $0x1  }
0xaa: {  	v1 =	vmul.f32 $2.000000030e-01, v0  }
0xab: {  	vm15 =	vgt.f32 v0, $0.0e+00  }
0xac: {  	v0 =	vsel vm15, v0, v1  }
0xad: {  	v0 =	vmul.f32 $1.442695020e+00, v0;
	_ =	sdelay $0x1  }
0xae: {  	(erf) = vpow2.f32 v0;
	_ =	sdelay $0x8  }
0xaf: {  	v0 =	vpop (erf)  }
0xb0: {  	s20 =	simm.s32 $0x3380;
	[tilespmem:s21+$0x6040] =	vst v0  }
0xb1: {  	v1 =	vld [tilespmem:s20+$0x30]  }
0xb2: {  	v2 =	vld [tilespmem:s20+$0x20]  }
0xb3: {  	v3 =	vld [tilespmem:s20+$0x10]  }
0xb4: {  	v53 =	vbroadcast v0, $0x7;
	v54 =	vld [tilespmem:s20+$0x0]  }
0xb5: {  	v55 =	vbroadcast v0, $0x6;
	v56 =	vld [tilespmem:s20+$0xFFFFFFF0]  }
0xb6: {  	v57 =	vbroadcast v0, $0x5;
	v58 =	vld [tilespmem:s20+$0xFFFFFFE0];
	v1 =	vmul.f32 v1, v53  }
0xb7: {  	v59 =	vbroadcast v0, $0x4;
	v60 =	vld [tilespmem:s20+$0xFFFFFFD0];
	v2 =	vmul.f32 v2, v55  }
0xb8: {  	v61 =	vbroadcast v0, $0x3;
	v62 =	vld [tilespmem:s20+$0xFFFFFFC0];
	v3 =	vmul.f32 v3, v57;
	[tilespmem:s20+$0x30] =	vst v1  }
0xb9: {  	v4 =	vmul.f32 v54, v59;
	v1 =	vbroadcast v0, $0x2;
	[tilespmem:s20+$0x20] =	vst v2  }
0xba: {  	v63 =	vmul.f32 v56, v61;
	v2 =	vbroadcast v0, $0x1;
	[tilespmem:s20+$0x10] =	vst v3  }
0xbb: {  	v0 =	vbroadcast v0, $0x0;
	[tilespmem:s20+$0x0] =	vst v4;
	v1 =	vmul.f32 v1, v58  }
0xbc: {  	[tilespmem:s20+$0xFFFFFFF0] =	vst v63;
	v2 =	vmul.f32 v2, v60  }
0xbd: {  	v0 =	vmul.f32 v0, v62;
	[tilespmem:s20+$0xFFFFFFE0] =	vst v1  }
0xbe: {  	[tilespmem:s20+$0xFFFFFFD0] =	vst v2  }
0xbf: {  	s13 =	simm.s32 $0x10;
	[tilespmem:s20+$0xFFFFFFC0] =	vst v0  }
0xc0: {  	s21 =	simm.s32 $0x80;
	v0 =	vld [tilespmem:s13+$0x6040]  }
.LBB2_5:
0xc1: {  	p0 =	sne.s32 s21, $0x13C0;
	v1 =	vld [tilespmem:s13+$0x5B40];
	_ =	sdelay $0x4  }
0xc2: {  	v0 =	vadd.f32 v0, v1;
	_ =	sdelay $0x1  }
0xc3: {  	v1 =	vmul.f32 $2.000000030e-01, v0  }
0xc4: {  	vm0 =	vgt.f32 v0, $0.0e+00  }
0xc5: {  	v0 =	vsel vm0, v0, v1  }
0xc6: {  	v0 =	vmul.f32 $1.442695020e+00, v0;
	_ =	sdelay $0x1  }
0xc7: {  	(erf) = vpow2.f32 v0;
	_ =	sdelay $0x8  }
0xc8: {  	v0 =	vpop (erf)  }
0xc9: {  	s20 =	sadd.s32 $0x80, s20;
	[tilespmem:s13+$0x6040] =	vst v0;
	v1 =	vbroadcast v0, $0x6;
	v2 =	vbroadcast v0, $0x7  }
0xca: {  	v3 =	vbroadcast v0, $0x4;
	v4 =	vbroadcast v0, $0x5;
	v5 =	vld [tilespmem:s20+$0x30]  }
0xcb: {  	v6 =	vbroadcast v0, $0x2;
	v7 =	vbroadcast v0, $0x3;
	v8 =	vld [tilespmem:s20+$0x20]  }
0xcc: {  	v9 =	vbroadcast v0, $0x0;
	v0 =	vbroadcast v0, $0x1;
	v10 =	vld [tilespmem:s20+$0x10]  }
0xcd: {  	v11 =	vld [tilespmem:s20+$0x0]  }
0xce: {  	v12 =	vld [tilespmem:s20+$0xFFFFFFF0]  }
0xcf: {  	v13 =	vld [tilespmem:s20+$0xFFFFFFE0];
	v2 =	vmul.f32 v5, v2  }
0xd0: {  	v5 =	vld [tilespmem:s20+$0xFFFFFFD0];
	v1 =	vmul.f32 v8, v1  }
0xd1: {  	v8 =	vld [tilespmem:s20+$0xFFFFFFC0];
	v4 =	vmul.f32 v10, v4;
	[tilespmem:s20+$0x30] =	vst v2  }
0xd2: {  	v2 =	vmul.f32 v11, v3;
	[tilespmem:s20+$0x20] =	vst v1  }
0xd3: {  	v1 =	vmul.f32 v12, v7;
	[tilespmem:s20+$0x10] =	vst v4  }
0xd4: {  	v3 =	vmul.f32 v6, v13;
	[tilespmem:s20+$0x0] =	vst v2  }
.Ltmp1:
0xd5: {  	v0 =	vmul.f32 v0, v5;
	[tilespmem:s20+$0xFFFFFFF0] =	vst v1;
	(pc) =	sbr.rel @p0 .LBB2_5-.Ltmp1, $4  }
0xd6: {  	v1 =	vmul.f32 v9, v8;
	[tilespmem:s20+$0xFFFFFFE0] =	vst v3  }
0xd7: {  	[tilespmem:s20+$0xFFFFFFD0] =	vst v0  }
0xd8: {  	s13 =	sshra.s32 s21, $0x2;
	[tilespmem:s20+$0xFFFFFFC0] =	vst v1  }
0xd9: {  	s21 =	sadd.s32 $0x40, s21;
	v0 =	vld [tilespmem:s13+$0x6040]  }
0xda: {  	v1 =	vld [tilespmem:s13+$0x5B40];
	_ =	sdelay $0x4  }
0xdb: {  	v0 =	vadd.f32 v0, v1;
	_ =	sdelay $0x1  }
0xdc: {  	v1 =	vmul.f32 $2.000000030e-01, v0  }
0xdd: {  	vm0 =	vgt.f32 v0, $0.0e+00  }
0xde: {  	v0 =	vsel vm0, v0, v1  }
0xdf: {  	v0 =	vmul.f32 $1.442695020e+00, v0;
	_ =	sdelay $0x1  }
0xe0: {  	(erf) = vpow2.f32 v0;
	_ =	sdelay $0x8  }
0xe1: {  	v0 =	vpop (erf)  }
0xe2: {  	s21 =	sadd.s32 $0x80, s20;
	[tilespmem:s13+$0x6040] =	vst v0  }
0xe3: {  	v58 =	vld [tilespmem:s21+$0x30]  }
0xe4: {  	v2 =	vld [tilespmem:s21+$0x20]  }
0xe5: {  	v3 =	vld [tilespmem:s21+$0x10]  }
0xe6: {  	v4 =	vbroadcast v0, $0x7;
	v6 =	vbroadcast v0, $0x6;
	v5 =	vld [tilespmem:s21+$0x0]  }
0xe7: {  	v8 =	vbroadcast v0, $0x5;
	v59 =	vbroadcast v0, $0x4;
	v7 =	vld [tilespmem:s21+$0xFFFFFFF0]  }
0xe8: {  	v60 =	vbroadcast v0, $0x3;
	v11 =	vld [tilespmem:s21+$0xFFFFFFC0];
	v1 =	vmul.f32 v58, v4  }
0xe9: {  	v61 =	vbroadcast v0, $0x2;
	v9 =	vld [tilespmem:s21+$0xFFFFFFE0];
	v2 =	vmul.f32 v2, v6  }
0xea: {  	v62 =	vbroadcast v0, $0x1;
	v10 =	vld [tilespmem:s21+$0xFFFFFFD0];
	v3 =	vmul.f32 v3, v8;
	[tilespmem:s21+$0x30] =	vst v1  }
0xeb: {  	v0 =	vbroadcast v0, $0x0;
	v4 =	vmul.f32 v5, v59;
	[tilespmem:s21+$0x20] =	vst v2  }
0xec: {  	v63 =	vmul.f32 v7, v60;
	[tilespmem:s21+$0x10] =	vst v3  }
0xed: {  	v0 =	vmul.f32 v0, v11;
	[tilespmem:s21+$0x0] =	vst v4  }
0xee: {  	v1 =	vmul.f32 v61, v9;
	[tilespmem:s21+$0xFFFFFFF0] =	vst v63  }
0xef: {  	v2 =	vmul.f32 v62, v10;
	[tilespmem:s21+$0xFFFFFFC0] =	vst v0  }
0xf0: {  	[tilespmem:s21+$0xFFFFFFE0] =	vst v1  }
0xf1: {  	[tilespmem:s21+$0xFFFFFFD0] =	vst v2  }
0xf2: {  	[spmem:s2] =	stream.indirect.scatter.add.f32 [tilespmem:s30], [sflag:$0x4], $0x80, s29, s23, $0xb8;
	[tilespmem:$0x1CD40] =	vst v63  }
0xf3: {  	_ = 	snop  }
0xf4: {  	[spmem:s4] =	stream.indirect.scatter.add.f32 [tilespmem:s0], [sflag:$0x4], $0x10, s29, s23, $0xb8;
	[tilespmem:$0x1CD40] =	vst v63  }
0xf5: {  	_ =	swait.ge [sflag:s11], $0x2800  }
0xf6: {  	[sflag:s11] =	ssyncset.done $0x0  }
0xf7: {  	[sflag:s11] =	ssyncadd.s32 $0xFFFFD800  }
0xf8: {  	s20 =	sadd.s32 s19, s17;
	_ =	swait.ge [sflag:s11], $0x500  }
0xf9: {  	s13 =	sshrl.u32 s20, $0x3;
	[sflag:s11] =	ssyncset.done $0x0  }
0xfa: {  	s21 =	sadd.s32 s8, s13;
	[sflag:s11] =	ssyncadd.s32 $0xFFFFFB00  }
0xfb: {  	[tilespmem:s5], [sflag:$0x5] =	stream.linear.gather [hbm4b:s21+s5], $0x50, $0x38;
	[tilespmem:$0x1CD40] =	vst v63  }
0xfc: {  	_ =	swait.ge [sflag:s22], $0x50  }
0xfd: {  	[sflag:s22] =	ssyncset.done $0x0  }
0xfe: {  	s13 =	sadd.s32 s9, s13;
	[sflag:s22] =	ssyncadd.s32 $0xFFFFFFB0  }
0xff: {  	[tilespmem:s23], [sflag:$0x5] =	stream.linear.gather [hbm4b:s13+s5], $0x50, $0x38;
	[tilespmem:$0x1CD40] =	vst v63  }
0x100: {  	_ =	swait.ge [sflag:s22], $0x50  }
0x101: {  	s18 =	sadd.s32 $0x1, s18;
	[sflag:s22] =	ssyncset.done $0x0  }
0x102: {  	p0 =	sne.s32 s18, $0x3E;
	[sflag:s22] =	ssyncadd.s32 $0xFFFFFFB0  }
0x103: {  	[tilespmem:s24], [sflag:$0x1] =	stream.indirect.gather [hbm4b:s1+s23], $0x80, s5, s23, $0xb8;
	[tilespmem:$0x1CD40] =	vst v63  }
.Ltmp2:
0x104: {  	_ = 	snop;
	(pc) =	sbr.rel @p0 .LBB2_2-.Ltmp2, $4  }
0x105: {  	_ = 	snop  }
0x106: {  	[tilespmem:s25], [sflag:$0x1] =	stream.indirect.gather [hbm4b:s6+s23], $0x10, s5, s23, $0xb8;
	[tilespmem:$0x1CD40] =	vst v63  }
0x107: {  	_ = 	snop  }
0x108: {  	[tilespmem:s26], [sflag:$0x1] =	stream.indirect.gather [hbm4b:s7+s23], $0x10, s23, s23, $0xb8;
	[tilespmem:$0x1CD40] =	vst v63  }
0x109: {  	s13 =	simm.s32 $0x4  }
0x10a: {  	_ =	swait.ge [sflag:s13], $0x2800  }
0x10b: {  	[sflag:s13] =	ssyncset.done $0x0  }
0x10c: {  	[sflag:s13] =	ssyncadd.s32 $0xFFFFD800  }
0x10d: {  	_ =	swait.ge [sflag:s13], $0x500  }
0x10e: {  	[sflag:s13] =	ssyncset.done $0x0  }
0x10f: {  	[sflag:s13] =	ssyncadd.s32 $0xFFFFFB00  }
0x110: {  	_ =	swait.ge [sflag:s3], $0x2800  }
0x111: {  	[sflag:s3] =	ssyncset.done $0x0  }
0x112: {  	[sflag:s3] =	ssyncadd.s32 $0xFFFFD800  }
0x113: {  	_ =	swait.ge [sflag:s3], $0x500  }
0x114: {  	[sflag:s3] =	ssyncset.done $0x0  }
0x115: {  	[sflag:s3] =	ssyncadd.s32 $0xFFFFFB00  }
0x116: {  	_ =	swait.ge [sflag:s3], $0x500  }
0x117: {  	[sflag:s3] =	ssyncset.done $0x0  }
0x118: {  	s21 =	simm.s32 $0x0;
	[sflag:s3] =	ssyncadd.s32 $0xFFFFFB00  }
0x119: {  	v0 =	vld [tilespmem:s21+$0x2DA0]  }
0x11a: {  	v1 =	vld [tilespmem:s21+$0x28A0];
	_ =	sdelay $0x4  }
0x11b: {  	v0 =	vadd.f32 v0, v1;
	_ =	sdelay $0x1  }
0x11c: {  	v1 =	vmul.f32 $2.000000030e-01, v0  }
0x11d: {  	vm0 =	vgt.f32 v0, $0.0e+00  }
0x11e: {  	v0 =	vsel vm0, v0, v1  }
0x11f: {  	v0 =	vmul.f32 $1.442695020e+00, v0;
	_ =	sdelay $0x1  }
0x120: {  	(erf) = vpow2.f32 v0;
	_ =	sdelay $0x8  }
0x121: {  	v0 =	vpop (erf)  }
0x122: {  	s18 =	simm.s32 $0xE0;
	[tilespmem:s21+$0x2DA0] =	vst v0  }
0x123: {  	v1 =	vld [tilespmem:s18+$0x30]  }
0x124: {  	v2 =	vld [tilespmem:s18+$0x20]  }
0x125: {  	v3 =	vld [tilespmem:s18+$0x10]  }
0x126: {  	v4 =	vbroadcast v0, $0x7;
	v5 =	vld [tilespmem:s18+$0x0]  }
0x127: {  	v6 =	vbroadcast v0, $0x6;
	v7 =	vld [tilespmem:s18+$0xFFFFFFF0]  }
0x128: {  	v8 =	vbroadcast v0, $0x5;
	v9 =	vld [tilespmem:s18+$0xFFFFFFE0];
	v1 =	vmul.f32 v1, v4  }
0x129: {  	v61 =	vbroadcast v0, $0x4;
	v10 =	vld [tilespmem:s18+$0xFFFFFFD0];
	v2 =	vmul.f32 v2, v6  }
0x12a: {  	v62 =	vbroadcast v0, $0x3;
	v11 =	vld [tilespmem:s18+$0xFFFFFFC0];
	v3 =	vmul.f32 v3, v8;
	[tilespmem:s18+$0x30] =	vst v1  }
0x12b: {  	v4 =	vmul.f32 v5, v61;
	v1 =	vbroadcast v0, $0x2;
	[tilespmem:s18+$0x20] =	vst v2  }
0x12c: {  	v63 =	vmul.f32 v7, v62;
	v2 =	vbroadcast v0, $0x1;
	[tilespmem:s18+$0x10] =	vst v3  }
0x12d: {  	v0 =	vbroadcast v0, $0x0;
	[tilespmem:s18+$0x0] =	vst v4;
	v1 =	vmul.f32 v1, v9  }
0x12e: {  	[tilespmem:s18+$0xFFFFFFF0] =	vst v63;
	v2 =	vmul.f32 v2, v10  }
0x12f: {  	v0 =	vmul.f32 v0, v11;
	[tilespmem:s18+$0xFFFFFFE0] =	vst v1  }
0x130: {  	[tilespmem:s18+$0xFFFFFFD0] =	vst v2  }
0x131: {  	s13 =	simm.s32 $0x10;
	[tilespmem:s18+$0xFFFFFFC0] =	vst v0  }
0x132: {  	s19 =	simm.s32 $0x80;
	v0 =	vld [tilespmem:s13+$0x2DA0]  }
.LBB2_8:
0x133: {  	p0 =	sne.s32 s19, $0x13C0;
	v1 =	vld [tilespmem:s13+$0x28A0];
	_ =	sdelay $0x4  }
0x134: {  	v0 =	vadd.f32 v0, v1;
	_ =	sdelay $0x1  }
0x135: {  	v1 =	vmul.f32 $2.000000030e-01, v0  }
0x136: {  	vm0 =	vgt.f32 v0, $0.0e+00  }
0x137: {  	v0 =	vsel vm0, v0, v1  }
0x138: {  	v0 =	vmul.f32 $1.442695020e+00, v0;
	_ =	sdelay $0x1  }
0x139: {  	(erf) = vpow2.f32 v0;
	_ =	sdelay $0x8  }
0x13a: {  	v0 =	vpop (erf)  }
0x13b: {  	s18 =	sadd.s32 $0x80, s18;
	[tilespmem:s13+$0x2DA0] =	vst v0;
	v1 =	vbroadcast v0, $0x6;
	v2 =	vbroadcast v0, $0x7  }
0x13c: {  	v3 =	vbroadcast v0, $0x4;
	v4 =	vbroadcast v0, $0x5;
	v5 =	vld [tilespmem:s18+$0x30]  }
0x13d: {  	v6 =	vbroadcast v0, $0x2;
	v7 =	vbroadcast v0, $0x3;
	v8 =	vld [tilespmem:s18+$0x20]  }
0x13e: {  	v9 =	vbroadcast v0, $0x0;
	v0 =	vbroadcast v0, $0x1;
	v10 =	vld [tilespmem:s18+$0x10]  }
0x13f: {  	v11 =	vld [tilespmem:s18+$0x0]  }
0x140: {  	v12 =	vld [tilespmem:s18+$0xFFFFFFF0]  }
0x141: {  	v13 =	vld [tilespmem:s18+$0xFFFFFFE0];
	v2 =	vmul.f32 v5, v2  }
0x142: {  	v5 =	vld [tilespmem:s18+$0xFFFFFFD0];
	v1 =	vmul.f32 v8, v1  }
0x143: {  	v8 =	vld [tilespmem:s18+$0xFFFFFFC0];
	v4 =	vmul.f32 v10, v4;
	[tilespmem:s18+$0x30] =	vst v2  }
0x144: {  	v2 =	vmul.f32 v11, v3;
	[tilespmem:s18+$0x20] =	vst v1  }
0x145: {  	v1 =	vmul.f32 v12, v7;
	[tilespmem:s18+$0x10] =	vst v4  }
0x146: {  	v3 =	vmul.f32 v6, v13;
	[tilespmem:s18+$0x0] =	vst v2  }
.Ltmp3:
0x147: {  	v0 =	vmul.f32 v0, v5;
	[tilespmem:s18+$0xFFFFFFF0] =	vst v1;
	(pc) =	sbr.rel @p0 .LBB2_8-.Ltmp3, $4  }
0x148: {  	v1 =	vmul.f32 v9, v8;
	[tilespmem:s18+$0xFFFFFFE0] =	vst v3  }
0x149: {  	[tilespmem:s18+$0xFFFFFFD0] =	vst v0  }
0x14a: {  	s13 =	sshra.s32 s19, $0x2;
	[tilespmem:s18+$0xFFFFFFC0] =	vst v1  }
0x14b: {  	s19 =	sadd.s32 $0x40, s19;
	v0 =	vld [tilespmem:s13+$0x2DA0]  }
0x14c: {  	v1 =	vld [tilespmem:s13+$0x28A0];
	_ =	sdelay $0x4  }
0x14d: {  	v0 =	vadd.f32 v0, v1;
	_ =	sdelay $0x1  }
0x14e: {  	v1 =	vmul.f32 $2.000000030e-01, v0  }
0x14f: {  	vm0 =	vgt.f32 v0, $0.0e+00  }
0x150: {  	v0 =	vsel vm0, v0, v1  }
0x151: {  	v0 =	vmul.f32 $1.442695020e+00, v0;
	_ =	sdelay $0x1  }
0x152: {  	(erf) = vpow2.f32 v0;
	_ =	sdelay $0x8  }
0x153: {  	v0 =	vpop (erf)  }
0x154: {  	s18 =	sadd.s32 $0x80, s18;
	[tilespmem:s13+$0x2DA0] =	vst v0  }
0x155: {  	v58 =	vld [tilespmem:s18+$0x30]  }
0x156: {  	v2 =	vld [tilespmem:s18+$0x20]  }
0x157: {  	v3 =	vld [tilespmem:s18+$0x10]  }
0x158: {  	v4 =	vbroadcast v0, $0x7;
	v6 =	vbroadcast v0, $0x6;
	v5 =	vld [tilespmem:s18+$0x0]  }
0x159: {  	v8 =	vbroadcast v0, $0x5;
	v59 =	vbroadcast v0, $0x4;
	v7 =	vld [tilespmem:s18+$0xFFFFFFF0]  }
0x15a: {  	v60 =	vbroadcast v0, $0x3;
	v11 =	vld [tilespmem:s18+$0xFFFFFFC0];
	v1 =	vmul.f32 v58, v4  }
0x15b: {  	v61 =	vbroadcast v0, $0x2;
	v9 =	vld [tilespmem:s18+$0xFFFFFFE0];
	v2 =	vmul.f32 v2, v6  }
0x15c: {  	v62 =	vbroadcast v0, $0x1;
	v10 =	vld [tilespmem:s18+$0xFFFFFFD0];
	v3 =	vmul.f32 v3, v8;
	[tilespmem:s18+$0x30] =	vst v1  }
0x15d: {  	v0 =	vbroadcast v0, $0x0;
	v4 =	vmul.f32 v5, v59;
	[tilespmem:s18+$0x20] =	vst v2  }
0x15e: {  	v63 =	vmul.f32 v7, v60;
	[tilespmem:s18+$0x10] =	vst v3  }
0x15f: {  	v0 =	vmul.f32 v0, v11;
	[tilespmem:s18+$0x0] =	vst v4  }
0x160: {  	v1 =	vmul.f32 v61, v9;
	[tilespmem:s18+$0xFFFFFFF0] =	vst v63  }
0x161: {  	v2 =	vmul.f32 v62, v10;
	[tilespmem:s18+$0xFFFFFFC0] =	vst v0  }
0x162: {  	[tilespmem:s18+$0xFFFFFFE0] =	vst v1  }
0x163: {  	[tilespmem:s18+$0xFFFFFFD0] =	vst v2  }
0x164: {  	[spmem:s2] =	stream.indirect.scatter.add.f32 [tilespmem:s24], [sflag:$0x3], $0x80, s23, s23, $0xb8;
	[tilespmem:$0x1CD40] =	vst v63  }
0x165: {  	_ = 	snop  }
0x166: {  	[spmem:s4] =	stream.indirect.scatter.add.f32 [tilespmem:s26], [sflag:$0x3], $0x10, s23, s23, $0xb8;
	[tilespmem:$0x1CD40] =	vst v63  }
0x167: {  	_ =	swait.ge [sflag:s11], $0x2800  }
0x168: {  	[sflag:s11] =	ssyncset.done $0x0  }
0x169: {  	[sflag:s11] =	ssyncadd.s32 $0xFFFFD800  }
0x16a: {  	_ =	swait.ge [sflag:s11], $0x500  }
0x16b: {  	[sflag:s11] =	ssyncset.done $0x0  }
0x16c: {  	[sflag:s11] =	ssyncadd.s32 $0xFFFFFB00  }
0x16d: {  	[bflag:$0x0] =	sbarrier.arrive $0xFFFF  }
0x16e: {  	s19 =	rddreg [dreg:$0xa]  }
0x16f: {  	s18 =	rddreg [dreg:$0xd]  }
0x170: {  	[hbm:s19], [sflag:s12] =	dma.local [spmem:s18], $0x2800  }
0x171: {  	_ =	swait.ge [sflag:s22], $0x2800  }
0x172: {  	[sflag:s22] =	ssyncset.done $0x0  }
0x173: {  	s20 =	rddreg [dreg:$0xb];
	[sflag:s22] =	ssyncadd.s32 $0xFFFFD800  }
0x174: {  	[hbm:s20], [sflag:s12] =	dma.local [spmem:s15], $0x500  }
0x175: {  	_ =	swait.ge [sflag:s22], $0x500  }
0x176: {  	s14 =	sadd.s32 $0x1, s14;
	s21 =	rddreg [dreg:$0xc]  }
0x177: {  	p0 =	sne.s32 s14, s21  }
.Ltmp4:
0x178: {  	_ = 	snop;
	(pc) =	sbr.rel @p0 .LBB2_1-.Ltmp4, $3  }
0x179: {  	_ =	sdelay $0x1  }
0x17a: {  	[sflag:s22] =	ssyncset.done $0x0  }
0x17b: {  	[sflag:s22] =	ssyncadd.s32 $0xFFFFFB00  }
0x17c: {  	_ =	sfence.sel $0x180000  }
0x17d: {  	[bflag:$0x0] =	sbarrier.arrive $0xFFFF  }
0x17e: {  	_ =	strace $0x90000047  }
0x17f: {  	s0 =	stileid.u32;
	[bflag:$0x2] =	sbarrier.arrive $0xFFFF  }
0x180: {  	p0 =	sne.s32 s0, $0x0;
	s0 =	rddreg [dreg:$0x4]  }
0x181: {  	s0 =	sadd.s32 @!p0 $0x100000, s0  }
0x182: {  	[sflag:s0] =	ssyncadd.tile.s32 @!p0 $0x1;
	_ =	shalt  }
.Lfunc_end2:
_tile_overlayer_lowered:
.L_overlay_start_2:
0x183: {  	(tag) =	ssettag $0x2  }
0x184: {  	s0 =	rddreg [dreg:$0x0];
	s2 =	stileid.u32  }
0x185: {  	s1 =	rddreg [dreg:$0x1];
	p0 =	sne.s32 s2, $0x0  }
0x186: {  	s3 =	rddreg [dreg:$0x2];
	[bflag:$0x3] =	sbarrier.arrive $0xFFFF;
	s2 =	simm.s32 @!p0 $0x1C05  }
0x187: {  	[timem:s3], [sflag:s2] =	dma.local @!p0 [hbm:s0], s1  }
0x188: {  	s0 =	simm.s32 @!p0 $0x5  }
0x189: {  	_ =	swait.ge @!p0 [sflag:s0], s1  }
0x18a: {  	s1 =	ssub.s32 @!p0 $0x0, s1;
	[sflag:s0] =	ssyncset.done @!p0 $0x0  }
0x18b: {  	[sflag:s0] =	ssyncadd.s32 @!p0 s1  }
0x18c: {  	[bflag:$0x3] =	sbarrier.arrive $0xFFFF  }
0x18d: {  	_ =	shalt  }

</sc_bundles>
